<compile_context>
chip_gen: v7x
topology: tpu7x:2x2x1
jax: 0.10.2.dev20260603
libtpu: 0.0.44.dev20260713+nightly
codegen_flags: <defaults>
</compile_context>

<pallas_src>
import functools

import jax
import jax.numpy as jnp
from jax import lax
from jax.experimental import pallas as pl
from jax.experimental.pallas import tpu as pltpu
from jax.experimental.pallas import tpu_sc as plsc

DIM = 64
PAD_DIM = 128
NC = 2
NS = 16
NW = NC * NS
SB = 256
SPAN = 2 * SB


def _emb_body(table_hbm, xt_hbm, out_hbm,
              ix0, ix1, a0, a1, b0, b1,
              gsem0, gsem1, osem0, osem1, isem0, isem1):
    wid = lax.axis_index("s") * NC + lax.axis_index("c")
    T = xt_hbm.shape[0]
    n_items = 2 * T
    s_base = wid * SPAN

    ix_v = (ix0, ix1)
    a_v = (a0, a1)
    b_v = (b0, b1)
    gsem = (gsem0, gsem1)
    osem = (osem0, osem1)
    isem = (isem0, isem1)

    iota16 = lax.iota(jnp.int32, 16)
    rows16 = [iota16 + 16 * sg for sg in range(SB // 16)]
    skew16 = [lax.rem(iota16 + kk, 16) for kk in range(16)]

    def idx_slice(par, h):
        return ix_v[par].at[pl.ds(h * SB, SB)]

    def out_slice(t_val, h):
        return out_hbm.at[t_val, :, pl.ds(s_base + h * SB, SB)]

    def fire_idx(t_val, par):
        pltpu.async_copy(xt_hbm.at[t_val, pl.ds(s_base, SPAN)], ix_v[par],
                         isem[par])

    def fire_gather(t_val, par, h, slot):
        if h == 0:
            pltpu.make_async_copy(xt_hbm.at[t_val, pl.ds(s_base, SPAN)],
                                  ix_v[par], isem[par]).wait()
        pltpu.async_copy(table_hbm.at[idx_slice(par, h)], a_v[slot],
                         gsem[slot])

    def wait_gather(par, h, slot):
        pltpu.make_async_copy(table_hbm.at[idx_slice(par, h)], a_v[slot],
                              gsem[slot]).wait()

    def transpose(slot):
        a_ref, b_ref = a_v[slot], b_v[slot]

        @plsc.parallel_loop(0, (DIM // 16) * (SB // 16), unroll=2)
        def per_block(bid):
            d0 = (bid & (DIM // 16 - 1)) * 16
            s0 = (bid >> 2) * 16
            rows = iota16 + s0
            for kk in range(16):
                drow = d0 + skew16[kk]
                v = plsc.load_gather(a_ref, [rows, drow])
                plsc.store_scatter(b_ref, [drow, rows], v)

    fire_idx(0, 0)
    fire_gather(0, 0, 0, 0)

    def outer(j, carry):
        for p in range(4):
            item = 4 * j + p
            t_val = 2 * j + p // 2
            par, h, slot = (p // 2) % 2, p % 2, p % 2
            npar, nh, nslot = ((p + 1) // 2) % 2, (p + 1) % 2, (p + 1) % 2
            nt_val = 2 * j + (p + 1) // 2

            @pl.when(item + 1 < n_items)
            def _fire_next():
                @pl.when(item >= 1)
                def _drain_prev_write():
                    pt_val = 2 * j + (p - 1) // 2
                    pltpu.make_async_copy(
                        b_v[nslot], out_slice(pt_val, (p - 1) % 2),
                        osem[nslot]).wait()
                fire_gather(nt_val, npar, nh, nslot)

            if p == 0:
                fire_idx(2 * j + 1, 1)
            elif p == 2:
                @pl.when(2 * j + 2 < T)
                def _prefetch_next_pair():
                    fire_idx(2 * j + 2, 0)

            wait_gather(par, h, slot)
            transpose(slot)
            pltpu.async_copy(b_v[slot], out_slice(t_val, h), osem[slot])
        return carry

    lax.fori_loop(0, n_items // 4, outer, 0)

    pltpu.make_async_copy(b_v[0], out_slice(T - 1, 0), osem[0]).wait()
    pltpu.make_async_copy(b_v[1], out_slice(T - 1, 1), osem[1]).wait()


@jax.jit
def kernel(X, table):
    S, T = X.shape
    xt = X.T.astype(jnp.int32)
    table_p = jnp.pad(table, ((0, 0), (0, PAD_DIM - DIM)))
    mesh = plsc.VectorSubcoreMesh(core_axis_name="c", subcore_axis_name="s")
    k = functools.partial(
        pl.kernel,
        mesh=mesh,
        out_type=jax.ShapeDtypeStruct((T, DIM, S), jnp.float32),
        scratch_types=[
            pltpu.VMEM((SPAN,), jnp.int32),
            pltpu.VMEM((SPAN,), jnp.int32),
            pltpu.VMEM((SB, PAD_DIM), jnp.float32),
            pltpu.VMEM((SB, PAD_DIM), jnp.float32),
            pltpu.VMEM((DIM, SB), jnp.float32),
            pltpu.VMEM((DIM, SB), jnp.float32),
            pltpu.SemaphoreType.DMA,
            pltpu.SemaphoreType.DMA,
            pltpu.SemaphoreType.DMA,
            pltpu.SemaphoreType.DMA,
            pltpu.SemaphoreType.DMA,
            pltpu.SemaphoreType.DMA,
        ],
        compiler_params=pltpu.CompilerParams(
            use_tc_tiling_on_sc=True, needs_layout_passes=False),
    )(_emb_body)
    out_t = k(table_p, xt)
    return jnp.transpose(out_t, (2, 0, 1))

# --- scband reference (transcript-rebuilt; emitter-appended) ---
"""Pipeline reference for scband-embedding-41652592837232 (READ-ONLY COPY).

The authoritative reference and input builder live on the scoring server;
editing this copy changes nothing except your own understanding.
"""

import jax, jax.numpy as jnp
import numpy as np

VOCAB_SIZE = 100000
EMBEDDING_DIM = 64

def setup_inputs(seed: int = 0) -> dict:
    key = jax.random.key(seed)
    k_idx, k_tab = jax.random.split(key)
    X = jax.random.randint(k_idx, (16384, 200), 0, VOCAB_SIZE, dtype=jnp.int64 if jax.config.jax_enable_x64 else jnp.int32)
    # nn.Embedding default init: N(0, 1)
    table = jax.random.normal(k_tab, (VOCAB_SIZE, EMBEDDING_DIM), dtype=jnp.float32)
    return {"X": X, "table": table}

def reference(X, table):
    # Faithful translation of nn.Embedding forward: row gather from the table.
    return jnp.take(table, X, axis=0)

if __name__ == "__main__":
    import jax
    _d = setup_inputs()
    print(jax.jit(kernel)(*tuple(_d.values())))

</pallas_src>

<mosaic_0001>
#map = affine_map<(d0, d1) -> (0, 0)>
#map1 = affine_map<(d0, d1) -> (0, 0, 0)>
module attributes {stable_mosaic.version = 14 : i64} {
  func.func @_emb_body(%arg0: i32, %arg1: i32, %arg2: memref<100000x128xf32, #tpu.memory_space<hbm>>, %arg3: memref<200x16384xi32, #tpu.memory_space<hbm>>, %arg4: memref<200x64x16384xf32, #tpu.memory_space<hbm>>, %arg5: memref<512xi32, #tpu.memory_space<vmem>>, %arg6: memref<512xi32, #tpu.memory_space<vmem>>, %arg7: memref<256x128xf32, #tpu.memory_space<vmem>>, %arg8: memref<256x128xf32, #tpu.memory_space<vmem>>, %arg9: memref<64x256xf32, #tpu.memory_space<vmem>>, %arg10: memref<64x256xf32, #tpu.memory_space<vmem>>, %arg11: memref<!tpu.dma_semaphore, #tpu.memory_space<semaphore_mem>>, %arg12: memref<!tpu.dma_semaphore, #tpu.memory_space<semaphore_mem>>, %arg13: memref<!tpu.dma_semaphore, #tpu.memory_space<semaphore_mem>>, %arg14: memref<!tpu.dma_semaphore, #tpu.memory_space<semaphore_mem>>, %arg15: memref<!tpu.dma_semaphore, #tpu.memory_space<semaphore_mem>>, %arg16: memref<!tpu.dma_semaphore, #tpu.memory_space<semaphore_mem>>) attributes {dimension_semantics = [#tpu.dimension_semantics<core_parallel>, #tpu.dimension_semantics<subcore_parallel>], iteration_bounds = array<i64: 2, 16>, scalar_prefetch = 0 : i64, scratch_operands = 12 : i64, tpu.core_type = #tpu.core_type<sc_vector_subcore>, window_params = [{transform_indices = #map}, {transform_indices = #map}, {transform_indices = #map1}]} {
    %mul3A = arith.constant 2 : i32
    %mul3A_0 = arith.muli %arg1, %mul3A : i32
    %add3A = arith.addi %mul3A_0, %arg0 : i32
    %mul3A_1 = arith.constant 512 : i32
    %mul3A_2 = arith.muli %add3A, %mul3A_1 : i32
    %iota3A = tpu.iota {dimensions = array<i32: 0>} : vector<16xi32>
    %add3A_3 = arith.constant 0 : i32
    %add3A_4 = vector.broadcast %add3A_3 : i32 to vector<16xi32>
    %add3A_5 = arith.addi %iota3A, %add3A_4 : vector<16xi32>
    %add3A_6 = arith.constant 16 : i32
    %add3A_7 = vector.broadcast %add3A_6 : i32 to vector<16xi32>
    %add3A_8 = arith.addi %iota3A, %add3A_7 : vector<16xi32>
    %add3A_9 = arith.constant 32 : i32
    %add3A_10 = vector.broadcast %add3A_9 : i32 to vector<16xi32>
    %add3A_11 = arith.addi %iota3A, %add3A_10 : vector<16xi32>
    %add3A_12 = arith.constant 48 : i32
    %add3A_13 = vector.broadcast %add3A_12 : i32 to vector<16xi32>
    %add3A_14 = arith.addi %iota3A, %add3A_13 : vector<16xi32>
    %add3A_15 = arith.constant 64 : i32
    %add3A_16 = vector.broadcast %add3A_15 : i32 to vector<16xi32>
    %add3A_17 = arith.addi %iota3A, %add3A_16 : vector<16xi32>
    %add3A_18 = arith.constant 80 : i32
    %add3A_19 = vector.broadcast %add3A_18 : i32 to vector<16xi32>
    %add3A_20 = arith.addi %iota3A, %add3A_19 : vector<16xi32>
    %add3A_21 = arith.constant 96 : i32
    %add3A_22 = vector.broadcast %add3A_21 : i32 to vector<16xi32>
    %add3A_23 = arith.addi %iota3A, %add3A_22 : vector<16xi32>
    %add3A_24 = arith.constant 112 : i32
    %add3A_25 = vector.broadcast %add3A_24 : i32 to vector<16xi32>
    %add3A_26 = arith.addi %iota3A, %add3A_25 : vector<16xi32>
    %add3A_27 = arith.constant 128 : i32
    %add3A_28 = vector.broadcast %add3A_27 : i32 to vector<16xi32>
    %add3A_29 = arith.addi %iota3A, %add3A_28 : vector<16xi32>
    %add3A_30 = arith.constant 144 : i32
    %add3A_31 = vector.broadcast %add3A_30 : i32 to vector<16xi32>
    %add3A_32 = arith.addi %iota3A, %add3A_31 : vector<16xi32>
    %add3A_33 = arith.constant 160 : i32
    %add3A_34 = vector.broadcast %add3A_33 : i32 to vector<16xi32>
    %add3A_35 = arith.addi %iota3A, %add3A_34 : vector<16xi32>
    %add3A_36 = arith.constant 176 : i32
    %add3A_37 = vector.broadcast %add3A_36 : i32 to vector<16xi32>
    %add3A_38 = arith.addi %iota3A, %add3A_37 : vector<16xi32>
    %add3A_39 = arith.constant 192 : i32
    %add3A_40 = vector.broadcast %add3A_39 : i32 to vector<16xi32>
    %add3A_41 = arith.addi %iota3A, %add3A_40 : vector<16xi32>
    %add3A_42 = arith.constant 208 : i32
    %add3A_43 = vector.broadcast %add3A_42 : i32 to vector<16xi32>
    %add3A_44 = arith.addi %iota3A, %add3A_43 : vector<16xi32>
    %add3A_45 = arith.constant 224 : i32
    %add3A_46 = vector.broadcast %add3A_45 : i32 to vector<16xi32>
    %add3A_47 = arith.addi %iota3A, %add3A_46 : vector<16xi32>
    %add3A_48 = arith.constant 240 : i32
    %add3A_49 = vector.broadcast %add3A_48 : i32 to vector<16xi32>
    %add3A_50 = arith.addi %iota3A, %add3A_49 : vector<16xi32>
    %add3A_51 = arith.constant 0 : i32
    %add3A_52 = vector.broadcast %add3A_51 : i32 to vector<16xi32>
    %add3A_53 = arith.addi %iota3A, %add3A_52 : vector<16xi32>
    %rem3A = arith.constant 16 : i32
    %rem3A_54 = vector.broadcast %rem3A : i32 to vector<16xi32>
    %rem3A_55 = arith.remsi %add3A_53, %rem3A_54 : vector<16xi32>
    %add3A_56 = arith.constant 1 : i32
    %add3A_57 = vector.broadcast %add3A_56 : i32 to vector<16xi32>
    %add3A_58 = arith.addi %iota3A, %add3A_57 : vector<16xi32>
    %rem3A_59 = arith.constant 16 : i32
    %rem3A_60 = vector.broadcast %rem3A_59 : i32 to vector<16xi32>
    %rem3A_61 = arith.remsi %add3A_58, %rem3A_60 : vector<16xi32>
    %add3A_62 = arith.constant 2 : i32
    %add3A_63 = vector.broadcast %add3A_62 : i32 to vector<16xi32>
    %add3A_64 = arith.addi %iota3A, %add3A_63 : vector<16xi32>
    %rem3A_65 = arith.constant 16 : i32
    %rem3A_66 = vector.broadcast %rem3A_65 : i32 to vector<16xi32>
    %rem3A_67 = arith.remsi %add3A_64, %rem3A_66 : vector<16xi32>
    %add3A_68 = arith.constant 3 : i32
    %add3A_69 = vector.broadcast %add3A_68 : i32 to vector<16xi32>
    %add3A_70 = arith.addi %iota3A, %add3A_69 : vector<16xi32>
    %rem3A_71 = arith.constant 16 : i32
    %rem3A_72 = vector.broadcast %rem3A_71 : i32 to vector<16xi32>
    %rem3A_73 = arith.remsi %add3A_70, %rem3A_72 : vector<16xi32>
    %add3A_74 = arith.constant 4 : i32
    %add3A_75 = vector.broadcast %add3A_74 : i32 to vector<16xi32>
    %add3A_76 = arith.addi %iota3A, %add3A_75 : vector<16xi32>
    %rem3A_77 = arith.constant 16 : i32
    %rem3A_78 = vector.broadcast %rem3A_77 : i32 to vector<16xi32>
    %rem3A_79 = arith.remsi %add3A_76, %rem3A_78 : vector<16xi32>
    %add3A_80 = arith.constant 5 : i32
    %add3A_81 = vector.broadcast %add3A_80 : i32 to vector<16xi32>
    %add3A_82 = arith.addi %iota3A, %add3A_81 : vector<16xi32>
    %rem3A_83 = arith.constant 16 : i32
    %rem3A_84 = vector.broadcast %rem3A_83 : i32 to vector<16xi32>
    %rem3A_85 = arith.remsi %add3A_82, %rem3A_84 : vector<16xi32>
    %add3A_86 = arith.constant 6 : i32
    %add3A_87 = vector.broadcast %add3A_86 : i32 to vector<16xi32>
    %add3A_88 = arith.addi %iota3A, %add3A_87 : vector<16xi32>
    %rem3A_89 = arith.constant 16 : i32
    %rem3A_90 = vector.broadcast %rem3A_89 : i32 to vector<16xi32>
    %rem3A_91 = arith.remsi %add3A_88, %rem3A_90 : vector<16xi32>
    %add3A_92 = arith.constant 7 : i32
    %add3A_93 = vector.broadcast %add3A_92 : i32 to vector<16xi32>
    %add3A_94 = arith.addi %iota3A, %add3A_93 : vector<16xi32>
    %rem3A_95 = arith.constant 16 : i32
    %rem3A_96 = vector.broadcast %rem3A_95 : i32 to vector<16xi32>
    %rem3A_97 = arith.remsi %add3A_94, %rem3A_96 : vector<16xi32>
    %add3A_98 = arith.constant 8 : i32
    %add3A_99 = vector.broadcast %add3A_98 : i32 to vector<16xi32>
    %add3A_100 = arith.addi %iota3A, %add3A_99 : vector<16xi32>
    %rem3A_101 = arith.constant 16 : i32
    %rem3A_102 = vector.broadcast %rem3A_101 : i32 to vector<16xi32>
    %rem3A_103 = arith.remsi %add3A_100, %rem3A_102 : vector<16xi32>
    %add3A_104 = arith.constant 9 : i32
    %add3A_105 = vector.broadcast %add3A_104 : i32 to vector<16xi32>
    %add3A_106 = arith.addi %iota3A, %add3A_105 : vector<16xi32>
    %rem3A_107 = arith.constant 16 : i32
    %rem3A_108 = vector.broadcast %rem3A_107 : i32 to vector<16xi32>
    %rem3A_109 = arith.remsi %add3A_106, %rem3A_108 : vector<16xi32>
    %add3A_110 = arith.constant 10 : i32
    %add3A_111 = vector.broadcast %add3A_110 : i32 to vector<16xi32>
    %add3A_112 = arith.addi %iota3A, %add3A_111 : vector<16xi32>
    %rem3A_113 = arith.constant 16 : i32
    %rem3A_114 = vector.broadcast %rem3A_113 : i32 to vector<16xi32>
    %rem3A_115 = arith.remsi %add3A_112, %rem3A_114 : vector<16xi32>
    %add3A_116 = arith.constant 11 : i32
    %add3A_117 = vector.broadcast %add3A_116 : i32 to vector<16xi32>
    %add3A_118 = arith.addi %iota3A, %add3A_117 : vector<16xi32>
    %rem3A_119 = arith.constant 16 : i32
    %rem3A_120 = vector.broadcast %rem3A_119 : i32 to vector<16xi32>
    %rem3A_121 = arith.remsi %add3A_118, %rem3A_120 : vector<16xi32>
    %add3A_122 = arith.constant 12 : i32
    %add3A_123 = vector.broadcast %add3A_122 : i32 to vector<16xi32>
    %add3A_124 = arith.addi %iota3A, %add3A_123 : vector<16xi32>
    %rem3A_125 = arith.constant 16 : i32
    %rem3A_126 = vector.broadcast %rem3A_125 : i32 to vector<16xi32>
    %rem3A_127 = arith.remsi %add3A_124, %rem3A_126 : vector<16xi32>
    %add3A_128 = arith.constant 13 : i32
    %add3A_129 = vector.broadcast %add3A_128 : i32 to vector<16xi32>
    %add3A_130 = arith.addi %iota3A, %add3A_129 : vector<16xi32>
    %rem3A_131 = arith.constant 16 : i32
    %rem3A_132 = vector.broadcast %rem3A_131 : i32 to vector<16xi32>
    %rem3A_133 = arith.remsi %add3A_130, %rem3A_132 : vector<16xi32>
    %add3A_134 = arith.constant 14 : i32
    %add3A_135 = vector.broadcast %add3A_134 : i32 to vector<16xi32>
    %add3A_136 = arith.addi %iota3A, %add3A_135 : vector<16xi32>
    %rem3A_137 = arith.constant 16 : i32
    %rem3A_138 = vector.broadcast %rem3A_137 : i32 to vector<16xi32>
    %rem3A_139 = arith.remsi %add3A_136, %rem3A_138 : vector<16xi32>
    %add3A_140 = arith.constant 15 : i32
    %add3A_141 = vector.broadcast %add3A_140 : i32 to vector<16xi32>
    %add3A_142 = arith.addi %iota3A, %add3A_141 : vector<16xi32>
    %rem3A_143 = arith.constant 16 : i32
    %rem3A_144 = vector.broadcast %rem3A_143 : i32 to vector<16xi32>
    %rem3A_145 = arith.remsi %add3A_142, %rem3A_144 : vector<16xi32>
    %dma_start3A = arith.constant 0 : i32
    %dma_start3A_146 = tpu.memref_slice %arg3[%dma_start3A, %mul3A_2] : memref<200x16384xi32, #tpu.memory_space<hbm>> -> memref<1x512xi32, #tpu.memory_space<hbm>>
    %dma_start3A_147 = tpu.memref_squeeze %dma_start3A_146 : memref<1x512xi32, #tpu.memory_space<hbm>> -> memref<512xi32, #tpu.memory_space<hbm>>
    %dma_start3A_148 = tpu.memref_slice %arg3[%dma_start3A, %mul3A_2] : memref<200x16384xi32, #tpu.memory_space<hbm>> -> memref<1x512xi32, #tpu.memory_space<hbm>>
    %dma_start3A_149 = tpu.memref_squeeze %dma_start3A_148 : memref<1x512xi32, #tpu.memory_space<hbm>> -> memref<512xi32, #tpu.memory_space<hbm>>
    tpu.enqueue_dma source(%dma_start3A_149 : memref<512xi32, #tpu.memory_space<hbm>>) target(%arg5 : memref<512xi32, #tpu.memory_space<vmem>>) target_semaphore(%arg15 : memref<!tpu.dma_semaphore, #tpu.memory_space<semaphore_mem>>)
    %dma_wait3A = arith.constant 0 : i32
    %dma_wait3A_150 = tpu.memref_slice %arg3[%dma_wait3A, %mul3A_2] : memref<200x16384xi32, #tpu.memory_space<hbm>> -> memref<1x512xi32, #tpu.memory_space<hbm>>
    %dma_wait3A_151 = tpu.memref_squeeze %dma_wait3A_150 : memref<1x512xi32, #tpu.memory_space<hbm>> -> memref<512xi32, #tpu.memory_space<hbm>>
    %dma_wait3A_152 = tpu.memref_slice %arg3[%dma_wait3A, %mul3A_2] : memref<200x16384xi32, #tpu.memory_space<hbm>> -> memref<1x512xi32, #tpu.memory_space<hbm>>
    %dma_wait3A_153 = tpu.memref_squeeze %dma_wait3A_152 : memref<1x512xi32, #tpu.memory_space<hbm>> -> memref<512xi32, #tpu.memory_space<hbm>>
    tpu.wait_dma2 semaphore(%arg15 : memref<!tpu.dma_semaphore, #tpu.memory_space<semaphore_mem>>) src(%dma_wait3A_153 : memref<512xi32, #tpu.memory_space<hbm>>) dst(%arg5 : memref<512xi32, #tpu.memory_space<vmem>>)
    %dma_start3A_154 = arith.constant 0 : i32
    %dma_start3A_155 = tpu.memref_slice %arg5[%dma_start3A_154] : memref<512xi32, #tpu.memory_space<vmem>> -> memref<256xi32, #tpu.memory_space<vmem>>
    %dma_start3A_156 = arith.constant 0 : i32
    %dma_start3A_157 = arith.constant 0 : i32
    %dma_start3A_158 = tpu.memref_slice %arg2[%dma_start3A_156, %dma_start3A_157] : memref<100000x128xf32, #tpu.memory_space<hbm>> -> memref<100000x128xf32, #tpu.memory_space<hbm>>
    tpu.enqueue_indirect_dma source(%dma_start3A_158 : memref<100000x128xf32, #tpu.memory_space<hbm>>) target(%arg7 : memref<256x128xf32, #tpu.memory_space<vmem>>) offsets(%dma_start3A_155 : memref<256xi32, #tpu.memory_space<vmem>>) semaphore(%arg11 : memref<!tpu.dma_semaphore, #tpu.memory_space<semaphore_mem>>)
    %scan3A = arith.constant 0 : i32
    %scan3A_159 = arith.constant 0 : i32
    %scan3A_160 = arith.constant 100 : i32
    %scan3A_161 = arith.addi %scan3A_159, %scan3A_160 : i32
    %scan3A_162 = arith.constant 1 : i32
    scf.for %scan3A_182 = %scan3A_159 to %scan3A_161 step %scan3A_162  : i32 {
      %mul3A_183 = arith.constant 4 : i32
      %mul3A_184 = arith.muli %mul3A_183, %scan3A_182 : i32
      %add3A_185 = arith.constant 0 : i32
      %add3A_186 = arith.addi %mul3A_184, %add3A_185 : i32
      %mul3A_187 = arith.constant 2 : i32
      %mul3A_188 = arith.muli %mul3A_187, %scan3A_182 : i32
      %add3A_189 = arith.constant 0 : i32
      %add3A_190 = arith.addi %mul3A_188, %add3A_189 : i32
      %mul3A_191 = arith.constant 2 : i32
      %mul3A_192 = arith.muli %mul3A_191, %scan3A_182 : i32
      %add3A_193 = arith.constant 0 : i32
      %add3A_194 = arith.addi %mul3A_192, %add3A_193 : i32
      %add3A_195 = arith.constant 1 : i32
      %add3A_196 = arith.addi %add3A_186, %add3A_195 : i32
      %lt3A = arith.constant 400 : i32
      %lt3A_197 = arith.cmpi slt, %add3A_196, %lt3A : i32
      %convert_element_type3A = arith.extui %lt3A_197 : i1 to i32
      %cond3A = arith.constant 0 : i32
      %cond3A_198 = arith.cmpi ne, %convert_element_type3A, %cond3A : i32
      scf.if %cond3A_198 {
        %ge3A = arith.constant 1 : i32
        %ge3A_336 = arith.cmpi sge, %add3A_186, %ge3A : i32
        %convert_element_type3A_337 = arith.extui %ge3A_336 : i1 to i32
        %cond3A_338 = arith.constant 0 : i32
        %cond3A_339 = arith.cmpi ne, %convert_element_type3A_337, %cond3A_338 : i32
        scf.if %cond3A_339 {
          %mul3A_345 = arith.constant 2 : i32
          %mul3A_346 = arith.muli %mul3A_345, %scan3A_182 : i32
          %add3A_347 = arith.constant -1 : i32
          %add3A_348 = arith.addi %mul3A_346, %add3A_347 : i32
          %add3A_349 = arith.constant 256 : i32
          %add3A_350 = arith.addi %mul3A_2, %add3A_349 : i32
          %dma_wait3A_351 = arith.constant 0 : i32
          %dma_wait3A_352 = tpu.memref_slice %arg4[%add3A_348, %dma_wait3A_351, %add3A_350] : memref<200x64x16384xf32, #tpu.memory_space<hbm>> -> memref<1x64x256xf32, #tpu.memory_space<hbm>>
          %dma_wait3A_353 = tpu.memref_squeeze %dma_wait3A_352 : memref<1x64x256xf32, #tpu.memory_space<hbm>> -> memref<64x256xf32, #tpu.memory_space<hbm>>
          %dma_wait3A_354 = arith.constant 0 : i32
          %dma_wait3A_355 = tpu.memref_slice %arg4[%add3A_348, %dma_wait3A_354, %add3A_350] : memref<200x64x16384xf32, #tpu.memory_space<hbm>> -> memref<1x64x256xf32, #tpu.memory_space<hbm>>
          %dma_wait3A_356 = tpu.memref_squeeze %dma_wait3A_355 : memref<1x64x256xf32, #tpu.memory_space<hbm>> -> memref<64x256xf32, #tpu.memory_space<hbm>>
          tpu.wait_dma2 semaphore(%arg14 : memref<!tpu.dma_semaphore, #tpu.memory_space<semaphore_mem>>) src(%arg10 : memref<64x256xf32, #tpu.memory_space<vmem>>) dst(%dma_wait3A_356 : memref<64x256xf32, #tpu.memory_space<hbm>>)
        } else {
        }
        %dma_start3A_340 = arith.constant 256 : i32
        %dma_start3A_341 = tpu.memref_slice %arg5[%dma_start3A_340] : memref<512xi32, #tpu.memory_space<vmem>> -> memref<256xi32, #tpu.memory_space<vmem>>
        %dma_start3A_342 = arith.constant 0 : i32
        %dma_start3A_343 = arith.constant 0 : i32
        %dma_start3A_344 = tpu.memref_slice %arg2[%dma_start3A_342, %dma_start3A_343] : memref<100000x128xf32, #tpu.memory_space<hbm>> -> memref<100000x128xf32, #tpu.memory_space<hbm>>
        tpu.enqueue_indirect_dma source(%dma_start3A_344 : memref<100000x128xf32, #tpu.memory_space<hbm>>) target(%arg8 : memref<256x128xf32, #tpu.memory_space<vmem>>) offsets(%dma_start3A_341 : memref<256xi32, #tpu.memory_space<vmem>>) semaphore(%arg12 : memref<!tpu.dma_semaphore, #tpu.memory_space<semaphore_mem>>)
      } else {
      }
      %mul3A_199 = arith.constant 2 : i32
      %mul3A_200 = arith.muli %mul3A_199, %scan3A_182 : i32
      %add3A_201 = arith.constant 1 : i32
      %add3A_202 = arith.addi %mul3A_200, %add3A_201 : i32
      %dma_start3A_203 = tpu.memref_slice %arg3[%add3A_202, %mul3A_2] : memref<200x16384xi32, #tpu.memory_space<hbm>> -> memref<1x512xi32, #tpu.memory_space<hbm>>
      %dma_start3A_204 = tpu.memref_squeeze %dma_start3A_203 : memref<1x512xi32, #tpu.memory_space<hbm>> -> memref<512xi32, #tpu.memory_space<hbm>>
      %dma_start3A_205 = tpu.memref_slice %arg3[%add3A_202, %mul3A_2] : memref<200x16384xi32, #tpu.memory_space<hbm>> -> memref<1x512xi32, #tpu.memory_space<hbm>>
      %dma_start3A_206 = tpu.memref_squeeze %dma_start3A_205 : memref<1x512xi32, #tpu.memory_space<hbm>> -> memref<512xi32, #tpu.memory_space<hbm>>
      tpu.enqueue_dma source(%dma_start3A_206 : memref<512xi32, #tpu.memory_space<hbm>>) target(%arg6 : memref<512xi32, #tpu.memory_space<vmem>>) target_semaphore(%arg16 : memref<!tpu.dma_semaphore, #tpu.memory_space<semaphore_mem>>)
      %dma_wait3A_207 = arith.constant 0 : i32
      %dma_wait3A_208 = tpu.memref_slice %arg5[%dma_wait3A_207] : memref<512xi32, #tpu.memory_space<vmem>> -> memref<256xi32, #tpu.memory_space<vmem>>
      %dma_wait3A_209 = arith.constant 0 : i32
      %dma_wait3A_210 = arith.constant 0 : i32
      %dma_wait3A_211 = tpu.memref_slice %arg2[%dma_wait3A_209, %dma_wait3A_210] : memref<100000x128xf32, #tpu.memory_space<hbm>> -> memref<100000x128xf32, #tpu.memory_space<hbm>>
      tpu.wait_indirect_dma semaphore(%arg11 : memref<!tpu.dma_semaphore, #tpu.memory_space<semaphore_mem>>) src(%dma_wait3A_211 : memref<100000x128xf32, #tpu.memory_space<hbm>>) dst(%arg7 : memref<256x128xf32, #tpu.memory_space<vmem>>)
      %parallel_loop3A = arith.constant 0 : i32
      %parallel_loop3A_212 = arith.constant 64 : i32
      %parallel_loop3A_213 = arith.constant 1 : i32
      scf.for %parallel_loop3A_336 = %parallel_loop3A to %parallel_loop3A_212 step %parallel_loop3A_213  : i32 {
        %parallel_loop3A_337 = arith.constant 3 : i32
        %parallel_loop3A_338 = arith.andi %parallel_loop3A_336, %parallel_loop3A_337 : i32
        %parallel_loop3A_339 = arith.constant 16 : i32
        %parallel_loop3A_340 = arith.muli %parallel_loop3A_338, %parallel_loop3A_339 : i32
        %parallel_loop3A_341 = arith.constant 2 : i32
        %parallel_loop3A_342 = arith.shrsi %parallel_loop3A_336, %parallel_loop3A_341 : i32
        %parallel_loop3A_343 = arith.constant 16 : i32
        %parallel_loop3A_344 = arith.muli %parallel_loop3A_342, %parallel_loop3A_343 : i32
        %parallel_loop3A_345 = vector.broadcast %parallel_loop3A_344 : i32 to vector<16xi32>
        %parallel_loop3A_346 = arith.addi %iota3A, %parallel_loop3A_345 : vector<16xi32>
        %parallel_loop3A_347 = vector.broadcast %parallel_loop3A_340 : i32 to vector<16xi32>
        %parallel_loop3A_348 = arith.addi %parallel_loop3A_347, %rem3A_55 : vector<16xi32>
        %parallel_loop3A_349 = tpu.vector_load_idx %arg7[%parallel_loop3A_346, %parallel_loop3A_348] : memref<256x128xf32, #tpu.memory_space<vmem>>[vector<16xi32>, vector<16xi32>], vector<16xf32>,
        tpu.vector_store_idx %arg9[%parallel_loop3A_348, %parallel_loop3A_346], %parallel_loop3A_349 : memref<64x256xf32, #tpu.memory_space<vmem>>[vector<16xi32>, vector<16xi32>], vector<16xf32>,
        %parallel_loop3A_350 = vector.broadcast %parallel_loop3A_340 : i32 to vector<16xi32>
        %parallel_loop3A_351 = arith.addi %parallel_loop3A_350, %rem3A_61 : vector<16xi32>
        %parallel_loop3A_352 = tpu.vector_load_idx %arg7[%parallel_loop3A_346, %parallel_loop3A_351] : memref<256x128xf32, #tpu.memory_space<vmem>>[vector<16xi32>, vector<16xi32>], vector<16xf32>,
        tpu.vector_store_idx %arg9[%parallel_loop3A_351, %parallel_loop3A_346], %parallel_loop3A_352 : memref<64x256xf32, #tpu.memory_space<vmem>>[vector<16xi32>, vector<16xi32>], vector<16xf32>,
        %parallel_loop3A_353 = vector.broadcast %parallel_loop3A_340 : i32 to vector<16xi32>
        %parallel_loop3A_354 = arith.addi %parallel_loop3A_353, %rem3A_67 : vector<16xi32>
        %parallel_loop3A_355 = tpu.vector_load_idx %arg7[%parallel_loop3A_346, %parallel_loop3A_354] : memref<256x128xf32, #tpu.memory_space<vmem>>[vector<16xi32>, vector<16xi32>], vector<16xf32>,
        tpu.vector_store_idx %arg9[%parallel_loop3A_354, %parallel_loop3A_346], %parallel_loop3A_355 : memref<64x256xf32, #tpu.memory_space<vmem>>[vector<16xi32>, vector<16xi32>], vector<16xf32>,
        %parallel_loop3A_356 = vector.broadcast %parallel_loop3A_340 : i32 to vector<16xi32>
        %parallel_loop3A_357 = arith.addi %parallel_loop3A_356, %rem3A_73 : vector<16xi32>
        %parallel_loop3A_358 = tpu.vector_load_idx %arg7[%parallel_loop3A_346, %parallel_loop3A_357] : memref<256x128xf32, #tpu.memory_space<vmem>>[vector<16xi32>, vector<16xi32>], vector<16xf32>,
        tpu.vector_store_idx %arg9[%parallel_loop3A_357, %parallel_loop3A_346], %parallel_loop3A_358 : memref<64x256xf32, #tpu.memory_space<vmem>>[vector<16xi32>, vector<16xi32>], vector<16xf32>,
        %parallel_loop3A_359 = vector.broadcast %parallel_loop3A_340 : i32 to vector<16xi32>
        %parallel_loop3A_360 = arith.addi %parallel_loop3A_359, %rem3A_79 : vector<16xi32>
        %parallel_loop3A_361 = tpu.vector_load_idx %arg7[%parallel_loop3A_346, %parallel_loop3A_360] : memref<256x128xf32, #tpu.memory_space<vmem>>[vector<16xi32>, vector<16xi32>], vector<16xf32>,
        tpu.vector_store_idx %arg9[%parallel_loop3A_360, %parallel_loop3A_346], %parallel_loop3A_361 : memref<64x256xf32, #tpu.memory_space<vmem>>[vector<16xi32>, vector<16xi32>], vector<16xf32>,
        %parallel_loop3A_362 = vector.broadcast %parallel_loop3A_340 : i32 to vector<16xi32>
        %parallel_loop3A_363 = arith.addi %parallel_loop3A_362, %rem3A_85 : vector<16xi32>
        %parallel_loop3A_364 = tpu.vector_load_idx %arg7[%parallel_loop3A_346, %parallel_loop3A_363] : memref<256x128xf32, #tpu.memory_space<vmem>>[vector<16xi32>, vector<16xi32>], vector<16xf32>,
        tpu.vector_store_idx %arg9[%parallel_loop3A_363, %parallel_loop3A_346], %parallel_loop3A_364 : memref<64x256xf32, #tpu.memory_space<vmem>>[vector<16xi32>, vector<16xi32>], vector<16xf32>,
        %parallel_loop3A_365 = vector.broadcast %parallel_loop3A_340 : i32 to vector<16xi32>
        %parallel_loop3A_366 = arith.addi %parallel_loop3A_365, %rem3A_91 : vector<16xi32>
        %parallel_loop3A_367 = tpu.vector_load_idx %arg7[%parallel_loop3A_346, %parallel_loop3A_366] : memref<256x128xf32, #tpu.memory_space<vmem>>[vector<16xi32>, vector<16xi32>], vector<16xf32>,
        tpu.vector_store_idx %arg9[%parallel_loop3A_366, %parallel_loop3A_346], %parallel_loop3A_367 : memref<64x256xf32, #tpu.memory_space<vmem>>[vector<16xi32>, vector<16xi32>], vector<16xf32>,
        %parallel_loop3A_368 = vector.broadcast %parallel_loop3A_340 : i32 to vector<16xi32>
        %parallel_loop3A_369 = arith.addi %parallel_loop3A_368, %rem3A_97 : vector<16xi32>
        %parallel_loop3A_370 = tpu.vector_load_idx %arg7[%parallel_loop3A_346, %parallel_loop3A_369] : memref<256x128xf32, #tpu.memory_space<vmem>>[vector<16xi32>, vector<16xi32>], vector<16xf32>,
        tpu.vector_store_idx %arg9[%parallel_loop3A_369, %parallel_loop3A_346], %parallel_loop3A_370 : memref<64x256xf32, #tpu.memory_space<vmem>>[vector<16xi32>, vector<16xi32>], vector<16xf32>,
        %parallel_loop3A_371 = vector.broadcast %parallel_loop3A_340 : i32 to vector<16xi32>
        %parallel_loop3A_372 = arith.addi %parallel_loop3A_371, %rem3A_103 : vector<16xi32>
        %parallel_loop3A_373 = tpu.vector_load_idx %arg7[%parallel_loop3A_346, %parallel_loop3A_372] : memref<256x128xf32, #tpu.memory_space<vmem>>[vector<16xi32>, vector<16xi32>], vector<16xf32>,
        tpu.vector_store_idx %arg9[%parallel_loop3A_372, %parallel_loop3A_346], %parallel_loop3A_373 : memref<64x256xf32, #tpu.memory_space<vmem>>[vector<16xi32>, vector<16xi32>], vector<16xf32>,
        %parallel_loop3A_374 = vector.broadcast %parallel_loop3A_340 : i32 to vector<16xi32>
        %parallel_loop3A_375 = arith.addi %parallel_loop3A_374, %rem3A_109 : vector<16xi32>
        %parallel_loop3A_376 = tpu.vector_load_idx %arg7[%parallel_loop3A_346, %parallel_loop3A_375] : memref<256x128xf32, #tpu.memory_space<vmem>>[vector<16xi32>, vector<16xi32>], vector<16xf32>,
        tpu.vector_store_idx %arg9[%parallel_loop3A_375, %parallel_loop3A_346], %parallel_loop3A_376 : memref<64x256xf32, #tpu.memory_space<vmem>>[vector<16xi32>, vector<16xi32>], vector<16xf32>,
        %parallel_loop3A_377 = vector.broadcast %parallel_loop3A_340 : i32 to vector<16xi32>
        %parallel_loop3A_378 = arith.addi %parallel_loop3A_377, %rem3A_115 : vector<16xi32>
        %parallel_loop3A_379 = tpu.vector_load_idx %arg7[%parallel_loop3A_346, %parallel_loop3A_378] : memref<256x128xf32, #tpu.memory_space<vmem>>[vector<16xi32>, vector<16xi32>], vector<16xf32>,
        tpu.vector_store_idx %arg9[%parallel_loop3A_378, %parallel_loop3A_346], %parallel_loop3A_379 : memref<64x256xf32, #tpu.memory_space<vmem>>[vector<16xi32>, vector<16xi32>], vector<16xf32>,
        %parallel_loop3A_380 = vector.broadcast %parallel_loop3A_340 : i32 to vector<16xi32>
        %parallel_loop3A_381 = arith.addi %parallel_loop3A_380, %rem3A_121 : vector<16xi32>
        %parallel_loop3A_382 = tpu.vector_load_idx %arg7[%parallel_loop3A_346, %parallel_loop3A_381] : memref<256x128xf32, #tpu.memory_space<vmem>>[vector<16xi32>, vector<16xi32>], vector<16xf32>,
        tpu.vector_store_idx %arg9[%parallel_loop3A_381, %parallel_loop3A_346], %parallel_loop3A_382 : memref<64x256xf32, #tpu.memory_space<vmem>>[vector<16xi32>, vector<16xi32>], vector<16xf32>,
        %parallel_loop3A_383 = vector.broadcast %parallel_loop3A_340 : i32 to vector<16xi32>
        %parallel_loop3A_384 = arith.addi %parallel_loop3A_383, %rem3A_127 : vector<16xi32>
        %parallel_loop3A_385 = tpu.vector_load_idx %arg7[%parallel_loop3A_346, %parallel_loop3A_384] : memref<256x128xf32, #tpu.memory_space<vmem>>[vector<16xi32>, vector<16xi32>], vector<16xf32>,
        tpu.vector_store_idx %arg9[%parallel_loop3A_384, %parallel_loop3A_346], %parallel_loop3A_385 : memref<64x256xf32, #tpu.memory_space<vmem>>[vector<16xi32>, vector<16xi32>], vector<16xf32>,
        %parallel_loop3A_386 = vector.broadcast %parallel_loop3A_340 : i32 to vector<16xi32>
        %parallel_loop3A_387 = arith.addi %parallel_loop3A_386, %rem3A_133 : vector<16xi32>
        %parallel_loop3A_388 = tpu.vector_load_idx %arg7[%parallel_loop3A_346, %parallel_loop3A_387] : memref<256x128xf32, #tpu.memory_space<vmem>>[vector<16xi32>, vector<16xi32>], vector<16xf32>,
        tpu.vector_store_idx %arg9[%parallel_loop3A_387, %parallel_loop3A_346], %parallel_loop3A_388 : memref<64x256xf32, #tpu.memory_space<vmem>>[vector<16xi32>, vector<16xi32>], vector<16xf32>,
        %parallel_loop3A_389 = vector.broadcast %parallel_loop3A_340 : i32 to vector<16xi32>
        %parallel_loop3A_390 = arith.addi %parallel_loop3A_389, %rem3A_139 : vector<16xi32>
        %parallel_loop3A_391 = tpu.vector_load_idx %arg7[%parallel_loop3A_346, %parallel_loop3A_390] : memref<256x128xf32, #tpu.memory_space<vmem>>[vector<16xi32>, vector<16xi32>], vector<16xf32>,
        tpu.vector_store_idx %arg9[%parallel_loop3A_390, %parallel_loop3A_346], %parallel_loop3A_391 : memref<64x256xf32, #tpu.memory_space<vmem>>[vector<16xi32>, vector<16xi32>], vector<16xf32>,
        %parallel_loop3A_392 = vector.broadcast %parallel_loop3A_340 : i32 to vector<16xi32>
        %parallel_loop3A_393 = arith.addi %parallel_loop3A_392, %rem3A_145 : vector<16xi32>
        %parallel_loop3A_394 = tpu.vector_load_idx %arg7[%parallel_loop3A_346, %parallel_loop3A_393] : memref<256x128xf32, #tpu.memory_space<vmem>>[vector<16xi32>, vector<16xi32>], vector<16xf32>,
        tpu.vector_store_idx %arg9[%parallel_loop3A_393, %parallel_loop3A_346], %parallel_loop3A_394 : memref<64x256xf32, #tpu.memory_space<vmem>>[vector<16xi32>, vector<16xi32>], vector<16xf32>,
      } {sc.loop_unroll_factor = 2 : i64, sc.parallel_access}
      %add3A_214 = arith.constant 0 : i32
      %add3A_215 = arith.addi %mul3A_2, %add3A_214 : i32
      %dma_start3A_216 = arith.constant 0 : i32
      %dma_start3A_217 = tpu.memref_slice %arg4[%add3A_190, %dma_start3A_216, %add3A_215] : memref<200x64x16384xf32, #tpu.memory_space<hbm>> -> memref<1x64x256xf32, #tpu.memory_space<hbm>>
      %dma_start3A_218 = tpu.memref_squeeze %dma_start3A_217 : memref<1x64x256xf32, #tpu.memory_space<hbm>> -> memref<64x256xf32, #tpu.memory_space<hbm>>
      %dma_start3A_219 = arith.constant 0 : i32
      %dma_start3A_220 = tpu.memref_slice %arg4[%add3A_190, %dma_start3A_219, %add3A_215] : memref<200x64x16384xf32, #tpu.memory_space<hbm>> -> memref<1x64x256xf32, #tpu.memory_space<hbm>>
      %dma_start3A_221 = tpu.memref_squeeze %dma_start3A_220 : memref<1x64x256xf32, #tpu.memory_space<hbm>> -> memref<64x256xf32, #tpu.memory_space<hbm>>
      tpu.enqueue_dma source(%arg9 : memref<64x256xf32, #tpu.memory_space<vmem>>) target(%dma_start3A_221 : memref<64x256xf32, #tpu.memory_space<hbm>>) target_semaphore(%arg13 : memref<!tpu.dma_semaphore, #tpu.memory_space<semaphore_mem>>)
      %mul3A_222 = arith.constant 4 : i32
      %mul3A_223 = arith.muli %mul3A_222, %scan3A_182 : i32
      %add3A_224 = arith.constant 1 : i32
      %add3A_225 = arith.addi %mul3A_223, %add3A_224 : i32
      %mul3A_226 = arith.constant 2 : i32
      %mul3A_227 = arith.muli %mul3A_226, %scan3A_182 : i32
      %add3A_228 = arith.constant 0 : i32
      %add3A_229 = arith.addi %mul3A_227, %add3A_228 : i32
      %mul3A_230 = arith.constant 2 : i32
      %mul3A_231 = arith.muli %mul3A_230, %scan3A_182 : i32
      %add3A_232 = arith.constant 1 : i32
      %add3A_233 = arith.addi %mul3A_231, %add3A_232 : i32
      %add3A_234 = arith.constant 1 : i32
      %add3A_235 = arith.addi %add3A_225, %add3A_234 : i32
      %lt3A_236 = arith.constant 400 : i32
      %lt3A_237 = arith.cmpi slt, %add3A_235, %lt3A_236 : i32
      %convert_element_type3A_238 = arith.extui %lt3A_237 : i1 to i32
      %cond3A_239 = arith.constant 0 : i32
      %cond3A_240 = arith.cmpi ne, %convert_element_type3A_238, %cond3A_239 : i32
      scf.if %cond3A_240 {
        %ge3A = arith.constant 1 : i32
        %ge3A_336 = arith.cmpi sge, %add3A_225, %ge3A : i32
        %convert_element_type3A_337 = arith.extui %ge3A_336 : i1 to i32
        %cond3A_338 = arith.constant 0 : i32
        %cond3A_339 = arith.cmpi ne, %convert_element_type3A_337, %cond3A_338 : i32
        scf.if %cond3A_339 {
          %mul3A_349 = arith.constant 2 : i32
          %mul3A_350 = arith.muli %mul3A_349, %scan3A_182 : i32
          %add3A_351 = arith.constant 0 : i32
          %add3A_352 = arith.addi %mul3A_350, %add3A_351 : i32
          %add3A_353 = arith.constant 0 : i32
          %add3A_354 = arith.addi %mul3A_2, %add3A_353 : i32
          %dma_wait3A_355 = arith.constant 0 : i32
          %dma_wait3A_356 = tpu.memref_slice %arg4[%add3A_352, %dma_wait3A_355, %add3A_354] : memref<200x64x16384xf32, #tpu.memory_space<hbm>> -> memref<1x64x256xf32, #tpu.memory_space<hbm>>
          %dma_wait3A_357 = tpu.memref_squeeze %dma_wait3A_356 : memref<1x64x256xf32, #tpu.memory_space<hbm>> -> memref<64x256xf32, #tpu.memory_space<hbm>>
          %dma_wait3A_358 = arith.constant 0 : i32
          %dma_wait3A_359 = tpu.memref_slice %arg4[%add3A_352, %dma_wait3A_358, %add3A_354] : memref<200x64x16384xf32, #tpu.memory_space<hbm>> -> memref<1x64x256xf32, #tpu.memory_space<hbm>>
          %dma_wait3A_360 = tpu.memref_squeeze %dma_wait3A_359 : memref<1x64x256xf32, #tpu.memory_space<hbm>> -> memref<64x256xf32, #tpu.memory_space<hbm>>
          tpu.wait_dma2 semaphore(%arg13 : memref<!tpu.dma_semaphore, #tpu.memory_space<semaphore_mem>>) src(%arg9 : memref<64x256xf32, #tpu.memory_space<vmem>>) dst(%dma_wait3A_360 : memref<64x256xf32, #tpu.memory_space<hbm>>)
        } else {
        }
        %dma_wait3A_340 = tpu.memref_slice %arg3[%add3A_233, %mul3A_2] : memref<200x16384xi32, #tpu.memory_space<hbm>> -> memref<1x512xi32, #tpu.memory_space<hbm>>
        %dma_wait3A_341 = tpu.memref_squeeze %dma_wait3A_340 : memref<1x512xi32, #tpu.memory_space<hbm>> -> memref<512xi32, #tpu.memory_space<hbm>>
        %dma_wait3A_342 = tpu.memref_slice %arg3[%add3A_233, %mul3A_2] : memref<200x16384xi32, #tpu.memory_space<hbm>> -> memref<1x512xi32, #tpu.memory_space<hbm>>
        %dma_wait3A_343 = tpu.memref_squeeze %dma_wait3A_342 : memref<1x512xi32, #tpu.memory_space<hbm>> -> memref<512xi32, #tpu.memory_space<hbm>>
        tpu.wait_dma2 semaphore(%arg16 : memref<!tpu.dma_semaphore, #tpu.memory_space<semaphore_mem>>) src(%dma_wait3A_343 : memref<512xi32, #tpu.memory_space<hbm>>) dst(%arg6 : memref<512xi32, #tpu.memory_space<vmem>>)
        %dma_start3A_344 = arith.constant 0 : i32
        %dma_start3A_345 = tpu.memref_slice %arg6[%dma_start3A_344] : memref<512xi32, #tpu.memory_space<vmem>> -> memref<256xi32, #tpu.memory_space<vmem>>
        %dma_start3A_346 = arith.constant 0 : i32
        %dma_start3A_347 = arith.constant 0 : i32
        %dma_start3A_348 = tpu.memref_slice %arg2[%dma_start3A_346, %dma_start3A_347] : memref<100000x128xf32, #tpu.memory_space<hbm>> -> memref<100000x128xf32, #tpu.memory_space<hbm>>
        tpu.enqueue_indirect_dma source(%dma_start3A_348 : memref<100000x128xf32, #tpu.memory_space<hbm>>) target(%arg7 : memref<256x128xf32, #tpu.memory_space<vmem>>) offsets(%dma_start3A_345 : memref<256xi32, #tpu.memory_space<vmem>>) semaphore(%arg11 : memref<!tpu.dma_semaphore, #tpu.memory_space<semaphore_mem>>)
      } else {
      }
      %dma_wait3A_241 = arith.constant 256 : i32
      %dma_wait3A_242 = tpu.memref_slice %arg5[%dma_wait3A_241] : memref<512xi32, #tpu.memory_space<vmem>> -> memref<256xi32, #tpu.memory_space<vmem>>
      %dma_wait3A_243 = arith.constant 0 : i32
      %dma_wait3A_244 = arith.constant 0 : i32
      %dma_wait3A_245 = tpu.memref_slice %arg2[%dma_wait3A_243, %dma_wait3A_244] : memref<100000x128xf32, #tpu.memory_space<hbm>> -> memref<100000x128xf32, #tpu.memory_space<hbm>>
      tpu.wait_indirect_dma semaphore(%arg12 : memref<!tpu.dma_semaphore, #tpu.memory_space<semaphore_mem>>) src(%dma_wait3A_245 : memref<100000x128xf32, #tpu.memory_space<hbm>>) dst(%arg8 : memref<256x128xf32, #tpu.memory_space<vmem>>)
      %parallel_loop3A_246 = arith.constant 0 : i32
      %parallel_loop3A_247 = arith.constant 64 : i32
      %parallel_loop3A_248 = arith.constant 1 : i32
      scf.for %parallel_loop3A_336 = %parallel_loop3A_246 to %parallel_loop3A_247 step %parallel_loop3A_248  : i32 {
        %parallel_loop3A_337 = arith.constant 3 : i32
        %parallel_loop3A_338 = arith.andi %parallel_loop3A_336, %parallel_loop3A_337 : i32
        %parallel_loop3A_339 = arith.constant 16 : i32
        %parallel_loop3A_340 = arith.muli %parallel_loop3A_338, %parallel_loop3A_339 : i32
        %parallel_loop3A_341 = arith.constant 2 : i32
        %parallel_loop3A_342 = arith.shrsi %parallel_loop3A_336, %parallel_loop3A_341 : i32
        %parallel_loop3A_343 = arith.constant 16 : i32
        %parallel_loop3A_344 = arith.muli %parallel_loop3A_342, %parallel_loop3A_343 : i32
        %parallel_loop3A_345 = vector.broadcast %parallel_loop3A_344 : i32 to vector<16xi32>
        %parallel_loop3A_346 = arith.addi %iota3A, %parallel_loop3A_345 : vector<16xi32>
        %parallel_loop3A_347 = vector.broadcast %parallel_loop3A_340 : i32 to vector<16xi32>
        %parallel_loop3A_348 = arith.addi %parallel_loop3A_347, %rem3A_55 : vector<16xi32>
        %parallel_loop3A_349 = tpu.vector_load_idx %arg8[%parallel_loop3A_346, %parallel_loop3A_348] : memref<256x128xf32, #tpu.memory_space<vmem>>[vector<16xi32>, vector<16xi32>], vector<16xf32>,
        tpu.vector_store_idx %arg10[%parallel_loop3A_348, %parallel_loop3A_346], %parallel_loop3A_349 : memref<64x256xf32, #tpu.memory_space<vmem>>[vector<16xi32>, vector<16xi32>], vector<16xf32>,
        %parallel_loop3A_350 = vector.broadcast %parallel_loop3A_340 : i32 to vector<16xi32>
        %parallel_loop3A_351 = arith.addi %parallel_loop3A_350, %rem3A_61 : vector<16xi32>
        %parallel_loop3A_352 = tpu.vector_load_idx %arg8[%parallel_loop3A_346, %parallel_loop3A_351] : memref<256x128xf32, #tpu.memory_space<vmem>>[vector<16xi32>, vector<16xi32>], vector<16xf32>,
        tpu.vector_store_idx %arg10[%parallel_loop3A_351, %parallel_loop3A_346], %parallel_loop3A_352 : memref<64x256xf32, #tpu.memory_space<vmem>>[vector<16xi32>, vector<16xi32>], vector<16xf32>,
        %parallel_loop3A_353 = vector.broadcast %parallel_loop3A_340 : i32 to vector<16xi32>
        %parallel_loop3A_354 = arith.addi %parallel_loop3A_353, %rem3A_67 : vector<16xi32>
        %parallel_loop3A_355 = tpu.vector_load_idx %arg8[%parallel_loop3A_346, %parallel_loop3A_354] : memref<256x128xf32, #tpu.memory_space<vmem>>[vector<16xi32>, vector<16xi32>], vector<16xf32>,
        tpu.vector_store_idx %arg10[%parallel_loop3A_354, %parallel_loop3A_346], %parallel_loop3A_355 : memref<64x256xf32, #tpu.memory_space<vmem>>[vector<16xi32>, vector<16xi32>], vector<16xf32>,
        %parallel_loop3A_356 = vector.broadcast %parallel_loop3A_340 : i32 to vector<16xi32>
        %parallel_loop3A_357 = arith.addi %parallel_loop3A_356, %rem3A_73 : vector<16xi32>
        %parallel_loop3A_358 = tpu.vector_load_idx %arg8[%parallel_loop3A_346, %parallel_loop3A_357] : memref<256x128xf32, #tpu.memory_space<vmem>>[vector<16xi32>, vector<16xi32>], vector<16xf32>,
        tpu.vector_store_idx %arg10[%parallel_loop3A_357, %parallel_loop3A_346], %parallel_loop3A_358 : memref<64x256xf32, #tpu.memory_space<vmem>>[vector<16xi32>, vector<16xi32>], vector<16xf32>,
        %parallel_loop3A_359 = vector.broadcast %parallel_loop3A_340 : i32 to vector<16xi32>
        %parallel_loop3A_360 = arith.addi %parallel_loop3A_359, %rem3A_79 : vector<16xi32>
        %parallel_loop3A_361 = tpu.vector_load_idx %arg8[%parallel_loop3A_346, %parallel_loop3A_360] : memref<256x128xf32, #tpu.memory_space<vmem>>[vector<16xi32>, vector<16xi32>], vector<16xf32>,
        tpu.vector_store_idx %arg10[%parallel_loop3A_360, %parallel_loop3A_346], %parallel_loop3A_361 : memref<64x256xf32, #tpu.memory_space<vmem>>[vector<16xi32>, vector<16xi32>], vector<16xf32>,
        %parallel_loop3A_362 = vector.broadcast %parallel_loop3A_340 : i32 to vector<16xi32>
        %parallel_loop3A_363 = arith.addi %parallel_loop3A_362, %rem3A_85 : vector<16xi32>
        %parallel_loop3A_364 = tpu.vector_load_idx %arg8[%parallel_loop3A_346, %parallel_loop3A_363] : memref<256x128xf32, #tpu.memory_space<vmem>>[vector<16xi32>, vector<16xi32>], vector<16xf32>,
        tpu.vector_store_idx %arg10[%parallel_loop3A_363, %parallel_loop3A_346], %parallel_loop3A_364 : memref<64x256xf32, #tpu.memory_space<vmem>>[vector<16xi32>, vector<16xi32>], vector<16xf32>,
        %parallel_loop3A_365 = vector.broadcast %parallel_loop3A_340 : i32 to vector<16xi32>
        %parallel_loop3A_366 = arith.addi %parallel_loop3A_365, %rem3A_91 : vector<16xi32>
        %parallel_loop3A_367 = tpu.vector_load_idx %arg8[%parallel_loop3A_346, %parallel_loop3A_366] : memref<256x128xf32, #tpu.memory_space<vmem>>[vector<16xi32>, vector<16xi32>], vector<16xf32>,
        tpu.vector_store_idx %arg10[%parallel_loop3A_366, %parallel_loop3A_346], %parallel_loop3A_367 : memref<64x256xf32, #tpu.memory_space<vmem>>[vector<16xi32>, vector<16xi32>], vector<16xf32>,
        %parallel_loop3A_368 = vector.broadcast %parallel_loop3A_340 : i32 to vector<16xi32>
        %parallel_loop3A_369 = arith.addi %parallel_loop3A_368, %rem3A_97 : vector<16xi32>
        %parallel_loop3A_370 = tpu.vector_load_idx %arg8[%parallel_loop3A_346, %parallel_loop3A_369] : memref<256x128xf32, #tpu.memory_space<vmem>>[vector<16xi32>, vector<16xi32>], vector<16xf32>,
        tpu.vector_store_idx %arg10[%parallel_loop3A_369, %parallel_loop3A_346], %parallel_loop3A_370 : memref<64x256xf32, #tpu.memory_space<vmem>>[vector<16xi32>, vector<16xi32>], vector<16xf32>,
        %parallel_loop3A_371 = vector.broadcast %parallel_loop3A_340 : i32 to vector<16xi32>
        %parallel_loop3A_372 = arith.addi %parallel_loop3A_371, %rem3A_103 : vector<16xi32>
        %parallel_loop3A_373 = tpu.vector_load_idx %arg8[%parallel_loop3A_346, %parallel_loop3A_372] : memref<256x128xf32, #tpu.memory_space<vmem>>[vector<16xi32>, vector<16xi32>], vector<16xf32>,
        tpu.vector_store_idx %arg10[%parallel_loop3A_372, %parallel_loop3A_346], %parallel_loop3A_373 : memref<64x256xf32, #tpu.memory_space<vmem>>[vector<16xi32>, vector<16xi32>], vector<16xf32>,
        %parallel_loop3A_374 = vector.broadcast %parallel_loop3A_340 : i32 to vector<16xi32>
        %parallel_loop3A_375 = arith.addi %parallel_loop3A_374, %rem3A_109 : vector<16xi32>
        %parallel_loop3A_376 = tpu.vector_load_idx %arg8[%parallel_loop3A_346, %parallel_loop3A_375] : memref<256x128xf32, #tpu.memory_space<vmem>>[vector<16xi32>, vector<16xi32>], vector<16xf32>,
        tpu.vector_store_idx %arg10[%parallel_loop3A_375, %parallel_loop3A_346], %parallel_loop3A_376 : memref<64x256xf32, #tpu.memory_space<vmem>>[vector<16xi32>, vector<16xi32>], vector<16xf32>,
        %parallel_loop3A_377 = vector.broadcast %parallel_loop3A_340 : i32 to vector<16xi32>
        %parallel_loop3A_378 = arith.addi %parallel_loop3A_377, %rem3A_115 : vector<16xi32>
        %parallel_loop3A_379 = tpu.vector_load_idx %arg8[%parallel_loop3A_346, %parallel_loop3A_378] : memref<256x128xf32, #tpu.memory_space<vmem>>[vector<16xi32>, vector<16xi32>], vector<16xf32>,
        tpu.vector_store_idx %arg10[%parallel_loop3A_378, %parallel_loop3A_346], %parallel_loop3A_379 : memref<64x256xf32, #tpu.memory_space<vmem>>[vector<16xi32>, vector<16xi32>], vector<16xf32>,
        %parallel_loop3A_380 = vector.broadcast %parallel_loop3A_340 : i32 to vector<16xi32>
        %parallel_loop3A_381 = arith.addi %parallel_loop3A_380, %rem3A_121 : vector<16xi32>
        %parallel_loop3A_382 = tpu.vector_load_idx %arg8[%parallel_loop3A_346, %parallel_loop3A_381] : memref<256x128xf32, #tpu.memory_space<vmem>>[vector<16xi32>, vector<16xi32>], vector<16xf32>,
        tpu.vector_store_idx %arg10[%parallel_loop3A_381, %parallel_loop3A_346], %parallel_loop3A_382 : memref<64x256xf32, #tpu.memory_space<vmem>>[vector<16xi32>, vector<16xi32>], vector<16xf32>,
        %parallel_loop3A_383 = vector.broadcast %parallel_loop3A_340 : i32 to vector<16xi32>
        %parallel_loop3A_384 = arith.addi %parallel_loop3A_383, %rem3A_127 : vector<16xi32>
        %parallel_loop3A_385 = tpu.vector_load_idx %arg8[%parallel_loop3A_346, %parallel_loop3A_384] : memref<256x128xf32, #tpu.memory_space<vmem>>[vector<16xi32>, vector<16xi32>], vector<16xf32>,
        tpu.vector_store_idx %arg10[%parallel_loop3A_384, %parallel_loop3A_346], %parallel_loop3A_385 : memref<64x256xf32, #tpu.memory_space<vmem>>[vector<16xi32>, vector<16xi32>], vector<16xf32>,
        %parallel_loop3A_386 = vector.broadcast %parallel_loop3A_340 : i32 to vector<16xi32>
        %parallel_loop3A_387 = arith.addi %parallel_loop3A_386, %rem3A_133 : vector<16xi32>
        %parallel_loop3A_388 = tpu.vector_load_idx %arg8[%parallel_loop3A_346, %parallel_loop3A_387] : memref<256x128xf32, #tpu.memory_space<vmem>>[vector<16xi32>, vector<16xi32>], vector<16xf32>,
        tpu.vector_store_idx %arg10[%parallel_loop3A_387, %parallel_loop3A_346], %parallel_loop3A_388 : memref<64x256xf32, #tpu.memory_space<vmem>>[vector<16xi32>, vector<16xi32>], vector<16xf32>,
        %parallel_loop3A_389 = vector.broadcast %parallel_loop3A_340 : i32 to vector<16xi32>
        %parallel_loop3A_390 = arith.addi %parallel_loop3A_389, %rem3A_139 : vector<16xi32>
        %parallel_loop3A_391 = tpu.vector_load_idx %arg8[%parallel_loop3A_346, %parallel_loop3A_390] : memref<256x128xf32, #tpu.memory_space<vmem>>[vector<16xi32>, vector<16xi32>], vector<16xf32>,
        tpu.vector_store_idx %arg10[%parallel_loop3A_390, %parallel_loop3A_346], %parallel_loop3A_391 : memref<64x256xf32, #tpu.memory_space<vmem>>[vector<16xi32>, vector<16xi32>], vector<16xf32>,
        %parallel_loop3A_392 = vector.broadcast %parallel_loop3A_340 : i32 to vector<16xi32>
        %parallel_loop3A_393 = arith.addi %parallel_loop3A_392, %rem3A_145 : vector<16xi32>
        %parallel_loop3A_394 = tpu.vector_load_idx %arg8[%parallel_loop3A_346, %parallel_loop3A_393] : memref<256x128xf32, #tpu.memory_space<vmem>>[vector<16xi32>, vector<16xi32>], vector<16xf32>,
        tpu.vector_store_idx %arg10[%parallel_loop3A_393, %parallel_loop3A_346], %parallel_loop3A_394 : memref<64x256xf32, #tpu.memory_space<vmem>>[vector<16xi32>, vector<16xi32>], vector<16xf32>,
      } {sc.loop_unroll_factor = 2 : i64, sc.parallel_access}
      %add3A_249 = arith.constant 256 : i32
      %add3A_250 = arith.addi %mul3A_2, %add3A_249 : i32
      %dma_start3A_251 = arith.constant 0 : i32
      %dma_start3A_252 = tpu.memref_slice %arg4[%add3A_229, %dma_start3A_251, %add3A_250] : memref<200x64x16384xf32, #tpu.memory_space<hbm>> -> memref<1x64x256xf32, #tpu.memory_space<hbm>>
      %dma_start3A_253 = tpu.memref_squeeze %dma_start3A_252 : memref<1x64x256xf32, #tpu.memory_space<hbm>> -> memref<64x256xf32, #tpu.memory_space<hbm>>
      %dma_start3A_254 = arith.constant 0 : i32
      %dma_start3A_255 = tpu.memref_slice %arg4[%add3A_229, %dma_start3A_254, %add3A_250] : memref<200x64x16384xf32, #tpu.memory_space<hbm>> -> memref<1x64x256xf32, #tpu.memory_space<hbm>>
      %dma_start3A_256 = tpu.memref_squeeze %dma_start3A_255 : memref<1x64x256xf32, #tpu.memory_space<hbm>> -> memref<64x256xf32, #tpu.memory_space<hbm>>
      tpu.enqueue_dma source(%arg10 : memref<64x256xf32, #tpu.memory_space<vmem>>) target(%dma_start3A_256 : memref<64x256xf32, #tpu.memory_space<hbm>>) target_semaphore(%arg14 : memref<!tpu.dma_semaphore, #tpu.memory_space<semaphore_mem>>)
      %mul3A_257 = arith.constant 4 : i32
      %mul3A_258 = arith.muli %mul3A_257, %scan3A_182 : i32
      %add3A_259 = arith.constant 2 : i32
      %add3A_260 = arith.addi %mul3A_258, %add3A_259 : i32
      %mul3A_261 = arith.constant 2 : i32
      %mul3A_262 = arith.muli %mul3A_261, %scan3A_182 : i32
      %add3A_263 = arith.constant 1 : i32
      %add3A_264 = arith.addi %mul3A_262, %add3A_263 : i32
      %mul3A_265 = arith.constant 2 : i32
      %mul3A_266 = arith.muli %mul3A_265, %scan3A_182 : i32
      %add3A_267 = arith.constant 1 : i32
      %add3A_268 = arith.addi %mul3A_266, %add3A_267 : i32
      %add3A_269 = arith.constant 1 : i32
      %add3A_270 = arith.addi %add3A_260, %add3A_269 : i32
      %lt3A_271 = arith.constant 400 : i32
      %lt3A_272 = arith.cmpi slt, %add3A_270, %lt3A_271 : i32
      %convert_element_type3A_273 = arith.extui %lt3A_272 : i1 to i32
      %cond3A_274 = arith.constant 0 : i32
      %cond3A_275 = arith.cmpi ne, %convert_element_type3A_273, %cond3A_274 : i32
      scf.if %cond3A_275 {
        %ge3A = arith.constant 1 : i32
        %ge3A_336 = arith.cmpi sge, %add3A_260, %ge3A : i32
        %convert_element_type3A_337 = arith.extui %ge3A_336 : i1 to i32
        %cond3A_338 = arith.constant 0 : i32
        %cond3A_339 = arith.cmpi ne, %convert_element_type3A_337, %cond3A_338 : i32
        scf.if %cond3A_339 {
          %mul3A_345 = arith.constant 2 : i32
          %mul3A_346 = arith.muli %mul3A_345, %scan3A_182 : i32
          %add3A_347 = arith.constant 0 : i32
          %add3A_348 = arith.addi %mul3A_346, %add3A_347 : i32
          %add3A_349 = arith.constant 256 : i32
          %add3A_350 = arith.addi %mul3A_2, %add3A_349 : i32
          %dma_wait3A_351 = arith.constant 0 : i32
          %dma_wait3A_352 = tpu.memref_slice %arg4[%add3A_348, %dma_wait3A_351, %add3A_350] : memref<200x64x16384xf32, #tpu.memory_space<hbm>> -> memref<1x64x256xf32, #tpu.memory_space<hbm>>
          %dma_wait3A_353 = tpu.memref_squeeze %dma_wait3A_352 : memref<1x64x256xf32, #tpu.memory_space<hbm>> -> memref<64x256xf32, #tpu.memory_space<hbm>>
          %dma_wait3A_354 = arith.constant 0 : i32
          %dma_wait3A_355 = tpu.memref_slice %arg4[%add3A_348, %dma_wait3A_354, %add3A_350] : memref<200x64x16384xf32, #tpu.memory_space<hbm>> -> memref<1x64x256xf32, #tpu.memory_space<hbm>>
          %dma_wait3A_356 = tpu.memref_squeeze %dma_wait3A_355 : memref<1x64x256xf32, #tpu.memory_space<hbm>> -> memref<64x256xf32, #tpu.memory_space<hbm>>
          tpu.wait_dma2 semaphore(%arg14 : memref<!tpu.dma_semaphore, #tpu.memory_space<semaphore_mem>>) src(%arg10 : memref<64x256xf32, #tpu.memory_space<vmem>>) dst(%dma_wait3A_356 : memref<64x256xf32, #tpu.memory_space<hbm>>)
        } else {
        }
        %dma_start3A_340 = arith.constant 256 : i32
        %dma_start3A_341 = tpu.memref_slice %arg6[%dma_start3A_340] : memref<512xi32, #tpu.memory_space<vmem>> -> memref<256xi32, #tpu.memory_space<vmem>>
        %dma_start3A_342 = arith.constant 0 : i32
        %dma_start3A_343 = arith.constant 0 : i32
        %dma_start3A_344 = tpu.memref_slice %arg2[%dma_start3A_342, %dma_start3A_343] : memref<100000x128xf32, #tpu.memory_space<hbm>> -> memref<100000x128xf32, #tpu.memory_space<hbm>>
        tpu.enqueue_indirect_dma source(%dma_start3A_344 : memref<100000x128xf32, #tpu.memory_space<hbm>>) target(%arg8 : memref<256x128xf32, #tpu.memory_space<vmem>>) offsets(%dma_start3A_341 : memref<256xi32, #tpu.memory_space<vmem>>) semaphore(%arg12 : memref<!tpu.dma_semaphore, #tpu.memory_space<semaphore_mem>>)
      } else {
      }
      %mul3A_276 = arith.constant 2 : i32
      %mul3A_277 = arith.muli %mul3A_276, %scan3A_182 : i32
      %add3A_278 = arith.constant 2 : i32
      %add3A_279 = arith.addi %mul3A_277, %add3A_278 : i32
      %lt3A_280 = arith.constant 200 : i32
      %lt3A_281 = arith.cmpi slt, %add3A_279, %lt3A_280 : i32
      %convert_element_type3A_282 = arith.extui %lt3A_281 : i1 to i32
      %cond3A_283 = arith.constant 0 : i32
      %cond3A_284 = arith.cmpi ne, %convert_element_type3A_282, %cond3A_283 : i32
      scf.if %cond3A_284 {
        %mul3A_336 = arith.constant 2 : i32
        %mul3A_337 = arith.muli %mul3A_336, %scan3A_182 : i32
        %add3A_338 = arith.constant 2 : i32
        %add3A_339 = arith.addi %mul3A_337, %add3A_338 : i32
        %dma_start3A_340 = tpu.memref_slice %arg3[%add3A_339, %mul3A_2] : memref<200x16384xi32, #tpu.memory_space<hbm>> -> memref<1x512xi32, #tpu.memory_space<hbm>>
        %dma_start3A_341 = tpu.memref_squeeze %dma_start3A_340 : memref<1x512xi32, #tpu.memory_space<hbm>> -> memref<512xi32, #tpu.memory_space<hbm>>
        %dma_start3A_342 = tpu.memref_slice %arg3[%add3A_339, %mul3A_2] : memref<200x16384xi32, #tpu.memory_space<hbm>> -> memref<1x512xi32, #tpu.memory_space<hbm>>
        %dma_start3A_343 = tpu.memref_squeeze %dma_start3A_342 : memref<1x512xi32, #tpu.memory_space<hbm>> -> memref<512xi32, #tpu.memory_space<hbm>>
        tpu.enqueue_dma source(%dma_start3A_343 : memref<512xi32, #tpu.memory_space<hbm>>) target(%arg5 : memref<512xi32, #tpu.memory_space<vmem>>) target_semaphore(%arg15 : memref<!tpu.dma_semaphore, #tpu.memory_space<semaphore_mem>>)
      } else {
      }
      %dma_wait3A_285 = arith.constant 0 : i32
      %dma_wait3A_286 = tpu.memref_slice %arg6[%dma_wait3A_285] : memref<512xi32, #tpu.memory_space<vmem>> -> memref<256xi32, #tpu.memory_space<vmem>>
      %dma_wait3A_287 = arith.constant 0 : i32
      %dma_wait3A_288 = arith.constant 0 : i32
      %dma_wait3A_289 = tpu.memref_slice %arg2[%dma_wait3A_287, %dma_wait3A_288] : memref<100000x128xf32, #tpu.memory_space<hbm>> -> memref<100000x128xf32, #tpu.memory_space<hbm>>
      tpu.wait_indirect_dma semaphore(%arg11 : memref<!tpu.dma_semaphore, #tpu.memory_space<semaphore_mem>>) src(%dma_wait3A_289 : memref<100000x128xf32, #tpu.memory_space<hbm>>) dst(%arg7 : memref<256x128xf32, #tpu.memory_space<vmem>>)
      %parallel_loop3A_290 = arith.constant 0 : i32
      %parallel_loop3A_291 = arith.constant 64 : i32
      %parallel_loop3A_292 = arith.constant 1 : i32
      scf.for %parallel_loop3A_336 = %parallel_loop3A_290 to %parallel_loop3A_291 step %parallel_loop3A_292  : i32 {
        %parallel_loop3A_337 = arith.constant 3 : i32
        %parallel_loop3A_338 = arith.andi %parallel_loop3A_336, %parallel_loop3A_337 : i32
        %parallel_loop3A_339 = arith.constant 16 : i32
        %parallel_loop3A_340 = arith.muli %parallel_loop3A_338, %parallel_loop3A_339 : i32
        %parallel_loop3A_341 = arith.constant 2 : i32
        %parallel_loop3A_342 = arith.shrsi %parallel_loop3A_336, %parallel_loop3A_341 : i32
        %parallel_loop3A_343 = arith.constant 16 : i32
        %parallel_loop3A_344 = arith.muli %parallel_loop3A_342, %parallel_loop3A_343 : i32
        %parallel_loop3A_345 = vector.broadcast %parallel_loop3A_344 : i32 to vector<16xi32>
        %parallel_loop3A_346 = arith.addi %iota3A, %parallel_loop3A_345 : vector<16xi32>
        %parallel_loop3A_347 = vector.broadcast %parallel_loop3A_340 : i32 to vector<16xi32>
        %parallel_loop3A_348 = arith.addi %parallel_loop3A_347, %rem3A_55 : vector<16xi32>
        %parallel_loop3A_349 = tpu.vector_load_idx %arg7[%parallel_loop3A_346, %parallel_loop3A_348] : memref<256x128xf32, #tpu.memory_space<vmem>>[vector<16xi32>, vector<16xi32>], vector<16xf32>,
        tpu.vector_store_idx %arg9[%parallel_loop3A_348, %parallel_loop3A_346], %parallel_loop3A_349 : memref<64x256xf32, #tpu.memory_space<vmem>>[vector<16xi32>, vector<16xi32>], vector<16xf32>,
        %parallel_loop3A_350 = vector.broadcast %parallel_loop3A_340 : i32 to vector<16xi32>
        %parallel_loop3A_351 = arith.addi %parallel_loop3A_350, %rem3A_61 : vector<16xi32>
        %parallel_loop3A_352 = tpu.vector_load_idx %arg7[%parallel_loop3A_346, %parallel_loop3A_351] : memref<256x128xf32, #tpu.memory_space<vmem>>[vector<16xi32>, vector<16xi32>], vector<16xf32>,
        tpu.vector_store_idx %arg9[%parallel_loop3A_351, %parallel_loop3A_346], %parallel_loop3A_352 : memref<64x256xf32, #tpu.memory_space<vmem>>[vector<16xi32>, vector<16xi32>], vector<16xf32>,
        %parallel_loop3A_353 = vector.broadcast %parallel_loop3A_340 : i32 to vector<16xi32>
        %parallel_loop3A_354 = arith.addi %parallel_loop3A_353, %rem3A_67 : vector<16xi32>
        %parallel_loop3A_355 = tpu.vector_load_idx %arg7[%parallel_loop3A_346, %parallel_loop3A_354] : memref<256x128xf32, #tpu.memory_space<vmem>>[vector<16xi32>, vector<16xi32>], vector<16xf32>,
        tpu.vector_store_idx %arg9[%parallel_loop3A_354, %parallel_loop3A_346], %parallel_loop3A_355 : memref<64x256xf32, #tpu.memory_space<vmem>>[vector<16xi32>, vector<16xi32>], vector<16xf32>,
        %parallel_loop3A_356 = vector.broadcast %parallel_loop3A_340 : i32 to vector<16xi32>
        %parallel_loop3A_357 = arith.addi %parallel_loop3A_356, %rem3A_73 : vector<16xi32>
        %parallel_loop3A_358 = tpu.vector_load_idx %arg7[%parallel_loop3A_346, %parallel_loop3A_357] : memref<256x128xf32, #tpu.memory_space<vmem>>[vector<16xi32>, vector<16xi32>], vector<16xf32>,
        tpu.vector_store_idx %arg9[%parallel_loop3A_357, %parallel_loop3A_346], %parallel_loop3A_358 : memref<64x256xf32, #tpu.memory_space<vmem>>[vector<16xi32>, vector<16xi32>], vector<16xf32>,
        %parallel_loop3A_359 = vector.broadcast %parallel_loop3A_340 : i32 to vector<16xi32>
        %parallel_loop3A_360 = arith.addi %parallel_loop3A_359, %rem3A_79 : vector<16xi32>
        %parallel_loop3A_361 = tpu.vector_load_idx %arg7[%parallel_loop3A_346, %parallel_loop3A_360] : memref<256x128xf32, #tpu.memory_space<vmem>>[vector<16xi32>, vector<16xi32>], vector<16xf32>,
        tpu.vector_store_idx %arg9[%parallel_loop3A_360, %parallel_loop3A_346], %parallel_loop3A_361 : memref<64x256xf32, #tpu.memory_space<vmem>>[vector<16xi32>, vector<16xi32>], vector<16xf32>,
        %parallel_loop3A_362 = vector.broadcast %parallel_loop3A_340 : i32 to vector<16xi32>
        %parallel_loop3A_363 = arith.addi %parallel_loop3A_362, %rem3A_85 : vector<16xi32>
        %parallel_loop3A_364 = tpu.vector_load_idx %arg7[%parallel_loop3A_346, %parallel_loop3A_363] : memref<256x128xf32, #tpu.memory_space<vmem>>[vector<16xi32>, vector<16xi32>], vector<16xf32>,
        tpu.vector_store_idx %arg9[%parallel_loop3A_363, %parallel_loop3A_346], %parallel_loop3A_364 : memref<64x256xf32, #tpu.memory_space<vmem>>[vector<16xi32>, vector<16xi32>], vector<16xf32>,
        %parallel_loop3A_365 = vector.broadcast %parallel_loop3A_340 : i32 to vector<16xi32>
        %parallel_loop3A_366 = arith.addi %parallel_loop3A_365, %rem3A_91 : vector<16xi32>
        %parallel_loop3A_367 = tpu.vector_load_idx %arg7[%parallel_loop3A_346, %parallel_loop3A_366] : memref<256x128xf32, #tpu.memory_space<vmem>>[vector<16xi32>, vector<16xi32>], vector<16xf32>,
        tpu.vector_store_idx %arg9[%parallel_loop3A_366, %parallel_loop3A_346], %parallel_loop3A_367 : memref<64x256xf32, #tpu.memory_space<vmem>>[vector<16xi32>, vector<16xi32>], vector<16xf32>,
        %parallel_loop3A_368 = vector.broadcast %parallel_loop3A_340 : i32 to vector<16xi32>
        %parallel_loop3A_369 = arith.addi %parallel_loop3A_368, %rem3A_97 : vector<16xi32>
        %parallel_loop3A_370 = tpu.vector_load_idx %arg7[%parallel_loop3A_346, %parallel_loop3A_369] : memref<256x128xf32, #tpu.memory_space<vmem>>[vector<16xi32>, vector<16xi32>], vector<16xf32>,
        tpu.vector_store_idx %arg9[%parallel_loop3A_369, %parallel_loop3A_346], %parallel_loop3A_370 : memref<64x256xf32, #tpu.memory_space<vmem>>[vector<16xi32>, vector<16xi32>], vector<16xf32>,
        %parallel_loop3A_371 = vector.broadcast %parallel_loop3A_340 : i32 to vector<16xi32>
        %parallel_loop3A_372 = arith.addi %parallel_loop3A_371, %rem3A_103 : vector<16xi32>
        %parallel_loop3A_373 = tpu.vector_load_idx %arg7[%parallel_loop3A_346, %parallel_loop3A_372] : memref<256x128xf32, #tpu.memory_space<vmem>>[vector<16xi32>, vector<16xi32>], vector<16xf32>,
        tpu.vector_store_idx %arg9[%parallel_loop3A_372, %parallel_loop3A_346], %parallel_loop3A_373 : memref<64x256xf32, #tpu.memory_space<vmem>>[vector<16xi32>, vector<16xi32>], vector<16xf32>,
        %parallel_loop3A_374 = vector.broadcast %parallel_loop3A_340 : i32 to vector<16xi32>
        %parallel_loop3A_375 = arith.addi %parallel_loop3A_374, %rem3A_109 : vector<16xi32>
        %parallel_loop3A_376 = tpu.vector_load_idx %arg7[%parallel_loop3A_346, %parallel_loop3A_375] : memref<256x128xf32, #tpu.memory_space<vmem>>[vector<16xi32>, vector<16xi32>], vector<16xf32>,
        tpu.vector_store_idx %arg9[%parallel_loop3A_375, %parallel_loop3A_346], %parallel_loop3A_376 : memref<64x256xf32, #tpu.memory_space<vmem>>[vector<16xi32>, vector<16xi32>], vector<16xf32>,
        %parallel_loop3A_377 = vector.broadcast %parallel_loop3A_340 : i32 to vector<16xi32>
        %parallel_loop3A_378 = arith.addi %parallel_loop3A_377, %rem3A_115 : vector<16xi32>
        %parallel_loop3A_379 = tpu.vector_load_idx %arg7[%parallel_loop3A_346, %parallel_loop3A_378] : memref<256x128xf32, #tpu.memory_space<vmem>>[vector<16xi32>, vector<16xi32>], vector<16xf32>,
        tpu.vector_store_idx %arg9[%parallel_loop3A_378, %parallel_loop3A_346], %parallel_loop3A_379 : memref<64x256xf32, #tpu.memory_space<vmem>>[vector<16xi32>, vector<16xi32>], vector<16xf32>,
        %parallel_loop3A_380 = vector.broadcast %parallel_loop3A_340 : i32 to vector<16xi32>
        %parallel_loop3A_381 = arith.addi %parallel_loop3A_380, %rem3A_121 : vector<16xi32>
        %parallel_loop3A_382 = tpu.vector_load_idx %arg7[%parallel_loop3A_346, %parallel_loop3A_381] : memref<256x128xf32, #tpu.memory_space<vmem>>[vector<16xi32>, vector<16xi32>], vector<16xf32>,
        tpu.vector_store_idx %arg9[%parallel_loop3A_381, %parallel_loop3A_346], %parallel_loop3A_382 : memref<64x256xf32, #tpu.memory_space<vmem>>[vector<16xi32>, vector<16xi32>], vector<16xf32>,
        %parallel_loop3A_383 = vector.broadcast %parallel_loop3A_340 : i32 to vector<16xi32>
        %parallel_loop3A_384 = arith.addi %parallel_loop3A_383, %rem3A_127 : vector<16xi32>
        %parallel_loop3A_385 = tpu.vector_load_idx %arg7[%parallel_loop3A_346, %parallel_loop3A_384] : memref<256x128xf32, #tpu.memory_space<vmem>>[vector<16xi32>, vector<16xi32>], vector<16xf32>,
        tpu.vector_store_idx %arg9[%parallel_loop3A_384, %parallel_loop3A_346], %parallel_loop3A_385 : memref<64x256xf32, #tpu.memory_space<vmem>>[vector<16xi32>, vector<16xi32>], vector<16xf32>,
        %parallel_loop3A_386 = vector.broadcast %parallel_loop3A_340 : i32 to vector<16xi32>
        %parallel_loop3A_387 = arith.addi %parallel_loop3A_386, %rem3A_133 : vector<16xi32>
        %parallel_loop3A_388 = tpu.vector_load_idx %arg7[%parallel_loop3A_346, %parallel_loop3A_387] : memref<256x128xf32, #tpu.memory_space<vmem>>[vector<16xi32>, vector<16xi32>], vector<16xf32>,
        tpu.vector_store_idx %arg9[%parallel_loop3A_387, %parallel_loop3A_346], %parallel_loop3A_388 : memref<64x256xf32, #tpu.memory_space<vmem>>[vector<16xi32>, vector<16xi32>], vector<16xf32>,
        %parallel_loop3A_389 = vector.broadcast %parallel_loop3A_340 : i32 to vector<16xi32>
        %parallel_loop3A_390 = arith.addi %parallel_loop3A_389, %rem3A_139 : vector<16xi32>
        %parallel_loop3A_391 = tpu.vector_load_idx %arg7[%parallel_loop3A_346, %parallel_loop3A_390] : memref<256x128xf32, #tpu.memory_space<vmem>>[vector<16xi32>, vector<16xi32>], vector<16xf32>,
        tpu.vector_store_idx %arg9[%parallel_loop3A_390, %parallel_loop3A_346], %parallel_loop3A_391 : memref<64x256xf32, #tpu.memory_space<vmem>>[vector<16xi32>, vector<16xi32>], vector<16xf32>,
        %parallel_loop3A_392 = vector.broadcast %parallel_loop3A_340 : i32 to vector<16xi32>
        %parallel_loop3A_393 = arith.addi %parallel_loop3A_392, %rem3A_145 : vector<16xi32>
        %parallel_loop3A_394 = tpu.vector_load_idx %arg7[%parallel_loop3A_346, %parallel_loop3A_393] : memref<256x128xf32, #tpu.memory_space<vmem>>[vector<16xi32>, vector<16xi32>], vector<16xf32>,
        tpu.vector_store_idx %arg9[%parallel_loop3A_393, %parallel_loop3A_346], %parallel_loop3A_394 : memref<64x256xf32, #tpu.memory_space<vmem>>[vector<16xi32>, vector<16xi32>], vector<16xf32>,
      } {sc.loop_unroll_factor = 2 : i64, sc.parallel_access}
      %add3A_293 = arith.constant 0 : i32
      %add3A_294 = arith.addi %mul3A_2, %add3A_293 : i32
      %dma_start3A_295 = arith.constant 0 : i32
      %dma_start3A_296 = tpu.memref_slice %arg4[%add3A_264, %dma_start3A_295, %add3A_294] : memref<200x64x16384xf32, #tpu.memory_space<hbm>> -> memref<1x64x256xf32, #tpu.memory_space<hbm>>
      %dma_start3A_297 = tpu.memref_squeeze %dma_start3A_296 : memref<1x64x256xf32, #tpu.memory_space<hbm>> -> memref<64x256xf32, #tpu.memory_space<hbm>>
      %dma_start3A_298 = arith.constant 0 : i32
      %dma_start3A_299 = tpu.memref_slice %arg4[%add3A_264, %dma_start3A_298, %add3A_294] : memref<200x64x16384xf32, #tpu.memory_space<hbm>> -> memref<1x64x256xf32, #tpu.memory_space<hbm>>
      %dma_start3A_300 = tpu.memref_squeeze %dma_start3A_299 : memref<1x64x256xf32, #tpu.memory_space<hbm>> -> memref<64x256xf32, #tpu.memory_space<hbm>>
      tpu.enqueue_dma source(%arg9 : memref<64x256xf32, #tpu.memory_space<vmem>>) target(%dma_start3A_300 : memref<64x256xf32, #tpu.memory_space<hbm>>) target_semaphore(%arg13 : memref<!tpu.dma_semaphore, #tpu.memory_space<semaphore_mem>>)
      %mul3A_301 = arith.constant 4 : i32
      %mul3A_302 = arith.muli %mul3A_301, %scan3A_182 : i32
      %add3A_303 = arith.constant 3 : i32
      %add3A_304 = arith.addi %mul3A_302, %add3A_303 : i32
      %mul3A_305 = arith.constant 2 : i32
      %mul3A_306 = arith.muli %mul3A_305, %scan3A_182 : i32
      %add3A_307 = arith.constant 1 : i32
      %add3A_308 = arith.addi %mul3A_306, %add3A_307 : i32
      %mul3A_309 = arith.constant 2 : i32
      %mul3A_310 = arith.muli %mul3A_309, %scan3A_182 : i32
      %add3A_311 = arith.constant 2 : i32
      %add3A_312 = arith.addi %mul3A_310, %add3A_311 : i32
      %add3A_313 = arith.constant 1 : i32
      %add3A_314 = arith.addi %add3A_304, %add3A_313 : i32
      %lt3A_315 = arith.constant 400 : i32
      %lt3A_316 = arith.cmpi slt, %add3A_314, %lt3A_315 : i32
      %convert_element_type3A_317 = arith.extui %lt3A_316 : i1 to i32
      %cond3A_318 = arith.constant 0 : i32
      %cond3A_319 = arith.cmpi ne, %convert_element_type3A_317, %cond3A_318 : i32
      scf.if %cond3A_319 {
        %ge3A = arith.constant 1 : i32
        %ge3A_336 = arith.cmpi sge, %add3A_304, %ge3A : i32
        %convert_element_type3A_337 = arith.extui %ge3A_336 : i1 to i32
        %cond3A_338 = arith.constant 0 : i32
        %cond3A_339 = arith.cmpi ne, %convert_element_type3A_337, %cond3A_338 : i32
        scf.if %cond3A_339 {
          %mul3A_349 = arith.constant 2 : i32
          %mul3A_350 = arith.muli %mul3A_349, %scan3A_182 : i32
          %add3A_351 = arith.constant 1 : i32
          %add3A_352 = arith.addi %mul3A_350, %add3A_351 : i32
          %add3A_353 = arith.constant 0 : i32
          %add3A_354 = arith.addi %mul3A_2, %add3A_353 : i32
          %dma_wait3A_355 = arith.constant 0 : i32
          %dma_wait3A_356 = tpu.memref_slice %arg4[%add3A_352, %dma_wait3A_355, %add3A_354] : memref<200x64x16384xf32, #tpu.memory_space<hbm>> -> memref<1x64x256xf32, #tpu.memory_space<hbm>>
          %dma_wait3A_357 = tpu.memref_squeeze %dma_wait3A_356 : memref<1x64x256xf32, #tpu.memory_space<hbm>> -> memref<64x256xf32, #tpu.memory_space<hbm>>
          %dma_wait3A_358 = arith.constant 0 : i32
          %dma_wait3A_359 = tpu.memref_slice %arg4[%add3A_352, %dma_wait3A_358, %add3A_354] : memref<200x64x16384xf32, #tpu.memory_space<hbm>> -> memref<1x64x256xf32, #tpu.memory_space<hbm>>
          %dma_wait3A_360 = tpu.memref_squeeze %dma_wait3A_359 : memref<1x64x256xf32, #tpu.memory_space<hbm>> -> memref<64x256xf32, #tpu.memory_space<hbm>>
          tpu.wait_dma2 semaphore(%arg13 : memref<!tpu.dma_semaphore, #tpu.memory_space<semaphore_mem>>) src(%arg9 : memref<64x256xf32, #tpu.memory_space<vmem>>) dst(%dma_wait3A_360 : memref<64x256xf32, #tpu.memory_space<hbm>>)
        } else {
        }
        %dma_wait3A_340 = tpu.memref_slice %arg3[%add3A_312, %mul3A_2] : memref<200x16384xi32, #tpu.memory_space<hbm>> -> memref<1x512xi32, #tpu.memory_space<hbm>>
        %dma_wait3A_341 = tpu.memref_squeeze %dma_wait3A_340 : memref<1x512xi32, #tpu.memory_space<hbm>> -> memref<512xi32, #tpu.memory_space<hbm>>
        %dma_wait3A_342 = tpu.memref_slice %arg3[%add3A_312, %mul3A_2] : memref<200x16384xi32, #tpu.memory_space<hbm>> -> memref<1x512xi32, #tpu.memory_space<hbm>>
        %dma_wait3A_343 = tpu.memref_squeeze %dma_wait3A_342 : memref<1x512xi32, #tpu.memory_space<hbm>> -> memref<512xi32, #tpu.memory_space<hbm>>
        tpu.wait_dma2 semaphore(%arg15 : memref<!tpu.dma_semaphore, #tpu.memory_space<semaphore_mem>>) src(%dma_wait3A_343 : memref<512xi32, #tpu.memory_space<hbm>>) dst(%arg5 : memref<512xi32, #tpu.memory_space<vmem>>)
        %dma_start3A_344 = arith.constant 0 : i32
        %dma_start3A_345 = tpu.memref_slice %arg5[%dma_start3A_344] : memref<512xi32, #tpu.memory_space<vmem>> -> memref<256xi32, #tpu.memory_space<vmem>>
        %dma_start3A_346 = arith.constant 0 : i32
        %dma_start3A_347 = arith.constant 0 : i32
        %dma_start3A_348 = tpu.memref_slice %arg2[%dma_start3A_346, %dma_start3A_347] : memref<100000x128xf32, #tpu.memory_space<hbm>> -> memref<100000x128xf32, #tpu.memory_space<hbm>>
        tpu.enqueue_indirect_dma source(%dma_start3A_348 : memref<100000x128xf32, #tpu.memory_space<hbm>>) target(%arg7 : memref<256x128xf32, #tpu.memory_space<vmem>>) offsets(%dma_start3A_345 : memref<256xi32, #tpu.memory_space<vmem>>) semaphore(%arg11 : memref<!tpu.dma_semaphore, #tpu.memory_space<semaphore_mem>>)
      } else {
      }
      %dma_wait3A_320 = arith.constant 256 : i32
      %dma_wait3A_321 = tpu.memref_slice %arg6[%dma_wait3A_320] : memref<512xi32, #tpu.memory_space<vmem>> -> memref<256xi32, #tpu.memory_space<vmem>>
      %dma_wait3A_322 = arith.constant 0 : i32
      %dma_wait3A_323 = arith.constant 0 : i32
      %dma_wait3A_324 = tpu.memref_slice %arg2[%dma_wait3A_322, %dma_wait3A_323] : memref<100000x128xf32, #tpu.memory_space<hbm>> -> memref<100000x128xf32, #tpu.memory_space<hbm>>
      tpu.wait_indirect_dma semaphore(%arg12 : memref<!tpu.dma_semaphore, #tpu.memory_space<semaphore_mem>>) src(%dma_wait3A_324 : memref<100000x128xf32, #tpu.memory_space<hbm>>) dst(%arg8 : memref<256x128xf32, #tpu.memory_space<vmem>>)
      %parallel_loop3A_325 = arith.constant 0 : i32
      %parallel_loop3A_326 = arith.constant 64 : i32
      %parallel_loop3A_327 = arith.constant 1 : i32
      scf.for %parallel_loop3A_336 = %parallel_loop3A_325 to %parallel_loop3A_326 step %parallel_loop3A_327  : i32 {
        %parallel_loop3A_337 = arith.constant 3 : i32
        %parallel_loop3A_338 = arith.andi %parallel_loop3A_336, %parallel_loop3A_337 : i32
        %parallel_loop3A_339 = arith.constant 16 : i32
        %parallel_loop3A_340 = arith.muli %parallel_loop3A_338, %parallel_loop3A_339 : i32
        %parallel_loop3A_341 = arith.constant 2 : i32
        %parallel_loop3A_342 = arith.shrsi %parallel_loop3A_336, %parallel_loop3A_341 : i32
        %parallel_loop3A_343 = arith.constant 16 : i32
        %parallel_loop3A_344 = arith.muli %parallel_loop3A_342, %parallel_loop3A_343 : i32
        %parallel_loop3A_345 = vector.broadcast %parallel_loop3A_344 : i32 to vector<16xi32>
        %parallel_loop3A_346 = arith.addi %iota3A, %parallel_loop3A_345 : vector<16xi32>
        %parallel_loop3A_347 = vector.broadcast %parallel_loop3A_340 : i32 to vector<16xi32>
        %parallel_loop3A_348 = arith.addi %parallel_loop3A_347, %rem3A_55 : vector<16xi32>
        %parallel_loop3A_349 = tpu.vector_load_idx %arg8[%parallel_loop3A_346, %parallel_loop3A_348] : memref<256x128xf32, #tpu.memory_space<vmem>>[vector<16xi32>, vector<16xi32>], vector<16xf32>,
        tpu.vector_store_idx %arg10[%parallel_loop3A_348, %parallel_loop3A_346], %parallel_loop3A_349 : memref<64x256xf32, #tpu.memory_space<vmem>>[vector<16xi32>, vector<16xi32>], vector<16xf32>,
        %parallel_loop3A_350 = vector.broadcast %parallel_loop3A_340 : i32 to vector<16xi32>
        %parallel_loop3A_351 = arith.addi %parallel_loop3A_350, %rem3A_61 : vector<16xi32>
        %parallel_loop3A_352 = tpu.vector_load_idx %arg8[%parallel_loop3A_346, %parallel_loop3A_351] : memref<256x128xf32, #tpu.memory_space<vmem>>[vector<16xi32>, vector<16xi32>], vector<16xf32>,
        tpu.vector_store_idx %arg10[%parallel_loop3A_351, %parallel_loop3A_346], %parallel_loop3A_352 : memref<64x256xf32, #tpu.memory_space<vmem>>[vector<16xi32>, vector<16xi32>], vector<16xf32>,
        %parallel_loop3A_353 = vector.broadcast %parallel_loop3A_340 : i32 to vector<16xi32>
        %parallel_loop3A_354 = arith.addi %parallel_loop3A_353, %rem3A_67 : vector<16xi32>
        %parallel_loop3A_355 = tpu.vector_load_idx %arg8[%parallel_loop3A_346, %parallel_loop3A_354] : memref<256x128xf32, #tpu.memory_space<vmem>>[vector<16xi32>, vector<16xi32>], vector<16xf32>,
        tpu.vector_store_idx %arg10[%parallel_loop3A_354, %parallel_loop3A_346], %parallel_loop3A_355 : memref<64x256xf32, #tpu.memory_space<vmem>>[vector<16xi32>, vector<16xi32>], vector<16xf32>,
        %parallel_loop3A_356 = vector.broadcast %parallel_loop3A_340 : i32 to vector<16xi32>
        %parallel_loop3A_357 = arith.addi %parallel_loop3A_356, %rem3A_73 : vector<16xi32>
        %parallel_loop3A_358 = tpu.vector_load_idx %arg8[%parallel_loop3A_346, %parallel_loop3A_357] : memref<256x128xf32, #tpu.memory_space<vmem>>[vector<16xi32>, vector<16xi32>], vector<16xf32>,
        tpu.vector_store_idx %arg10[%parallel_loop3A_357, %parallel_loop3A_346], %parallel_loop3A_358 : memref<64x256xf32, #tpu.memory_space<vmem>>[vector<16xi32>, vector<16xi32>], vector<16xf32>,
        %parallel_loop3A_359 = vector.broadcast %parallel_loop3A_340 : i32 to vector<16xi32>
        %parallel_loop3A_360 = arith.addi %parallel_loop3A_359, %rem3A_79 : vector<16xi32>
        %parallel_loop3A_361 = tpu.vector_load_idx %arg8[%parallel_loop3A_346, %parallel_loop3A_360] : memref<256x128xf32, #tpu.memory_space<vmem>>[vector<16xi32>, vector<16xi32>], vector<16xf32>,
        tpu.vector_store_idx %arg10[%parallel_loop3A_360, %parallel_loop3A_346], %parallel_loop3A_361 : memref<64x256xf32, #tpu.memory_space<vmem>>[vector<16xi32>, vector<16xi32>], vector<16xf32>,
        %parallel_loop3A_362 = vector.broadcast %parallel_loop3A_340 : i32 to vector<16xi32>
        %parallel_loop3A_363 = arith.addi %parallel_loop3A_362, %rem3A_85 : vector<16xi32>
        %parallel_loop3A_364 = tpu.vector_load_idx %arg8[%parallel_loop3A_346, %parallel_loop3A_363] : memref<256x128xf32, #tpu.memory_space<vmem>>[vector<16xi32>, vector<16xi32>], vector<16xf32>,
        tpu.vector_store_idx %arg10[%parallel_loop3A_363, %parallel_loop3A_346], %parallel_loop3A_364 : memref<64x256xf32, #tpu.memory_space<vmem>>[vector<16xi32>, vector<16xi32>], vector<16xf32>,
        %parallel_loop3A_365 = vector.broadcast %parallel_loop3A_340 : i32 to vector<16xi32>
        %parallel_loop3A_366 = arith.addi %parallel_loop3A_365, %rem3A_91 : vector<16xi32>
        %parallel_loop3A_367 = tpu.vector_load_idx %arg8[%parallel_loop3A_346, %parallel_loop3A_366] : memref<256x128xf32, #tpu.memory_space<vmem>>[vector<16xi32>, vector<16xi32>], vector<16xf32>,
        tpu.vector_store_idx %arg10[%parallel_loop3A_366, %parallel_loop3A_346], %parallel_loop3A_367 : memref<64x256xf32, #tpu.memory_space<vmem>>[vector<16xi32>, vector<16xi32>], vector<16xf32>,
        %parallel_loop3A_368 = vector.broadcast %parallel_loop3A_340 : i32 to vector<16xi32>
        %parallel_loop3A_369 = arith.addi %parallel_loop3A_368, %rem3A_97 : vector<16xi32>
        %parallel_loop3A_370 = tpu.vector_load_idx %arg8[%parallel_loop3A_346, %parallel_loop3A_369] : memref<256x128xf32, #tpu.memory_space<vmem>>[vector<16xi32>, vector<16xi32>], vector<16xf32>,
        tpu.vector_store_idx %arg10[%parallel_loop3A_369, %parallel_loop3A_346], %parallel_loop3A_370 : memref<64x256xf32, #tpu.memory_space<vmem>>[vector<16xi32>, vector<16xi32>], vector<16xf32>,
        %parallel_loop3A_371 = vector.broadcast %parallel_loop3A_340 : i32 to vector<16xi32>
        %parallel_loop3A_372 = arith.addi %parallel_loop3A_371, %rem3A_103 : vector<16xi32>
        %parallel_loop3A_373 = tpu.vector_load_idx %arg8[%parallel_loop3A_346, %parallel_loop3A_372] : memref<256x128xf32, #tpu.memory_space<vmem>>[vector<16xi32>, vector<16xi32>], vector<16xf32>,
        tpu.vector_store_idx %arg10[%parallel_loop3A_372, %parallel_loop3A_346], %parallel_loop3A_373 : memref<64x256xf32, #tpu.memory_space<vmem>>[vector<16xi32>, vector<16xi32>], vector<16xf32>,
        %parallel_loop3A_374 = vector.broadcast %parallel_loop3A_340 : i32 to vector<16xi32>
        %parallel_loop3A_375 = arith.addi %parallel_loop3A_374, %rem3A_109 : vector<16xi32>
        %parallel_loop3A_376 = tpu.vector_load_idx %arg8[%parallel_loop3A_346, %parallel_loop3A_375] : memref<256x128xf32, #tpu.memory_space<vmem>>[vector<16xi32>, vector<16xi32>], vector<16xf32>,
        tpu.vector_store_idx %arg10[%parallel_loop3A_375, %parallel_loop3A_346], %parallel_loop3A_376 : memref<64x256xf32, #tpu.memory_space<vmem>>[vector<16xi32>, vector<16xi32>], vector<16xf32>,
        %parallel_loop3A_377 = vector.broadcast %parallel_loop3A_340 : i32 to vector<16xi32>
        %parallel_loop3A_378 = arith.addi %parallel_loop3A_377, %rem3A_115 : vector<16xi32>
        %parallel_loop3A_379 = tpu.vector_load_idx %arg8[%parallel_loop3A_346, %parallel_loop3A_378] : memref<256x128xf32, #tpu.memory_space<vmem>>[vector<16xi32>, vector<16xi32>], vector<16xf32>,
        tpu.vector_store_idx %arg10[%parallel_loop3A_378, %parallel_loop3A_346], %parallel_loop3A_379 : memref<64x256xf32, #tpu.memory_space<vmem>>[vector<16xi32>, vector<16xi32>], vector<16xf32>,
        %parallel_loop3A_380 = vector.broadcast %parallel_loop3A_340 : i32 to vector<16xi32>
        %parallel_loop3A_381 = arith.addi %parallel_loop3A_380, %rem3A_121 : vector<16xi32>
        %parallel_loop3A_382 = tpu.vector_load_idx %arg8[%parallel_loop3A_346, %parallel_loop3A_381] : memref<256x128xf32, #tpu.memory_space<vmem>>[vector<16xi32>, vector<16xi32>], vector<16xf32>,
        tpu.vector_store_idx %arg10[%parallel_loop3A_381, %parallel_loop3A_346], %parallel_loop3A_382 : memref<64x256xf32, #tpu.memory_space<vmem>>[vector<16xi32>, vector<16xi32>], vector<16xf32>,
        %parallel_loop3A_383 = vector.broadcast %parallel_loop3A_340 : i32 to vector<16xi32>
        %parallel_loop3A_384 = arith.addi %parallel_loop3A_383, %rem3A_127 : vector<16xi32>
        %parallel_loop3A_385 = tpu.vector_load_idx %arg8[%parallel_loop3A_346, %parallel_loop3A_384] : memref<256x128xf32, #tpu.memory_space<vmem>>[vector<16xi32>, vector<16xi32>], vector<16xf32>,
        tpu.vector_store_idx %arg10[%parallel_loop3A_384, %parallel_loop3A_346], %parallel_loop3A_385 : memref<64x256xf32, #tpu.memory_space<vmem>>[vector<16xi32>, vector<16xi32>], vector<16xf32>,
        %parallel_loop3A_386 = vector.broadcast %parallel_loop3A_340 : i32 to vector<16xi32>
        %parallel_loop3A_387 = arith.addi %parallel_loop3A_386, %rem3A_133 : vector<16xi32>
        %parallel_loop3A_388 = tpu.vector_load_idx %arg8[%parallel_loop3A_346, %parallel_loop3A_387] : memref<256x128xf32, #tpu.memory_space<vmem>>[vector<16xi32>, vector<16xi32>], vector<16xf32>,
        tpu.vector_store_idx %arg10[%parallel_loop3A_387, %parallel_loop3A_346], %parallel_loop3A_388 : memref<64x256xf32, #tpu.memory_space<vmem>>[vector<16xi32>, vector<16xi32>], vector<16xf32>,
        %parallel_loop3A_389 = vector.broadcast %parallel_loop3A_340 : i32 to vector<16xi32>
        %parallel_loop3A_390 = arith.addi %parallel_loop3A_389, %rem3A_139 : vector<16xi32>
        %parallel_loop3A_391 = tpu.vector_load_idx %arg8[%parallel_loop3A_346, %parallel_loop3A_390] : memref<256x128xf32, #tpu.memory_space<vmem>>[vector<16xi32>, vector<16xi32>], vector<16xf32>,
        tpu.vector_store_idx %arg10[%parallel_loop3A_390, %parallel_loop3A_346], %parallel_loop3A_391 : memref<64x256xf32, #tpu.memory_space<vmem>>[vector<16xi32>, vector<16xi32>], vector<16xf32>,
        %parallel_loop3A_392 = vector.broadcast %parallel_loop3A_340 : i32 to vector<16xi32>
        %parallel_loop3A_393 = arith.addi %parallel_loop3A_392, %rem3A_145 : vector<16xi32>
        %parallel_loop3A_394 = tpu.vector_load_idx %arg8[%parallel_loop3A_346, %parallel_loop3A_393] : memref<256x128xf32, #tpu.memory_space<vmem>>[vector<16xi32>, vector<16xi32>], vector<16xf32>,
        tpu.vector_store_idx %arg10[%parallel_loop3A_393, %parallel_loop3A_346], %parallel_loop3A_394 : memref<64x256xf32, #tpu.memory_space<vmem>>[vector<16xi32>, vector<16xi32>], vector<16xf32>,
      } {sc.loop_unroll_factor = 2 : i64, sc.parallel_access}
      %add3A_328 = arith.constant 256 : i32
      %add3A_329 = arith.addi %mul3A_2, %add3A_328 : i32
      %dma_start3A_330 = arith.constant 0 : i32
      %dma_start3A_331 = tpu.memref_slice %arg4[%add3A_308, %dma_start3A_330, %add3A_329] : memref<200x64x16384xf32, #tpu.memory_space<hbm>> -> memref<1x64x256xf32, #tpu.memory_space<hbm>>
      %dma_start3A_332 = tpu.memref_squeeze %dma_start3A_331 : memref<1x64x256xf32, #tpu.memory_space<hbm>> -> memref<64x256xf32, #tpu.memory_space<hbm>>
      %dma_start3A_333 = arith.constant 0 : i32
      %dma_start3A_334 = tpu.memref_slice %arg4[%add3A_308, %dma_start3A_333, %add3A_329] : memref<200x64x16384xf32, #tpu.memory_space<hbm>> -> memref<1x64x256xf32, #tpu.memory_space<hbm>>
      %dma_start3A_335 = tpu.memref_squeeze %dma_start3A_334 : memref<1x64x256xf32, #tpu.memory_space<hbm>> -> memref<64x256xf32, #tpu.memory_space<hbm>>
      tpu.enqueue_dma source(%arg10 : memref<64x256xf32, #tpu.memory_space<vmem>>) target(%dma_start3A_335 : memref<64x256xf32, #tpu.memory_space<hbm>>) target_semaphore(%arg14 : memref<!tpu.dma_semaphore, #tpu.memory_space<semaphore_mem>>)
    }
    %scan3A_163 = arith.constant 100 : i32
    %add3A_164 = arith.constant 0 : i32
    %add3A_165 = arith.addi %mul3A_2, %add3A_164 : i32
    %dma_wait3A_166 = arith.constant 199 : i32
    %dma_wait3A_167 = arith.constant 0 : i32
    %dma_wait3A_168 = tpu.memref_slice %arg4[%dma_wait3A_166, %dma_wait3A_167, %add3A_165] : memref<200x64x16384xf32, #tpu.memory_space<hbm>> -> memref<1x64x256xf32, #tpu.memory_space<hbm>>
    %dma_wait3A_169 = tpu.memref_squeeze %dma_wait3A_168 : memref<1x64x256xf32, #tpu.memory_space<hbm>> -> memref<64x256xf32, #tpu.memory_space<hbm>>
    %dma_wait3A_170 = arith.constant 0 : i32
    %dma_wait3A_171 = tpu.memref_slice %arg4[%dma_wait3A_166, %dma_wait3A_170, %add3A_165] : memref<200x64x16384xf32, #tpu.memory_space<hbm>> -> memref<1x64x256xf32, #tpu.memory_space<hbm>>
    %dma_wait3A_172 = tpu.memref_squeeze %dma_wait3A_171 : memref<1x64x256xf32, #tpu.memory_space<hbm>> -> memref<64x256xf32, #tpu.memory_space<hbm>>
    tpu.wait_dma2 semaphore(%arg13 : memref<!tpu.dma_semaphore, #tpu.memory_space<semaphore_mem>>) src(%arg9 : memref<64x256xf32, #tpu.memory_space<vmem>>) dst(%dma_wait3A_172 : memref<64x256xf32, #tpu.memory_space<hbm>>)
    %add3A_173 = arith.constant 256 : i32
    %add3A_174 = arith.addi %mul3A_2, %add3A_173 : i32
    %dma_wait3A_175 = arith.constant 199 : i32
    %dma_wait3A_176 = arith.constant 0 : i32
    %dma_wait3A_177 = tpu.memref_slice %arg4[%dma_wait3A_175, %dma_wait3A_176, %add3A_174] : memref<200x64x16384xf32, #tpu.memory_space<hbm>> -> memref<1x64x256xf32, #tpu.memory_space<hbm>>
    %dma_wait3A_178 = tpu.memref_squeeze %dma_wait3A_177 : memref<1x64x256xf32, #tpu.memory_space<hbm>> -> memref<64x256xf32, #tpu.memory_space<hbm>>
    %dma_wait3A_179 = arith.constant 0 : i32
    %dma_wait3A_180 = tpu.memref_slice %arg4[%dma_wait3A_175, %dma_wait3A_179, %add3A_174] : memref<200x64x16384xf32, #tpu.memory_space<hbm>> -> memref<1x64x256xf32, #tpu.memory_space<hbm>>
    %dma_wait3A_181 = tpu.memref_squeeze %dma_wait3A_180 : memref<1x64x256xf32, #tpu.memory_space<hbm>> -> memref<64x256xf32, #tpu.memory_space<hbm>>
    tpu.wait_dma2 semaphore(%arg14 : memref<!tpu.dma_semaphore, #tpu.memory_space<semaphore_mem>>) src(%arg10 : memref<64x256xf32, #tpu.memory_space<vmem>>) dst(%dma_wait3A_181 : memref<64x256xf32, #tpu.memory_space<hbm>>)
    return
  }
}

</mosaic_0001>

<sc_bundles>
// kernel: kernel.3.cloned.1.call-start
scs
__scs_entry_jumppad:
0x0: {  	(pc) =	sbr.rel $0x88, $3  }
0x1: {  	(tag) =	ssettag $0x0;
	lr =	simm.s32 $0x1  }
0x2: {  	[smem:$0x3F9F] =	sst lr;
	_ =	strace $0xD0000000  }
0x3: {  	_ = 	snop  }
0x4: {  	_ = 	snop  }
0x5: {  	_ = 	snop  }
0x6: {  	_ = 	snop  }
0x7: {  	_ = 	snop  }
__scs_overlays_trampoline_lowered:
0x8: {  	[smem:$0x3FAE] =	sst s0  }
0x9: {  	[smem:$0x3FAF] =	sst s1  }
0xa: {  	[smem:$0x3FB0] =	sst s2  }
0xb: {  	[smem:$0x3FB1] =	sst s3  }
0xc: {  	[smem:$0x3FB2] =	sst s4  }
0xd: {  	[smem:$0x3FB3] =	sst s5  }
0xe: {  	[smem:$0x3FB4] =	sst s6  }
0xf: {  	[smem:$0x3FB5] =	sst s7  }
0x10: {  	[smem:$0x3FB6] =	sst s8  }
0x11: {  	[smem:$0x3FB7] =	sst s9;
	s0 =	simm.s32 @!p0 $0x0  }
0x12: {  	s1 =	sld [smem:$0x3F9D];
	s0 =	simm.s32 @p0 $0x1  }
0x13: {  	[smem:$0x3FB8] =	sst s0;
	s0 =	simm.s32 @!p1 $0x0  }
0x14: {  	s2 =	sld [smem:$0x3F9C];
	s0 =	simm.s32 @p1 $0x1  }
0x15: {  	[smem:$0x3FB9] =	sst s0;
	s0 =	simm.s32 @!p2 $0x0  }
0x16: {  	s3 =	sld [smem:$0x3FDB];
	s0 =	simm.s32 @p2 $0x1  }
0x17: {  	s4 =	simm.s32 $0x1BF5;
	[smem:$0x3FBB] =	sst s0  }
0x18: {  	s0 =	sld [smem:$0x3F9E];
	_ =	swait.ge [sflag:s4], $0x0  }
0x19: {  	s7 =	sld [smem:$0x3F9F]  }
0x1a: {  	s8 =	sadd.s32 $0xFFFFE003, lr  }
0x1b: {  	s9 =	sadd.s32 $0xFFFFFEF7, lr;
	s5 =	simm.s32 $0xFFFFFFFF;
	p2 =	slt.u32 s8, $0xFFFFF086  }
0x1c: {  	p1 =	slt.u32 s9, $0xF7A;
	s5 =	simm.s32 @!p2 $0x0  }
0x1d: {  	s5 =	simm.s32 @p1 $0x1;
	p0 =	seq.s32 s7, s2  }
0x1e: {  	s7 =	smul.u32 @!p0 $0xF7A, s2;
	p2 =	seq.s32 @!p0 s5, $0x0  }
0x1f: {  	s9 =	smul.u32 $0xF7A, s1;
	s8 =	simm.s32 @!p0 $0x1BF5;
	p2 =	por !p2, p0  }
0x20: {  	[sflag:s8] =	ssyncset.s32 @!p0 $0xFFFFF086;
	s6 =	sadd.s32 @!p0 s3, s7;
	s7 =	simm.s32 @!p0 $0x108  }
0x21: {  	s3 =	sadd.s32 s3, s9;
	s6 =	sadd.s32 @!p0 $0x88, s6;
	s7 =	simm.s32 @p2 $0x1082  }
0x22: {  	[simem:s7], [sflag:s8] =	dma.local @!p0 [hbm:s6], $0xF7A  }
0x23: {  	s9 =	sor.u32 $0xD0000000, s2;
	s6 =	simm.s32 $0x108;
	_ =	swait.ge @!p0 [sflag:s8], $0x0  }
0x24: {  	s3 =	sadd.s32 $0x88, s3;
	s6 =	simm.s32 @!p1 $0x1082;
	[sflag:s4] =	ssyncset.s32 $0xFFFFF086  }
0x25: {  	[simem:s6], [sflag:s4] =	dma.local [hbm:s3], $0xF7A  }
0x26: {  	[smem:$0x3F9F] =	sst s1;
	(tag) =	ssettag s2;
	_ =	strace s9  }
0x27: {  	s1 =	sld [smem:$0x3FAF]  }
0x28: {  	s2 =	sld [smem:$0x3FB0]  }
0x29: {  	s4 =	sld [smem:$0x3FB2]  }
0x2a: {  	p0 =	seq.s32 s5, $0x0;
	s5 =	sld [smem:$0x3FB3]  }
0x2b: {  	s6 =	sld [smem:$0x3FB4]  }
0x2c: {  	s7 =	sld [smem:$0x3FB5]  }
0x2d: {  	s3 =	simm.s32 $0x108;
	s8 =	sld [smem:$0x3FB6]  }
0x2e: {  	s3 =	simm.s32 @!p0 $0x1082;
	s9 =	sld [smem:$0x3FB7]  }
0x2f: {  	lr =	sadd.s32 s0, s3;
	s0 =	sld [smem:$0x3FAE]  }
0x30: {  	s3 =	sld [smem:$0x3FB1]  }
0x31: {  	[smem:$0x3FBA] =	sst s10  }
0x32: {  	s10 =	sld [smem:$0x3FB8];
	_ =	sdelay $0x3  }
0x33: {  	p0 =	seq.s32 s10, $0x1;
	s10 =	sld [smem:$0x3FBA];
	_ =	sdelay $0x3  }
0x34: {  	[smem:$0x3FBA] =	sst s10  }
0x35: {  	s10 =	sld [smem:$0x3FB9];
	_ =	sdelay $0x3  }
0x36: {  	p1 =	seq.s32 s10, $0x1;
	s10 =	sld [smem:$0x3FBA];
	_ =	sdelay $0x3  }
0x37: {  	[smem:$0x3FBA] =	sst s10  }
0x38: {  	s10 =	sld [smem:$0x3FBB]  }
0x39: {  	_ = 	snop;
	(pc) =	sbr.ind lr, $3  }
0x3a: {  	_ = 	snop  }
0x3b: {  	_ = 	snop  }
0x3c: {  	p2 =	seq.s32 s10, $0x1;
	s10 =	sld [smem:$0x3FBA]  }
0x3d: {  	_ =	shalt  }
0x3e: {  	_ =	shalt  }
0x3f: {  	_ =	shalt  }
0x40: {  	_ =	shalt  }
0x41: {  	_ =	shalt  }
0x42: {  	_ =	shalt  }
0x43: {  	_ =	shalt  }
0x44: {  	_ =	shalt  }
0x45: {  	_ =	shalt  }
0x46: {  	_ =	shalt  }
0x47: {  	_ =	shalt  }
0x48: {  	_ =	shalt  }
0x49: {  	_ =	shalt  }
0x4a: {  	_ =	shalt  }
0x4b: {  	_ =	shalt  }
0x4c: {  	_ =	shalt  }
0x4d: {  	_ =	shalt  }
0x4e: {  	_ =	shalt  }
0x4f: {  	_ =	shalt  }
0x50: {  	_ =	shalt  }
0x51: {  	_ =	shalt  }
0x52: {  	_ =	shalt  }
0x53: {  	_ =	shalt  }
0x54: {  	_ =	shalt  }
0x55: {  	_ =	shalt  }
0x56: {  	_ =	shalt  }
0x57: {  	_ =	shalt  }
0x58: {  	_ =	shalt  }
0x59: {  	_ =	shalt  }
0x5a: {  	_ =	shalt  }
0x5b: {  	_ =	shalt  }
0x5c: {  	_ =	shalt  }
0x5d: {  	_ =	shalt  }
0x5e: {  	_ =	shalt  }
0x5f: {  	_ =	shalt  }
0x60: {  	_ =	shalt  }
0x61: {  	_ =	shalt  }
0x62: {  	_ =	shalt  }
0x63: {  	_ =	shalt  }
0x64: {  	_ =	shalt  }
0x65: {  	_ =	shalt  }
0x66: {  	_ =	shalt  }
0x67: {  	_ =	shalt  }
0x68: {  	_ =	shalt  }
0x69: {  	_ =	shalt  }
0x6a: {  	_ =	shalt  }
0x6b: {  	_ =	shalt  }
0x6c: {  	_ =	shalt  }
0x6d: {  	_ =	shalt  }
0x6e: {  	_ =	shalt  }
0x6f: {  	_ =	shalt  }
0x70: {  	_ =	shalt  }
0x71: {  	_ =	shalt  }
0x72: {  	_ =	shalt  }
0x73: {  	_ =	shalt  }
0x74: {  	_ =	shalt  }
0x75: {  	_ =	shalt  }
0x76: {  	_ =	shalt  }
0x77: {  	_ =	shalt  }
0x78: {  	_ =	shalt  }
0x79: {  	_ =	shalt  }
0x7a: {  	_ =	shalt  }
0x7b: {  	_ =	shalt  }
0x7c: {  	_ =	shalt  }
0x7d: {  	_ =	shalt  }
0x7e: {  	_ =	shalt  }
0x7f: {  	_ =	shalt  }
0x80: {  	_ =	shalt  }
0x81: {  	_ =	shalt  }
0x82: {  	_ =	shalt  }
0x83: {  	_ =	shalt  }
0x84: {  	_ =	shalt  }
0x85: {  	_ =	shalt  }
0x86: {  	_ =	shalt  }
0x87: {  	_ =	shalt  }
.Lfunc_end0:
.L_simem_size_0:
called_computation_lowered:
.L_overlay_start_0:
0x88: {  	s2 =	sld [smem:$0x3FD9]  }
0x89: {  	s3 =	sld [smem:$0x3FFE];
	_ =	sdelay $0x1  }
0x8a: {  	s1 =	srdreg.scid  }
0x8b: {  	s0 =	sand.u32 $0x1, s1  }
0x8c: {  	s17 =	sshll.u32 s0, $0xA;
	s2 =	sadd.s32 s3, s2  }
0x8d: {  	s2 =	sadd.s32 s2, s17  }
0x8e: {  	[smem:$0x3FC6] =	sst s2  }
0x8f: {  	_ = 	snop  }
0x90: {  	s2 =	sld [smem:$0x3FC9]  }
0x91: {  	s18 =	sld [smem:$0x3FD0];
	(tm) =	ssettm $0x1  }
0x92: {  	s4 =	sld [smem:$0x3FFB];
	_ =	sdelay $0x3  }
0x93: {  	_ =	strace s4  }
0x94: {  	s4 =	sld [smem:$0x3FFC];
	_ =	sdelay $0x3  }
0x95: {  	_ =	strace s4  }
0x96: {  	s4 =	sld [smem:$0x3FFD];
	_ =	sdelay $0x3  }
0x97: {  	_ =	strace s4  }
0x98: {  	_ =	strace $0x8FFFFFFF  }
0x99: {  	s19 =	sld [smem:$0x3FDB];
	_ =	sdelay $0x1  }
0x9a: {  	s5 =	simm.s32 $_scs_section_size  }
0x9b: {  	s6 =	simm.s32 $_size__tile_overlayer_lowered;
	s7 =	simm.s32 $_tile_overlayer_lowered  }
0x9c: {  	s22 =	simm.s32 $0x1BFF;
	s21 =	sshll.u32 s7, $0x1;
	s4 =	sadd.s32 s5, s19  }
0x9d: {  	s8 =	simm.s32 $0x0;
	s20 =	sshll.u32 s6, $0x1;
	s6 =	sadd.s32 s21, s4  }
0x9e: {  	[timem:s8], [sflag:s22] =	dma.local [hbm:s6], s20  }
0x9f: {  	_ =	swait.ge [sflag:s22], s20  }
0xa0: {  	s5 =	ssub.s32 $0x0, s20;
	[sflag:s22] =	ssyncset.done $0x0  }
0xa1: {  	[sflag:s22] =	ssyncadd.s32 s5;
	_ =	sdelay $0x1  }
0xa2: {  	s23 =	simm.s32 $0x1B8B  }
0xa3: {  	_ =	swait.ge [sflag:s23], $0x1  }
0xa4: {  	[sflag:s23] =	ssyncset.done $0x0  }
0xa5: {  	s25 =	simm.s32 $0x1B8E;
	s24 =	sld [smem:$0x3FFE];
	[sflag:s23] =	ssyncadd.s32 $0xFFFFFFFF  }
0xa6: {  	s26 =	simm.s32 $execute0_lowered;
	[smem:$0x3FD2] =	sst s25  }
0xa7: {  	s6 =	sshll.u32 s26, $0x1;
	_ =	strace $0x80000046;
	[dreg:$0x1] =	wrdreg $0xFFFFFFFF  }
0xa8: {  	s28 =	simm.s32 $_size_execute0_lowered;
	s4 =	sadd.s32 s4, s6;
	[dreg:$0x0] =	wrdreg $0x0  }
0xa9: {  	s6 =	sshll.u32 s28, $0x1;
	[dreg:$0x2] =	wrdreg s4  }
0xaa: {  	[dreg:$0x3] =	wrdreg s6  }
0xab: {  	[dreg:$0x4] =	wrdreg $0xC0  }
0xac: {  	_ =	task [dreg:s8], $0x5FFFF  }
0xad: {  	[dreg:$0x1] =	wrdreg $0xFFFFFFFF  }
0xae: {  	[dreg:$0x0] =	wrdreg $0x60  }
0xaf: {  	[dreg:$0x2] =	wrdreg s24  }
0xb0: {  	[dreg:$0x3] =	wrdreg s2  }
0xb1: {  	[dreg:$0x4] =	wrdreg s18  }
0xb2: {  	[dreg:$0x5] =	wrdreg $0x9  }
0xb3: {  	_ =	task.clear_ibuf [dreg:s8], $0x6FFFF;
	_ =	strace $0x90000046  }
0xb4: {  	s29 =	simm.s32 $0x9;
	_ =	strace $0x80000048  }
0xb5: {  	_ =	swait.ge [sflag:s29], $0x1  }
0xb6: {  	[sflag:s29] =	ssyncadd.s32 $0xFFFFFFFF  }
0xb7: {  	_ =	strace $0x90000048  }
0xb8: {  	_ =	sfence  }
0xb9: {  	s30 =	sld [smem:$0x0];
	_ =	sdelay $0x2  }
0xba: {  	s31 =	sshll.u32 s1, $0xD;
	s1 =	sshrl.u32 s1, $0x2  }
0xbb: {  	s3 =	sand.u32 $0x4000, s31;
	s1 =	sadd.s32 s1, s30  }
0xbc: {  	s0 =	sor.u32 s3, s0;
	s1 =	sshll.u32 s1, $0x11  }
0xbd: {  	s0 =	sor.u32 s1, s0  }
0xbe: {  	s0 =	sadd.s32 $0x8F2B, s0  }
0xbf: {  	[sflag:s0] =	ssyncadd.remote.s32 $0x1  }
0xc0: {  	_ =	sfence.sel $0xFFFF  }
0xc1: {  	[dreg:$0x0] =	wrdreg $0xFFFFFFFF;
	(pc) =	sbr.abs _section_cstart, $3  }
0xc2: {  	[dreg:$0x1] =	wrdreg $0xFFFFFFFF  }
0xc3: {  	_ =	task.clear_ibuf [dreg:s8], $0x2FFFF;
	_ =	strace $0x9FFFFFFF  }
0xc4: {  	(tm) =	ssettm $0x7FFFFFFF  }
0xc5: {  	_ =	shalt  }
tec
execute0_lowered:
.L_overlay_start_1:
0x0: {  	(tag) =	ssettag $0x1  }
0x1: {  	v0 =	vlaneseq.u32;
	v2 =	vimm.s32 $0xFEDCBA9  }
0x2: {  	vm11 =	vcmask $0x300;
	v3 =	vimm.s32 $0x0;
	vm13 =	vcmask $0x704  }
0x3: {  	v4 =	vimm.s32 $0x87654321;
	vm12 =	vcmask $0xB08;
	vm10 =	vcmask $0xF0C  }
0x4: {  	vm9 =	vcmask $0x1310;
	vm8 =	vcmask $0x1714;
	vm7 =	vcmask $0x1B18  }
0x5: {  	vm6 =	vcmask $0x2320;
	vm5 =	vcmask $0x2724;
	vm4 =	vcmask $0x2B28  }
0x6: {  	vm2 =	vcmask $0x2F2C;
	vm1 =	vcmask $0x3330;
	vm0 =	vcmask $0x3734  }
0x7: {  	v6 =	vimm.s32 $0x98765432;
	vm3 =	vcmask $0x3B38;
	v8 =	vimm.s32 $0xA9876543  }
0x8: {  	v10 =	vimm.s32 $0xBA987654;
	v2 =	vunpack.c.l.s4.s8 v2;
	v3 =	vsel vm11, $0x80, v3  }
0x9: {  	v12 =	vimm.s32 $0xCBA98765;
	v4 =	vunpack.c.l.s4.s8 v4;
	v3 =	vsel vm13, $0x100, v3  }
0xa: {  	v28 =	vimm.s32 $0xEDCBA987;
	v3 =	vsel vm12, $0x180, v3;
	v33 =	vunpack.c.0.s8.s32 v2  }
0xb: {  	v17 =	vunpack.c.0.s8.s32 v4;
	v4 =	vimm.s32 $0x80;
	v2 =	vsel vm10, $0x200, v3  }
0xc: {  	v30 =	vimm.s32 $0x76543210;
	v4 =	vsel vm11, $0x100, v4;
	v2 =	vsel vm9, $0x280, v2  }
0xd: {  	v1 =	vand.u32 $0x7, v0;
	v4 =	vsel vm13, $0x180, v4;
	v2 =	vsel vm8, $0x300, v2  }
0xe: {  	v6 =	vunpack.c.l.s4.s8 v6;
	v4 =	vsel vm12, $0x200, v4;
	v2 =	vsel vm7, $0x380, v2  }
0xf: {  	v8 =	vunpack.c.l.s4.s8 v8;
	v4 =	vsel vm10, $0x280, v4;
	v2 =	vsel vm6, $0x80, v2  }
0x10: {  	v10 =	vunpack.c.l.s4.s8 v10;
	v4 =	vsel vm9, $0x300, v4;
	v2 =	vsel vm5, $0x100, v2  }
0x11: {  	v3 =	vcombine.low v17, v33;
	v4 =	vsel vm8, $0x380, v4;
	v2 =	vsel vm4, $0x180, v2  }
0x12: {  	v28 =	vunpack.c.l.s4.s8 v28;
	v4 =	vsel vm7, $0x0, v4;
	v5 =	vsel vm2, $0x200, v2  }
0x13: {  	v2 =	vand.u32 $0xF, v3;
	v3 =	vsel vm1, $0x280, v5;
	v5 =	vimm.s32 $0x10FEDCBA  }
0x14: {  	v30 =	vunpack.c.l.s4.s8 v30;
	v4 =	vsel vm6, $0x100, v4;
	v5 =	vunpack.c.l.s4.s8 v5  }
0x15: {  	v63 =	vmul.u32 $0x80, v1;
	v19 =	vunpack.c.0.s8.s32 v6;
	v4 =	vsel vm5, $0x180, v4  }
0x16: {  	v4 =	vsel vm4, $0x200, v4;
	v18 =	vunpack.c.0.s8.s32 v5;
	v5 =	vimm.s32 $0x100  }
0x17: {  	v21 =	vunpack.c.0.s8.s32 v8;
	v7 =	vsel vm2, $0x280, v4;
	v5 =	vsel vm11, $0x180, v5  }
0x18: {  	v6 =	vcombine.low v19, v18;
	v4 =	vsel vm13, $0x200, v5;
	v5 =	vimm.s32 $0x210FEDCB  }
0x19: {  	v23 =	vunpack.c.0.s8.s32 v10;
	v4 =	vsel vm12, $0x280, v4;
	v5 =	vunpack.c.l.s4.s8 v5  }
0x1a: {  	v3 =	vsel vm0, $0x300, v3;
	v9 =	vsel vm10, $0x300, v4;
	v4 =	vand.u32 $0xF, v6  }
0x1b: {  	v6 =	vsel vm1, $0x300, v7;
	v7 =	vsel vm9, $0x380, v9;
	v20 =	vunpack.c.0.s8.s32 v5  }
0x1c: {  	v1 =	vsel vm3, $0x380, v3;
	v6 =	vsel vm0, $0x380, v6;
	v5 =	vsel vm8, $0x0, v7  }
0x1d: {  	v7 =	vimm.s32 $0x180;
	v5 =	vsel vm7, $0x80, v5;
	v8 =	vcombine.low v21, v20  }
0x1e: {  	v3 =	vsel vm3, $0x0, v6;
	v7 =	vsel vm11, $0x200, v7;
	v9 =	vsel vm6, $0x180, v5  }
0x1f: {  	v7 =	vsel vm13, $0x280, v7;
	v9 =	vsel vm5, $0x200, v9;
	v6 =	vand.u32 $0xF, v8  }
0x20: {  	v7 =	vsel vm12, $0x300, v7;
	v8 =	vsel vm4, $0x280, v9;
	v9 =	vimm.s32 $0x3210FEDC  }
0x21: {  	v28 =	vunpack.c.0.s8.s32 v28;
	v7 =	vsel vm10, $0x380, v7;
	v9 =	vunpack.c.l.s4.s8 v9  }
0x22: {  	v17 =	vcombine.low v33, v17;
	v8 =	vsel vm2, $0x300, v8;
	v7 =	vsel vm9, $0x0, v7  }
0x23: {  	v7 =	vsel vm8, $0x80, v7;
	v22 =	vunpack.c.0.s8.s32 v9;
	v9 =	vimm.s32 $0x200  }
0x24: {  	v8 =	vsel vm1, $0x380, v8;
	v7 =	vsel vm7, $0x100, v7;
	v9 =	vsel vm11, $0x280, v9  }
0x25: {  	v8 =	vsel vm0, $0x0, v8;
	v7 =	vsel vm6, $0x200, v7;
	v9 =	vsel vm13, $0x300, v9  }
0x26: {  	v7 =	vsel vm5, $0x280, v7;
	v10 =	vcombine.low v23, v22;
	v9 =	vsel vm12, $0x380, v9  }
0x27: {  	v5 =	vsel vm3, $0x80, v8;
	v11 =	vsel vm4, $0x300, v7;
	v9 =	vsel vm10, $0x0, v9  }
0x28: {  	v11 =	vsel vm2, $0x380, v11;
	v8 =	vand.u32 $0xF, v10;
	v9 =	vsel vm9, $0x80, v9  }
0x29: {  	v10 =	vsel vm1, $0x0, v11;
	v11 =	vimm.s32 $0x43210FED;
	v9 =	vsel vm8, $0x100, v9  }
0x2a: {  	v10 =	vsel vm0, $0x80, v10;
	v11 =	vunpack.c.l.s4.s8 v11;
	v13 =	vsel vm7, $0x180, v9  }
0x2b: {  	v7 =	vsel vm3, $0x100, v10;
	v10 =	vunpack.c.l.s4.s8 v12;
	v12 =	vsel vm6, $0x280, v13  }
0x2c: {  	v24 =	vunpack.c.0.s8.s32 v11;
	v11 =	vsel vm5, $0x300, v12;
	v12 =	vimm.s32 $0x280  }
0x2d: {  	v25 =	vunpack.c.0.s8.s32 v10;
	v10 =	vsel vm4, $0x380, v11;
	v11 =	vsel vm11, $0x300, v12  }
0x2e: {  	v13 =	vimm.s32 $0xDCBA9876;
	v12 =	vimm.s32 $0x543210FE;
	v11 =	vsel vm13, $0x380, v11  }
0x2f: {  	v13 =	vunpack.c.l.s4.s8 v13;
	v12 =	vunpack.c.l.s4.s8 v12;
	v11 =	vsel vm12, $0x0, v11  }
0x30: {  	v14 =	vcombine.low v25, v24;
	v15 =	vsel vm2, $0x0, v10;
	v10 =	vsel vm10, $0x80, v11  }
0x31: {  	v27 =	vunpack.c.0.s8.s32 v13;
	v26 =	vunpack.c.0.s8.s32 v12;
	v11 =	vsel vm9, $0x100, v10  }
0x32: {  	v12 =	vsel vm1, $0x80, v15;
	v10 =	vand.u32 $0xF, v14;
	v11 =	vsel vm8, $0x180, v11  }
0x33: {  	v12 =	vsel vm0, $0x100, v12;
	v13 =	vcombine.low v27, v26;
	v14 =	vsel vm7, $0x200, v11  }
0x34: {  	v15 =	vimm.s32 $0x300;
	v16 =	vsel vm3, $0x180, v12;
	v14 =	vsel vm6, $0x300, v14  }
0x35: {  	v12 =	vand.u32 $0xF, v13;
	v13 =	vsel vm5, $0x380, v14;
	v14 =	vsel vm11, $0x380, v15  }
0x36: {  	s0 =	rddreg [dreg:$0x0];
	v30 =	vunpack.c.0.s8.s32 v30;
	v18 =	vcombine.low v18, v19;
	v14 =	vsel vm13, $0x0, v14  }
0x37: {  	s2 =	rddreg [dreg:$0x1];
	v17 =	vand.u32 $0xF, v17;
	v19 =	vcombine.low v20, v21;
	v14 =	vsel vm12, $0x80, v14  }
0x38: {  	s1 =	rddreg [dreg:$0x2];
	s4 =	simm.s32 $0x0;
	s3 =	srdreg.scid;
	v18 =	vand.u32 $0xF, v18;
	v20 =	vcombine.low v22, v23;
	v14 =	vsel vm10, $0x100, v14  }
0x39: {  	s30 =	stileid.u32;
	s9 =	simm.s32 $0x80;
	s10 =	simm.s32 $0x400;
	v19 =	vand.u32 $0xF, v19;
	v15 =	vimm.s32 $0x6543210F;
	v14 =	vsel vm9, $0x180, v14  }
0x3a: {  	s12 =	simm.s32 $0x100;
	s13 =	simm.s32 $0x8400;
	s14 =	simm.s32 $0x200;
	v20 =	vand.u32 $0xF, v20;
	v15 =	vunpack.c.l.s4.s8 v15;
	v14 =	vsel vm8, $0x200, v14  }
0x3b: {  	s15 =	simm.s32 $0x1;
	s16 =	simm.s32 $0x10400;
	s17 =	simm.s32 $0x800;
	v21 =	vcombine.low v24, v25;
	v13 =	vsel vm4, $0x0, v13;
	v14 =	vsel vm7, $0x280, v14  }
0x3c: {  	s18 =	simm.s32 $0x20000;
	s19 =	simm.s32 $0x3;
	s20 =	simm.s32 $0x6;
	v13 =	vsel vm2, $0x80, v13;
	v29 =	vunpack.c.0.s8.s32 v15;
	v14 =	vsel vm6, $0x380, v14  }
0x3d: {  	s21 =	simm.s32 $0x2;
	s22 =	simm.s32 $0x14400;
	[smem:$0x7FF] =	sst s4;
	v13 =	vsel vm1, $0x100, v13;
	v15 =	vimm.s32 $0xFEDCBA98;
	v14 =	vsel vm5, $0x0, v14  }
0x3e: {  	s23 =	simm.s32 $0x4;
	s3 =	sand.u32 $0x1, s3;
	_ =	strace $0x80000047;
	[tilespmem:$0x1FFA0] =	vst v63;
	v15 =	vunpack.c.l.s4.s8 v15;
	v31 =	vcombine.low v28, v29;
	v32 =	vsel vm4, $0x80, v14  }
0x3f: {  	s24 =	simm.s32 $0x300;
	s25 =	simm.s32 $0x0;
	s5 =	ssub.s32 $0x2, s3;
	[tilespmem:$0x1FFF0] =	vst v1;
	v22 =	vcombine.low v26, v27;
	v13 =	vsel vm0, $0x180, v13;
	v62 =	vsel vm2, $0x100, v32  }
0x40: {  	s4 =	sshll.u32 s30, $0xA;
	s3 =	sshll.u32 s3, $0x9;
	s6 =	sshrl.u32 s5, $0x1;
	[tilespmem:$0x1FFE0] =	vst v5;
	v15 =	vunpack.c.0.s8.s32 v15;
	v14 =	vand.u32 $0xF, v31;
	v31 =	vsel vm1, $0x180, v62  }
0x41: {  	s3 =	sor.u32 s3, s4;
	s4 =	sadd.s32 $0x400, s0;
	s31 =	ssub.s32 s5, s6;
	[tilespmem:$0x1FFB0] =	vst v16;
	v9 =	vsel vm3, $0x200, v13;
	v23 =	vcombine.low v29, v28;
	v11 =	vsel vm0, $0x200, v31  }
0x42: {  	s7 =	sshll.u32 s3, $0x3;
	s5 =	sadd.s32 s2, s3;
	s0 =	smax.u32 s31, $0x1;
	v21 =	vand.u32 $0xF, v21;
	[tilespmem:$0x1FFC0] =	vst v9;
	v15 =	vand.u32 $0xF, v15;
	v11 =	vsel vm3, $0x280, v11  }
0x43: {  	s6 =	sadd.s32 s1, s3;
	s7 =	sor.u32 $0x800, s7;
	[dreg:$0x4] =	wrdreg s0;
	v22 =	vand.u32 $0xF, v22;
	v23 =	vand.u32 $0xF, v23;
	v15 =	vcombine.low v15, v30;
	[tilespmem:$0x1FFD0] =	vst v11  }
.LBB2_1:
0x44: {  	s0 =	simm.s32 $0x0;
	s2 =	simm.s32 $0x5  }
0x45: {  	[tilespmem:s0], [sflag:$0x5] =	stream.strided.gather [hbm4b:s5+s9], $0x200, s10, s9, $0x38;
	[tilespmem:$0x18400] =	vst v63  }
0x46: {  	_ =	swait.ge [sflag:s2], $0x200  }
0x47: {  	[sflag:s2] =	ssyncset.done $0x0  }
0x48: {  	s26 =	simm.s32 $0x0;
	[sflag:s2] =	ssyncadd.s32 $0xFFFFFE00  }
0x49: {  	[tilespmem:s10], [sflag:$0x1] =	stream.indirect.gather [hbm4b:s4+s12], $0x80, s0, s12, $0xb8;
	[tilespmem:$0x18400] =	vst v63  }
.LBB2_2:
0x4a: {  	p0 =	seq.s32 s26, $0x0  }
0x4b: {  	s29 =	sshll.u32 s26, $0x1;
	s3 =	simm.s32 $0x0;
	s8 =	sshll.u32 s26, $0xC  }
0x4c: {  	s0 =	simm.s32 @!p0 $0x4;
	s28 =	sor.u32 $0x1, s29;
	s11 =	sand.u32 $0x20, s3  }
0x4d: {  	s3 =	sand.u32 $0xF0, s3;
	_ =	swait.ge @!p0 [sflag:s0], $0x4000;
	s2 =	sshll.u32 s28, $0x4  }
0x4e: {  	s8 =	sand.u32 $0x7C000, s8;
	[sflag:s0] =	ssyncset.done @!p0 $0x0;
	s2 =	sand.u32 $0x70, s2  }
0x4f: {  	v24 =	vor.u32 s3, v0;
	s31 =	sor.u32 $0x10, s11;
	[sflag:s0] =	ssyncadd.s32 @!p0 $0xFFFFC000;
	s2 =	sor.u32 s2, s8  }
0x50: {  	v32 =	vshll.u32 v24, $0x7;
	v25 =	vor.u32 s31, v0;
	[tilespmem:s13], [sflag:$0x2] =	stream.indirect.gather [hbm4b:s4+s12], $0x80, s12, s12, $0xb8;
	[tilespmem:$0x18400] =	vst v63  }
0x51: {  	v26 =	vor.u32 s11, v0;
	v28 =	vmov s3;
	v27 =	vor.u32 v25, v32;
	s2 =	sadd.s32 s2, s5  }
0x52: {  	v28 =	vshll.u32 v28, $0x3;
	v29 =	vor.u32 v26, v32;
	[tilespmem:s14], [sflag:$0x6] =	stream.strided.gather [hbm4b:s2+s9], $0x200, s10, s9, $0x38;
	[tilespmem:$0x18400] =	vst v63  }
0x53: {  	v24 =	vand.u32 $0x7F, v24;
	v28 =	vand.u32 $0x400, v28;
	_ =	swait.ge [sflag:s15], $0x8000  }
0x54: {  	v25 =	vshll.u32 v25, $0x8;
	v24 =	vor.u32 v28, v24;
	[sflag:s15] =	ssyncset.done $0x0  }
0x55: {  	v28 =	vshll.u32 v26, $0x8;
	v25 =	vand.u32 $0x3800, v25;
	v26 =	vor.u32 v63, v24;
	[sflag:s15] =	ssyncadd.s32 $0xFFFF8000  }
0x56: {  	v30 =	vor.u32 s31, v2;
	v28 =	vand.u32 $0x2800, v28;
	v25 =	vor.u32 v25, v26;
	v27 =	vld.idx.msk [tilespmem:v27+s10+$0x0], $0xffff  }
0x57: {  	v31 =	vor.u32 s11, v2;
	v33 =	vor.u32 v30, v32;
	v28 =	vor.u32 v28, v26;
	v29 =	vld.idx.msk [tilespmem:v29+s10+$0x0], $0xffff  }
0x58: {  	v34 =	vor.u32 v31, v32;
	_ =	sdelay $0x1  }
0x59: {  	v36 =	vor.u32 s11, v6;
	v30 =	vshll.u32 v30, $0x8  }
0x5a: {  	v31 =	vshll.u32 v31, $0x8;
	v42 =	vor.u32 v1, v24;
	[tilespmem:v25+s16+$0x0] =	vst.idx.msk $0xffff, v27;
	v25 =	vand.u32 $0x3800, v30  }
0x5b: {  	v30 =	vand.u32 $0x2800, v31;
	[tilespmem:v28+s16+$0x0] =	vst.idx.msk $0xffff, v29;
	v29 =	vor.u32 s31, v4;
	v28 =	vld.idx.msk [tilespmem:v33+s10+$0x0], $0xffff;
	v25 =	vor.u32 v25, v42  }
0x5c: {  	v31 =	vor.u32 s11, v4;
	v56 =	vld.idx.msk [tilespmem:v34+s10+$0x0], $0xffff;
	v30 =	vor.u32 v30, v42;
	v57 =	vor.u32 v29, v32  }
0x5d: {  	v38 =	vor.u32 s11, v8;
	v61 =	vor.u32 s11, v15;
	v35 =	vor.u32 v31, v32  }
0x5e: {  	v55 =	vor.u32 s11, v17;
	v54 =	vor.u32 s11, v21;
	v37 =	vshll.u32 v36, $0x8  }
0x5f: {  	v58 =	vor.u32 s31, v6;
	v59 =	vshll.u32 v38, $0x8;
	v29 =	vshll.u32 v29, $0x8  }
0x60: {  	v43 =	vor.u32 v3, v24;
	v31 =	vshll.u32 v31, $0x8;
	[tilespmem:v25+s16+$0x0] =	vst.idx.msk $0xffff, v28;
	v25 =	vand.u32 $0x3800, v29  }
0x61: {  	v60 =	vor.u32 s31, v8;
	v31 =	vand.u32 $0x2800, v31;
	[tilespmem:v30+s16+$0x0] =	vst.idx.msk $0xffff, v56;
	v30 =	vld.idx.msk [tilespmem:v57+s10+$0x0], $0xffff;
	v25 =	vor.u32 v25, v43  }
0x62: {  	v36 =	vor.u32 v36, v32;
	v39 =	vor.u32 v58, v32;
	v31 =	vor.u32 v31, v43;
	v35 =	vld.idx.msk [tilespmem:v35+s10+$0x0], $0xffff  }
0x63: {  	v37 =	vand.u32 $0x2800, v37;
	v38 =	vor.u32 v38, v32;
	v62 =	vor.u32 v60, v32  }
0x64: {  	v52 =	vor.u32 v61, v32;
	v47 =	vor.u32 v55, v32;
	v44 =	vor.u32 v5, v24  }
0x65: {  	v5 =	vmovc v3;
	v3 =	vor.u32 v7, v24;
	v34 =	vand.u32 $0x2800, v59;
	v33 =	vshll.u32 v58, $0x8  }
0x66: {  	v37 =	vor.u32 v37, v44;
	v34 =	vor.u32 v34, v3;
	[tilespmem:v25+s16+$0x0] =	vst.idx.msk $0xffff, v30;
	v25 =	vand.u32 $0x3800, v33  }
0x67: {  	v58 =	vor.u32 s31, v10;
	v29 =	vor.u32 s11, v10;
	[tilespmem:v31+s16+$0x0] =	vst.idx.msk $0xffff, v35;
	v31 =	vld.idx.msk [tilespmem:v39+s10+$0x0], $0xffff;
	v25 =	vor.u32 v25, v44  }
0x68: {  	v59 =	vor.u32 v58, v32;
	v40 =	vshll.u32 v29, $0x8;
	v27 =	vor.u32 v29, v32;
	v36 =	vld.idx.msk [tilespmem:v36+s10+$0x0], $0xffff  }
0x69: {  	v29 =	vor.u32 s11, v12;
	v57 =	vor.u32 s11, v18;
	v40 =	vand.u32 $0x2800, v40  }
0x6a: {  	v49 =	vor.u32 v29, v32;
	v29 =	vshll.u32 v29, $0x8;
	v45 =	vor.u32 v57, v32  }
0x6b: {  	v50 =	vand.u32 $0x2800, v29;
	v30 =	vor.u32 s11, v14;
	v33 =	vshll.u32 v60, $0x8  }
0x6c: {  	v35 =	vshll.u32 v55, $0x8;
	v51 =	vor.u32 v30, v32;
	[tilespmem:v25+s16+$0x0] =	vst.idx.msk $0xffff, v31;
	v25 =	vand.u32 $0x3800, v33  }
0x6d: {  	v60 =	vor.u32 s11, v19;
	v41 =	vshll.u32 v30, $0x8;
	[tilespmem:v37+s16+$0x0] =	vst.idx.msk $0xffff, v36;
	v56 =	vld.idx.msk [tilespmem:v62+s10+$0x0], $0xffff;
	v25 =	vor.u32 v25, v3  }
0x6e: {  	v30 =	vshll.u32 v61, $0x8;
	v13 =	vor.u32 v60, v32;
	v31 =	vand.u32 $0x2800, v35;
	v36 =	vld.idx.msk [tilespmem:v38+s10+$0x0], $0xffff  }
0x6f: {  	v61 =	vor.u32 s11, v20;
	v46 =	vor.u32 v31, v42;
	v31 =	vshll.u32 v57, $0x8  }
0x70: {  	v30 =	vand.u32 $0x2800, v30;
	v53 =	vand.u32 $0x2800, v41;
	v31 =	vand.u32 $0x2800, v31  }
0x71: {  	v48 =	vor.u32 v30, v26;
	[tilespmem:$0x1FF60] =	vst v13;
	v41 =	vor.u32 v31, v43;
	v31 =	vshll.u32 v60, $0x8  }
0x72: {  	v13 =	vmovc v1;
	v1 =	vor.u32 v16, v24;
	v35 =	vand.u32 $0x2800, v31;
	[tilespmem:v25+s16+$0x0] =	vst.idx.msk $0xffff, v56;
	v25 =	vshll.u32 v58, $0x8  }
0x73: {  	v62 =	vor.u32 s31, v12;
	v28 =	vor.u32 v35, v44;
	[tilespmem:v34+s16+$0x0] =	vst.idx.msk $0xffff, v36;
	v25 =	vand.u32 $0x3800, v25  }
0x74: {  	v57 =	vor.u32 v62, v32;
	v60 =	vshll.u32 v54, $0x8;
	v36 =	vld.idx.msk [tilespmem:v59+s10+$0x0], $0xffff;
	[tilespmem:$0x1FF70] =	vst v28;
	v25 =	vor.u32 v25, v1  }
0x75: {  	v33 =	vand.u32 $0x2800, v60;
	v60 =	vor.u32 s31, v14;
	v34 =	vor.u32 v40, v1;
	v35 =	vld.idx.msk [tilespmem:v27+s10+$0x0], $0xffff  }
0x76: {  	v37 =	vor.u32 v9, v24;
	v55 =	vor.u32 v60, v32;
	v58 =	vshll.u32 v61, $0x8  }
0x77: {  	v40 =	vor.u32 v61, v32;
	v61 =	vshll.u32 v62, $0x8;
	v27 =	vor.u32 v54, v32  }
0x78: {  	v62 =	vor.u32 s11, v22;
	v56 =	vor.u32 s11, v23;
	v59 =	vand.u32 $0x2800, v58;
	[tilespmem:$0x1FF80] =	vst v27  }
0x79: {  	s11 =	simm.s32 $0x20;
	v38 =	vor.u32 v62, v32;
	v39 =	vor.u32 v59, v3;
	v54 =	vand.u32 $0x3800, v61;
	[tilespmem:v25+s16+$0x0] =	vst.idx.msk $0xffff, v36  }
0x7a: {  	s0 =	sand.u32 $0x20, s11;
	v25 =	vor.u32 v50, v37;
	v50 =	vor.u32 v54, v37;
	[tilespmem:v34+s16+$0x0] =	vst.idx.msk $0xffff, v35;
	v54 =	vld.idx.msk [tilespmem:v57+s10+$0x0], $0xffff  }
0x7b: {  	v61 =	vshll.u32 v62, $0x8;
	v62 =	vshll.u32 v60, $0x8;
	v58 =	vor.u32 s0, v2;
	s30 =	sor.u32 $0x10, s0;
	v49 =	vld.idx.msk [tilespmem:v49+s10+$0x0], $0xffff  }
0x7c: {  	v28 =	vor.u32 s0, v8;
	v27 =	vor.u32 v56, v32;
	v60 =	vor.u32 s30, v0  }
0x7d: {  	s8 =	simm.s32 $0x8;
	v35 =	vor.u32 v33, v1;
	v33 =	vand.u32 $0x2800, v61;
	v34 =	vor.u32 v11, v24  }
0x7e: {  	s2 =	sand.u32 $0xF0, s8;
	v36 =	vor.u32 v33, v37;
	v57 =	vshll.u32 v56, $0x8;
	[tilespmem:$0x1FF90] =	vst v27;
	v56 =	vand.u32 $0x3800, v62  }
0x7f: {  	v53 =	vor.u32 v53, v34;
	v33 =	vor.u32 s0, v0;
	v62 =	vmov s2;
	[tilespmem:v50+s16+$0x0] =	vst.idx.msk $0xffff, v54  }
0x80: {  	v24 =	vand.u32 $0x2800, v57;
	v50 =	vor.u32 v56, v34;
	v54 =	vor.u32 s31, v15;
	[tilespmem:v25+s16+$0x0] =	vst.idx.msk $0xffff, v49;
	v49 =	vld.idx.msk [tilespmem:v55+s10+$0x0], $0xffff  }
0x81: {  	v59 =	vshll.u32 v33, $0x8;
	v56 =	vor.u32 s2, v0;
	v55 =	vor.u32 v54, v32;
	v51 =	vld.idx.msk [tilespmem:v51+s10+$0x0], $0xffff  }
0x82: {  	v62 =	vshll.u32 v62, $0x3;
	v59 =	vand.u32 $0x2800, v59;
	v25 =	vshll.u32 v56, $0x7  }
0x83: {  	v54 =	vshll.u32 v54, $0x8;
	v57 =	vor.u32 v33, v25;
	v61 =	vor.u32 v60, v25  }
0x84: {  	v27 =	vmovc v63;
	v63 =	vor.u32 v58, v25;
	v54 =	vand.u32 $0x3800, v54;
	v33 =	vand.u32 $0x400, v62  }
0x85: {  	v60 =	vshll.u32 v60, $0x8;
	v62 =	vshll.u32 v58, $0x8;
	[tilespmem:v50+s16+$0x0] =	vst.idx.msk $0xffff, v49;
	v50 =	vor.u32 s31, v17  }
0x86: {  	v49 =	vand.u32 $0x7F, v56;
	[tilespmem:v53+s16+$0x0] =	vst.idx.msk $0xffff, v51;
	v51 =	vor.u32 v54, v26;
	v53 =	vand.u32 $0x3800, v60;
	v54 =	vld.idx.msk [tilespmem:v55+s10+$0x0], $0xffff  }
0x87: {  	v56 =	vand.u32 $0x2800, v62;
	v49 =	vor.u32 v33, v49;
	v55 =	vor.u32 v50, v32;
	v52 =	vld.idx.msk [tilespmem:v52+s10+$0x0], $0xffff  }
0x88: {  	v33 =	vor.u32 s0, v4;
	v50 =	vshll.u32 v50, $0x8;
	v26 =	vor.u32 v27, v49  }
0x89: {  	v30 =	vor.u32 v33, v25;
	v27 =	vor.u32 s0, v6;
	v50 =	vand.u32 $0x3800, v50  }
0x8a: {  	v61 =	vld.idx.msk [tilespmem:v61+s10+$0x0], $0xffff;
	v58 =	vor.u32 v59, v26;
	v53 =	vor.u32 v53, v26;
	v59 =	vor.u32 s30, v2  }
0x8b: {  	v42 =	vor.u32 v50, v42;
	v50 =	vld.idx.msk [tilespmem:v57+s10+$0x0], $0xffff;
	v62 =	vor.u32 v59, v25;
	[tilespmem:v51+s16+$0x0] =	vst.idx.msk $0xffff, v54  }
0x8c: {  	v60 =	vshll.u32 v33, $0x8;
	v33 =	vshll.u32 v27, $0x8;
	[tilespmem:v48+s16+$0x0] =	vst.idx.msk $0xffff, v52;
	v48 =	vor.u32 s31, v18;
	v55 =	vld.idx.msk [tilespmem:v55+s10+$0x0], $0xffff  }
0x8d: {  	v51 =	vand.u32 $0x2800, v60;
	v60 =	vshll.u32 v59, $0x8;
	v59 =	vor.u32 v48, v32;
	v47 =	vld.idx.msk [tilespmem:v47+s10+$0x0], $0xffff  }
0x8e: {  	v54 =	vor.u32 v27, v25;
	v27 =	vor.u32 v13, v49;
	v57 =	vand.u32 $0x3800, v60  }
0x8f: {  	v52 =	vand.u32 $0x2800, v33;
	v48 =	vshll.u32 v48, $0x8;
	v57 =	vor.u32 v57, v27;
	[tilespmem:v53+s16+$0x0] =	vst.idx.msk $0xffff, v61  }
0x90: {  	v33 =	vshll.u32 v28, $0x8;
	[tilespmem:v58+s16+$0x0] =	vst.idx.msk $0xffff, v50;
	v58 =	vor.u32 v28, v25;
	v28 =	vand.u32 $0x3800, v48;
	v50 =	vld.idx.msk [tilespmem:v62+s10+$0x0], $0xffff  }
0x91: {  	v56 =	vor.u32 v56, v27;
	[tilespmem:v42+s16+$0x0] =	vst.idx.msk $0xffff, v55;
	v42 =	vor.u32 v28, v43;
	v43 =	vld.idx.msk [tilespmem:v63+s10+$0x0], $0xffff  }
0x92: {  	[tilespmem:v46+s16+$0x0] =	vst.idx.msk $0xffff, v47;
	v47 =	vld.idx.msk [tilespmem:v59+s10+$0x0], $0xffff  }
0x93: {  	v45 =	vld.idx.msk [tilespmem:v45+s10+$0x0], $0xffff;
	_ =	sdelay $0x1  }
0x94: {  	[tilespmem:v57+s16+$0x0] =	vst.idx.msk $0xffff, v50  }
0x95: {  	[tilespmem:v56+s16+$0x0] =	vst.idx.msk $0xffff, v43  }
0x96: {  	v60 =	vor.u32 s30, v4;
	[tilespmem:v42+s16+$0x0] =	vst.idx.msk $0xffff, v47  }
0x97: {  	v53 =	vor.u32 v60, v25;
	[tilespmem:v41+s16+$0x0] =	vst.idx.msk $0xffff, v45  }
0x98: {  	v29 =	vor.u32 s0, v10;
	v61 =	vand.u32 $0x2800, v33;
	v46 =	vor.u32 s31, v19;
	v13 =	vld [tilespmem:$0x1FF60]  }
0x99: {  	v55 =	vor.u32 v29, v25;
	v29 =	vshll.u32 v29, $0x8;
	v48 =	vor.u32 v46, v32  }
0x9a: {  	v33 =	vor.u32 s0, v12;
	v62 =	vand.u32 $0x2800, v29;
	v29 =	vshll.u32 v60, $0x8  }
0x9b: {  	v28 =	vor.u32 v5, v49;
	v63 =	vor.u32 v33, v25;
	v29 =	vand.u32 $0x3800, v29  }
0x9c: {  	v51 =	vor.u32 v51, v28;
	v46 =	vshll.u32 v46, $0x8;
	v60 =	vor.u32 v29, v28;
	v43 =	vld.idx.msk [tilespmem:v53+s10+$0x0], $0xffff  }
0x9d: {  	v59 =	vshll.u32 v33, $0x8;
	v46 =	vand.u32 $0x3800, v46;
	v29 =	vor.u32 s30, v6;
	v33 =	vld.idx.msk [tilespmem:v30+s10+$0x0], $0xffff  }
0x9e: {  	v44 =	vor.u32 v46, v44;
	v57 =	vor.u32 v29, v25;
	v41 =	vld.idx.msk [tilespmem:v48+s10+$0x0], $0xffff;
	_ =	sdelay $0x1  }
0x9f: {  	v56 =	vld.idx.msk [tilespmem:v13+s10+$0x0], $0xffff  }
0xa0: {  	v13 =	vld [tilespmem:$0x1FFE0];
	[tilespmem:v60+s16+$0x0] =	vst.idx.msk $0xffff, v43  }
0xa1: {  	[tilespmem:v51+s16+$0x0] =	vst.idx.msk $0xffff, v33  }
0xa2: {  	[tilespmem:v44+s16+$0x0] =	vst.idx.msk $0xffff, v41;
	v33 =	vld.idx.msk [tilespmem:v57+s10+$0x0], $0xffff  }
0xa3: {  	v50 =	vor.u32 s0, v14;
	v46 =	vor.u32 s31, v20;
	v53 =	vand.u32 $0x2800, v59;
	v57 =	vld [tilespmem:$0x1FF70]  }
0xa4: {  	v59 =	vor.u32 v50, v25;
	v42 =	vshll.u32 v50, $0x8;
	v50 =	vor.u32 v46, v32;
	_ =	sdelay $0x2  }
0xa5: {  	v60 =	vshll.u32 v46, $0x8  }
0xa6: {  	v45 =	vor.u32 s0, v15;
	v47 =	vshll.u32 v29, $0x8;
	v41 =	vld.idx.msk [tilespmem:v54+s10+$0x0], $0xffff;
	v54 =	vand.u32 $0x3800, v60  }
0xa7: {  	v47 =	vand.u32 $0x3800, v47;
	v50 =	vld.idx.msk [tilespmem:v50+s10+$0x0], $0xffff;
	v44 =	vor.u32 v54, v3;
	v29 =	vor.u32 v13, v49  }
0xa8: {  	v31 =	vor.u32 s30, v8;
	v30 =	vshll.u32 v45, $0x8;
	v47 =	vor.u32 v47, v29  }
0xa9: {  	v48 =	vor.u32 v45, v25;
	v30 =	vand.u32 $0x2800, v30;
	v52 =	vor.u32 v52, v29;
	[tilespmem:v57+s16+$0x0] =	vst.idx.msk $0xffff, v56  }
0xaa: {  	v45 =	vor.u32 v30, v26;
	v30 =	vor.u32 s0, v17;
	v43 =	vor.u32 v31, v25;
	v40 =	vld.idx.msk [tilespmem:v40+s10+$0x0], $0xffff  }
0xab: {  	v46 =	vor.u32 v30, v25;
	v30 =	vshll.u32 v30, $0x8  }
0xac: {  	v51 =	vand.u32 $0x2800, v42;
	v30 =	vand.u32 $0x2800, v30;
	v60 =	vor.u32 s0, v18;
	[tilespmem:v44+s16+$0x0] =	vst.idx.msk $0xffff, v50  }
0xad: {  	v54 =	vor.u32 s31, v21;
	v42 =	vor.u32 v30, v27;
	v30 =	vor.u32 v7, v49;
	[tilespmem:v47+s16+$0x0] =	vst.idx.msk $0xffff, v33  }
0xae: {  	v57 =	vor.u32 v61, v30;
	v61 =	vshll.u32 v54, $0x8;
	[tilespmem:v52+s16+$0x0] =	vst.idx.msk $0xffff, v41;
	v33 =	vshll.u32 v60, $0x8  }
0xaf: {  	v31 =	vshll.u32 v31, $0x8;
	v61 =	vand.u32 $0x3800, v61;
	v41 =	vld.idx.msk [tilespmem:v43+s10+$0x0], $0xffff;
	v33 =	vand.u32 $0x2800, v33;
	[tilespmem:v39+s16+$0x0] =	vst.idx.msk $0xffff, v40  }
0xb0: {  	v31 =	vand.u32 $0x3800, v31;
	v43 =	vor.u32 v33, v28;
	v33 =	vor.u32 v61, v1;
	v1 =	vld [tilespmem:$0x1FF80]  }
0xb1: {  	v31 =	vor.u32 v31, v30;
	v56 =	vor.u32 v54, v32;
	v52 =	vor.u32 s30, v10  }
0xb2: {  	v58 =	vld.idx.msk [tilespmem:v58+s10+$0x0], $0xffff;
	v44 =	vor.u32 v52, v25;
	_ =	sdelay $0x1  }
0xb3: {  	v52 =	vshll.u32 v52, $0x8  }
0xb4: {  	v47 =	vor.u32 v60, v25;
	v60 =	vor.u32 s0, v19;
	v61 =	vand.u32 $0x3800, v52  }
0xb5: {  	v40 =	vor.u32 v60, v25;
	v39 =	vld.idx.msk [tilespmem:v56+s10+$0x0], $0xffff;
	[tilespmem:v31+s16+$0x0] =	vst.idx.msk $0xffff, v41;
	v31 =	vor.u32 v16, v49  }
0xb6: {  	v54 =	vor.u32 s31, v22;
	v60 =	vshll.u32 v60, $0x8;
	[tilespmem:v57+s16+$0x0] =	vst.idx.msk $0xffff, v58;
	v58 =	vor.u32 v61, v31;
	v61 =	vld.idx.msk [tilespmem:v44+s10+$0x0], $0xffff  }
0xb7: {  	v50 =	vand.u32 $0x2800, v60;
	v60 =	vor.u32 v54, v32;
	v56 =	vld.idx.msk [tilespmem:v1+s10+$0x0], $0xffff  }
0xb8: {  	v57 =	vor.u32 v62, v31;
	v62 =	vor.u32 s30, v12  }
0xb9: {  	v52 =	vor.u32 s0, v20;
	v44 =	vor.u32 v50, v29;
	v50 =	vor.u32 v62, v25  }
0xba: {  	v41 =	vor.u32 v52, v25;
	[tilespmem:v33+s16+$0x0] =	vst.idx.msk $0xffff, v39;
	v39 =	vshll.u32 v52, $0x8;
	v52 =	vshll.u32 v54, $0x8  }
0xbb: {  	v33 =	vld.idx.msk [tilespmem:v55+s10+$0x0], $0xffff;
	v52 =	vand.u32 $0x3800, v52;
	[tilespmem:v58+s16+$0x0] =	vst.idx.msk $0xffff, v61  }
0xbc: {  	v55 =	vld.idx.msk [tilespmem:v60+s10+$0x0], $0xffff;
	v37 =	vor.u32 v52, v37;
	v52 =	vor.u32 s31, v23;
	[tilespmem:v35+s16+$0x0] =	vst.idx.msk $0xffff, v56;
	v56 =	vshll.u32 v62, $0x8  }
0xbd: {  	v58 =	vor.u32 v52, v32;
	v32 =	vor.u32 v9, v49;
	v60 =	vld.idx.msk [tilespmem:v38+s10+$0x0], $0xffff;
	v62 =	vand.u32 $0x3800, v56  }
0xbe: {  	v50 =	vld.idx.msk [tilespmem:v50+s10+$0x0], $0xffff;
	v56 =	vor.u32 v62, v32;
	_ =	sdelay $0x1  }
0xbf: {  	[tilespmem:v57+s16+$0x0] =	vst.idx.msk $0xffff, v33  }
0xc0: {  	[tilespmem:v37+s16+$0x0] =	vst.idx.msk $0xffff, v55  }
0xc1: {  	[tilespmem:v36+s16+$0x0] =	vst.idx.msk $0xffff, v60  }
0xc2: {  	[tilespmem:v56+s16+$0x0] =	vst.idx.msk $0xffff, v50  }
0xc3: {  	v24 =	vor.u32 v24, v34;
	v57 =	vor.u32 s30, v14;
	v1 =	vld [tilespmem:$0x1FF90]  }
0xc4: {  	v54 =	vor.u32 s0, v21;
	v61 =	vld.idx.msk [tilespmem:v63+s10+$0x0], $0xffff;
	v63 =	vor.u32 v57, v25;
	v62 =	vor.u32 v53, v32  }
0xc5: {  	v52 =	vshll.u32 v52, $0x8;
	v35 =	vor.u32 v54, v25;
	v54 =	vshll.u32 v54, $0x8  }
0xc6: {  	v39 =	vand.u32 $0x2800, v39;
	v55 =	vand.u32 $0x3800, v52;
	v33 =	vand.u32 $0x2800, v54  }
0xc7: {  	v54 =	vor.u32 v55, v34;
	v53 =	vor.u32 s0, v22;
	v38 =	vor.u32 v33, v31  }
0xc8: {  	v33 =	vshll.u32 v53, $0x8;
	v37 =	vor.u32 v53, v25;
	v53 =	vld.idx.msk [tilespmem:v58+s10+$0x0], $0xffff;
	v60 =	vor.u32 s0, v23  }
0xc9: {  	v58 =	vshll.u32 v60, $0x8;
	v34 =	vor.u32 v60, v25;
	v60 =	vshll.u32 v57, $0x8;
	[tilespmem:v62+s16+$0x0] =	vst.idx.msk $0xffff, v61;
	v57 =	vld.idx.msk [tilespmem:v63+s10+$0x0], $0xffff  }
0xca: {  	v39 =	vor.u32 v39, v30;
	v33 =	vand.u32 $0x2800, v33;
	v36 =	vor.u32 v11, v49;
	v49 =	vld.idx.msk [tilespmem:v59+s10+$0x0], $0xffff  }
0xcb: {  	v33 =	vor.u32 v33, v32;
	v51 =	vor.u32 v51, v36;
	v50 =	vand.u32 $0x3800, v60;
	v55 =	vld.idx.msk [tilespmem:v1+s10+$0x0], $0xffff  }
0xcc: {  	s3 =	simm.s32 $0x40;
	v16 =	vmovc v7;
	s31 =	simm.s32 $0x2;
	s0 =	simm.s32 $0x10;
	v11 =	vmovc v5;
	v56 =	vand.u32 $0x2800, v58;
	v58 =	vor.u32 s30, v15;
	v52 =	vor.u32 v50, v36;
	v9 =	vld [tilespmem:$0x1FFF0]  }
.LBB2_3:
0xcd: {  	s2 =	sand.u32 $0x20, s3;
	s11 =	sand.u32 $0xF0, s0;
	v56 =	vor.u32 v56, v36;
	v59 =	vor.u32 v58, v25;
	v58 =	vshll.u32 v58, $0x8  }
0xce: {  	v60 =	vor.u32 s11, v0;
	v61 =	vor.u32 s2, v0;
	v62 =	vor.u32 s2, v2  }
0xcf: {  	s8 =	sor.u32 $0x10, s2;
	v50 =	vshll.u32 v60, $0x7;
	v60 =	vand.u32 $0x7F, v60;
	[tilespmem:v54+s16+$0x0] =	vst.idx.msk $0xffff, v53;
	v53 =	vshll.u32 v61, $0x8  }
0xd0: {  	v54 =	vor.u32 s8, v0;
	v61 =	vor.u32 v61, v50;
	[tilespmem:v24+s16+$0x0] =	vst.idx.msk $0xffff, v55;
	v55 =	vmov s11  }
0xd1: {  	v3 =	vld [tilespmem:$0x1FFA0];
	v1 =	vor.u32 v62, v50;
	v24 =	vmovc v56;
	v56 =	vshll.u32 v62, $0x8;
	v53 =	vand.u32 $0x2800, v53;
	[tilespmem:v52+s16+$0x0] =	vst.idx.msk $0xffff, v57  }
0xd2: {  	v63 =	vor.u32 v54, v50;
	v55 =	vshll.u32 v55, $0x3;
	[tilespmem:v51+s16+$0x0] =	vst.idx.msk $0xffff, v49;
	v49 =	vand.u32 $0x3800, v58  }
0xd3: {  	v52 =	vor.u32 s30, v17;
	v51 =	vld.idx.msk [tilespmem:v59+s10+$0x0], $0xffff;
	v55 =	vand.u32 $0x400, v55;
	v57 =	vor.u32 v49, v26  }
0xd4: {  	v54 =	vshll.u32 v54, $0x8;
	v48 =	vld.idx.msk [tilespmem:v48+s10+$0x0], $0xffff;
	v49 =	vor.u32 v55, v60;
	v55 =	vor.u32 v52, v25  }
0xd5: {  	v56 =	vand.u32 $0x2800, v56;
	v54 =	vand.u32 $0x3800, v54;
	v60 =	vor.u32 s8, v2  }
0xd6: {  	v26 =	vor.u32 v3, v49;
	v62 =	vor.u32 v60, v50;
	v60 =	vshll.u32 v60, $0x8  }
0xd7: {  	v59 =	vld.idx.msk [tilespmem:v61+s10+$0x0], $0xffff;
	v53 =	vor.u32 v53, v26;
	v54 =	vor.u32 v54, v26;
	v61 =	vor.u32 s2, v4  }
0xd8: {  	v58 =	vld.idx.msk [tilespmem:v63+s10+$0x0], $0xffff;
	v63 =	vor.u32 v61, v50;
	v61 =	vshll.u32 v61, $0x8;
	[tilespmem:v57+s16+$0x0] =	vst.idx.msk $0xffff, v51;
	v51 =	vshll.u32 v52, $0x8  }
0xd9: {  	v52 =	vand.u32 $0x2800, v61;
	v57 =	vor.u32 s2, v6;
	[tilespmem:v45+s16+$0x0] =	vst.idx.msk $0xffff, v48;
	v45 =	vld.idx.msk [tilespmem:v55+s10+$0x0], $0xffff;
	v55 =	vand.u32 $0x3800, v51  }
0xda: {  	v61 =	vor.u32 v57, v50;
	v46 =	vld.idx.msk [tilespmem:v46+s10+$0x0], $0xffff;
	v51 =	vor.u32 s30, v18;
	v48 =	vor.u32 v55, v27  }
0xdb: {  	v55 =	vshll.u32 v57, $0x8;
	v57 =	vor.u32 v51, v25;
	v27 =	vor.u32 v9, v49  }
0xdc: {  	v51 =	vshll.u32 v51, $0x8;
	[tilespmem:v53+s16+$0x0] =	vst.idx.msk $0xffff, v59;
	v56 =	vor.u32 v56, v27;
	v59 =	vor.u32 s8, v4  }
0xdd: {  	[tilespmem:v54+s16+$0x0] =	vst.idx.msk $0xffff, v58;
	v58 =	vand.u32 $0x2800, v55;
	v54 =	vand.u32 $0x3800, v60;
	v1 =	vld.idx.msk [tilespmem:v1+s10+$0x0], $0xffff;
	v55 =	vor.u32 s2, v8  }
0xde: {  	v53 =	vld.idx.msk [tilespmem:v62+s10+$0x0], $0xffff;
	v54 =	vor.u32 v54, v27;
	v3 =	vor.u32 v55, v50;
	v55 =	vshll.u32 v55, $0x8  }
0xdf: {  	v60 =	vor.u32 s2, v10;
	v62 =	vor.u32 v59, v50;
	v5 =	vand.u32 $0x2800, v55;
	[tilespmem:v42+s16+$0x0] =	vst.idx.msk $0xffff, v46  }
0xe0: {  	v55 =	vor.u32 v60, v50;
	[tilespmem:v48+s16+$0x0] =	vst.idx.msk $0xffff, v45;
	v45 =	vand.u32 $0x3800, v51;
	v47 =	vld.idx.msk [tilespmem:v47+s10+$0x0], $0xffff;
	v48 =	vor.u32 s30, v19  }
0xe1: {  	v42 =	vld.idx.msk [tilespmem:v57+s10+$0x0], $0xffff;
	v57 =	vshll.u32 v60, $0x8;
	v45 =	vor.u32 v45, v28;
	v60 =	vshll.u32 v59, $0x8  }
0xe2: {  	v59 =	vor.u32 v48, v25;
	v28 =	vor.u32 v11, v49;
	[tilespmem:v56+s16+$0x0] =	vst.idx.msk $0xffff, v1;
	v46 =	vand.u32 $0x3800, v60  }
0xe3: {  	v1 =	vor.u32 s2, v12;
	[tilespmem:v54+s16+$0x0] =	vst.idx.msk $0xffff, v53;
	v60 =	vld.idx.msk [tilespmem:v63+s10+$0x0], $0xffff;
	v46 =	vor.u32 v46, v28;
	v63 =	vor.u32 s8, v6  }
0xe4: {  	v53 =	vor.u32 v1, v50;
	v1 =	vshll.u32 v1, $0x8;
	v56 =	vld.idx.msk [tilespmem:v62+s10+$0x0], $0xffff;
	v62 =	vor.u32 v52, v28  }
0xe5: {  	v7 =	vor.u32 v63, v50;
	v54 =	vand.u32 $0x2800, v1;
	v1 =	vor.u32 s2, v14;
	[tilespmem:v43+s16+$0x0] =	vst.idx.msk $0xffff, v47  }
0xe6: {  	v51 =	vor.u32 v1, v50;
	v1 =	vshll.u32 v1, $0x8;
	[tilespmem:v45+s16+$0x0] =	vst.idx.msk $0xffff, v42;
	v45 =	vshll.u32 v48, $0x8  }
0xe7: {  	v52 =	vand.u32 $0x2800, v1;
	v1 =	vld.idx.msk [tilespmem:v40+s10+$0x0], $0xffff;
	v42 =	vand.u32 $0x3800, v45  }
0xe8: {  	v48 =	vshll.u32 v63, $0x8;
	v43 =	vld.idx.msk [tilespmem:v59+s10+$0x0], $0xffff;
	v45 =	vor.u32 s2, v15;
	v40 =	vor.u32 v42, v29  }
0xe9: {  	v42 =	vor.u32 s30, v20;
	v29 =	vor.u32 v13, v49;
	[tilespmem:v46+s16+$0x0] =	vst.idx.msk $0xffff, v56;
	v46 =	vand.u32 $0x3800, v48  }
0xea: {  	v47 =	vor.u32 v42, v25;
	[tilespmem:v62+s16+$0x0] =	vst.idx.msk $0xffff, v60;
	v7 =	vld.idx.msk [tilespmem:v7+s10+$0x0], $0xffff;
	v60 =	vor.u32 v46, v29  }
0xeb: {  	v56 =	vshll.u32 v45, $0x8;
	v59 =	vld.idx.msk [tilespmem:v61+s10+$0x0], $0xffff;
	v61 =	vor.u32 s8, v8  }
0xec: {  	v58 =	vor.u32 v58, v29;
	v62 =	vand.u32 $0x2800, v56;
	v56 =	vor.u32 v61, v50  }
0xed: {  	v48 =	vor.u32 v45, v50;
	[tilespmem:v40+s16+$0x0] =	vst.idx.msk $0xffff, v43;
	v40 =	vshll.u32 v42, $0x8  }
0xee: {  	v45 =	vor.u32 v62, v26;
	v62 =	vor.u32 s2, v17;
	[tilespmem:v44+s16+$0x0] =	vst.idx.msk $0xffff, v1;
	v40 =	vand.u32 $0x3800, v40  }
0xef: {  	v43 =	vor.u32 s30, v21;
	v1 =	vld.idx.msk [tilespmem:v47+s10+$0x0], $0xffff;
	v40 =	vor.u32 v40, v30;
	[tilespmem:v60+s16+$0x0] =	vst.idx.msk $0xffff, v7;
	v7 =	vshll.u32 v61, $0x8  }
0xf0: {  	v41 =	vld.idx.msk [tilespmem:v41+s10+$0x0], $0xffff;
	v44 =	vor.u32 v43, v25;
	v30 =	vor.u32 v16, v49;
	v7 =	vand.u32 $0x3800, v7  }
0xf1: {  	v46 =	vor.u32 v62, v50;
	[tilespmem:v58+s16+$0x0] =	vst.idx.msk $0xffff, v59;
	v56 =	vld.idx.msk [tilespmem:v56+s10+$0x0], $0xffff;
	v7 =	vor.u32 v7, v30  }
0xf2: {  	v63 =	vshll.u32 v62, $0x8;
	v62 =	vor.u32 s2, v18;
	v3 =	vld.idx.msk [tilespmem:v3+s10+$0x0], $0xffff;
	v5 =	vor.u32 v5, v30  }
0xf3: {  	v58 =	vshll.u32 v62, $0x8  }
0xf4: {  	v58 =	vand.u32 $0x2800, v58;
	[tilespmem:v40+s16+$0x0] =	vst.idx.msk $0xffff, v1  }
0xf5: {  	[tilespmem:v39+s16+$0x0] =	vst.idx.msk $0xffff, v41;
	v1 =	vshll.u32 v43, $0x8;
	v43 =	vor.u32 v58, v28;
	v58 =	vld.idx.msk [tilespmem:v44+s10+$0x0], $0xffff  }
0xf6: {  	[tilespmem:v7+s16+$0x0] =	vst.idx.msk $0xffff, v56;
	v56 =	vld.idx.msk [tilespmem:v35+s10+$0x0], $0xffff  }
0xf7: {  	[tilespmem:v5+s16+$0x0] =	vst.idx.msk $0xffff, v3;
	v3 =	vld [tilespmem:$0x1FFB0]  }
0xf8: {  	v59 =	vor.u32 s8, v10;
	v1 =	vand.u32 $0x3800, v1  }
0xf9: {  	v60 =	vor.u32 v59, v50;
	v1 =	vor.u32 v1, v31;
	_ =	sdelay $0x1  }
0xfa: {  	v57 =	vand.u32 $0x2800, v57;
	v39 =	vor.u32 s30, v22  }
0xfb: {  	v7 =	vshll.u32 v59, $0x8;
	v31 =	vor.u32 v3, v49;
	v3 =	vor.u32 s2, v20  }
0xfc: {  	v59 =	vor.u32 v39, v25;
	v41 =	vor.u32 v3, v50;
	v3 =	vshll.u32 v3, $0x8  }
0xfd: {  	v5 =	vld.idx.msk [tilespmem:v60+s10+$0x0], $0xffff;
	v7 =	vand.u32 $0x3800, v7;
	[tilespmem:v1+s16+$0x0] =	vst.idx.msk $0xffff, v58;
	v1 =	vshll.u32 v39, $0x8;
	v3 =	vand.u32 $0x2800, v3  }
0xfe: {  	v55 =	vld.idx.msk [tilespmem:v55+s10+$0x0], $0xffff;
	v7 =	vor.u32 v7, v31;
	v39 =	vor.u32 v3, v30;
	v3 =	vor.u32 s30, v23  }
0xff: {  	v42 =	vand.u32 $0x2800, v63;
	v61 =	vor.u32 s2, v19;
	[tilespmem:v38+s16+$0x0] =	vst.idx.msk $0xffff, v56;
	v56 =	vor.u32 v3, v25;
	v25 =	vld [tilespmem:$0x1FFC0]  }
0x100: {  	v63 =	vshll.u32 v61, $0x8;
	v40 =	vor.u32 v61, v50;
	v60 =	vor.u32 s8, v12  }
0x101: {  	v61 =	vor.u32 v60, v50;
	v57 =	vor.u32 v57, v31;
	v1 =	vand.u32 $0x3800, v1  }
0x102: {  	v58 =	vld.idx.msk [tilespmem:v59+s10+$0x0], $0xffff;
	v1 =	vor.u32 v1, v32  }
0x103: {  	v47 =	vor.u32 v62, v50;
	v62 =	vor.u32 s2, v21;
	[tilespmem:v7+s16+$0x0] =	vst.idx.msk $0xffff, v5;
	v7 =	vld.idx.msk [tilespmem:v37+s10+$0x0], $0xffff  }
0x104: {  	v42 =	vor.u32 v42, v27;
	v35 =	vor.u32 v62, v50;
	v32 =	vor.u32 v25, v49  }
0x105: {  	s30 =	smov.u32 s8;
	v5 =	vshll.u32 v60, $0x8;
	v59 =	vor.u32 v54, v32;
	v54 =	vor.u32 s2, v22  }
0x106: {  	[tilespmem:v57+s16+$0x0] =	vst.idx.msk $0xffff, v55;
	v60 =	vor.u32 s30, v14;
	v55 =	vld.idx.msk [tilespmem:v61+s10+$0x0], $0xffff;
	v5 =	vand.u32 $0x3800, v5;
	v25 =	vmovc v50;
	v50 =	vshll.u32 v54, $0x8  }
0x107: {  	v57 =	vld.idx.msk [tilespmem:v53+s10+$0x0], $0xffff;
	[tilespmem:v1+s16+$0x0] =	vst.idx.msk $0xffff, v58;
	v1 =	vshll.u32 v3, $0x8;
	v5 =	vor.u32 v5, v32;
	v3 =	vand.u32 $0x2800, v50  }
0x108: {  	s31 =	sadd.s32 $0x2, s31;
	v61 =	vor.u32 v60, v25;
	[tilespmem:v33+s16+$0x0] =	vst.idx.msk $0xffff, v7;
	v33 =	vor.u32 v3, v32;
	v3 =	vld [tilespmem:$0x1FFD0]  }
0x109: {  	p0 =	slt.u32 s31, $0x3E;
	v44 =	vand.u32 $0x2800, v63;
	v63 =	vshll.u32 v62, $0x8;
	v62 =	vor.u32 s2, v23  }
.Ltmp0:
0x10a: {  	v44 =	vor.u32 v44, v29;
	v37 =	vand.u32 $0x2800, v63;
	v63 =	vshll.u32 v62, $0x8;
	(pc) =	sbr.rel @p0 .LBB2_3-.Ltmp0, $4  }
0x10b: {  	v38 =	vor.u32 v37, v31;
	v1 =	vand.u32 $0x3800, v1;
	v53 =	vld.idx.msk [tilespmem:v56+s10+$0x0], $0xffff;
	v37 =	vor.u32 v54, v25  }
0x10c: {  	v58 =	vor.u32 s30, v15;
	v54 =	vor.u32 v1, v36;
	v1 =	vshll.u32 v60, $0x8;
	[tilespmem:v5+s16+$0x0] =	vst.idx.msk $0xffff, v55;
	v55 =	vld.idx.msk [tilespmem:v34+s10+$0x0], $0xffff  }
0x10d: {  	v56 =	vand.u32 $0x2800, v63;
	v1 =	vand.u32 $0x3800, v1;
	[tilespmem:v59+s16+$0x0] =	vst.idx.msk $0xffff, v57;
	v57 =	vld.idx.msk [tilespmem:v61+s10+$0x0], $0xffff;
	v36 =	vor.u32 v3, v49  }
0x10e: {  	s0 =	sadd.s32 $0x8, s0;
	s3 =	sadd.s32 $0x20, s3;
	v34 =	vor.u32 v62, v25;
	v49 =	vld.idx.msk [tilespmem:v51+s10+$0x0], $0xffff;
	v51 =	vor.u32 v52, v36;
	v52 =	vor.u32 v1, v36  }
0x10f: {  	v1 =	vor.u32 v58, v25;
	_ =	sdelay $0x2  }
0x110: {  	v3 =	vshll.u32 v58, $0x8  }
0x111: {  	v3 =	vand.u32 $0x3800, v3;
	[tilespmem:v52+s16+$0x0] =	vst.idx.msk $0xffff, v57  }
0x112: {  	v5 =	vor.u32 s30, v17;
	v3 =	vor.u32 v3, v26;
	[tilespmem:v51+s16+$0x0] =	vst.idx.msk $0xffff, v49;
	v1 =	vld.idx.msk [tilespmem:v1+s10+$0x0], $0xffff  }
0x113: {  	v26 =	vor.u32 v5, v25;
	v7 =	vld.idx.msk [tilespmem:v48+s10+$0x0], $0xffff;
	_ =	sdelay $0x2  }
0x114: {  	v5 =	vshll.u32 v5, $0x8  }
0x115: {  	[tilespmem:v3+s16+$0x0] =	vst.idx.msk $0xffff, v1;
	v1 =	vand.u32 $0x3800, v5  }
0x116: {  	[tilespmem:v45+s16+$0x0] =	vst.idx.msk $0xffff, v7;
	v5 =	vor.u32 s30, v18;
	v3 =	vld.idx.msk [tilespmem:v26+s10+$0x0], $0xffff;
	v1 =	vor.u32 v1, v27  }
0x117: {  	v7 =	vld.idx.msk [tilespmem:v46+s10+$0x0], $0xffff;
	v26 =	vor.u32 v5, v25;
	_ =	sdelay $0x2  }
0x118: {  	v5 =	vshll.u32 v5, $0x8  }
0x119: {  	[tilespmem:v1+s16+$0x0] =	vst.idx.msk $0xffff, v3;
	v1 =	vand.u32 $0x3800, v5  }
0x11a: {  	[tilespmem:v42+s16+$0x0] =	vst.idx.msk $0xffff, v7;
	v5 =	vor.u32 s30, v19;
	v3 =	vld.idx.msk [tilespmem:v26+s10+$0x0], $0xffff;
	v1 =	vor.u32 v1, v28  }
0x11b: {  	v7 =	vld.idx.msk [tilespmem:v47+s10+$0x0], $0xffff;
	v26 =	vor.u32 v5, v25;
	_ =	sdelay $0x2  }
0x11c: {  	v5 =	vshll.u32 v5, $0x8  }
0x11d: {  	[tilespmem:v1+s16+$0x0] =	vst.idx.msk $0xffff, v3;
	v1 =	vand.u32 $0x3800, v5  }
0x11e: {  	[tilespmem:v43+s16+$0x0] =	vst.idx.msk $0xffff, v7;
	v5 =	vor.u32 s30, v20;
	v3 =	vld.idx.msk [tilespmem:v26+s10+$0x0], $0xffff;
	v1 =	vor.u32 v1, v29  }
0x11f: {  	v7 =	vld.idx.msk [tilespmem:v40+s10+$0x0], $0xffff;
	v26 =	vor.u32 v5, v25;
	_ =	sdelay $0x2  }
0x120: {  	v5 =	vshll.u32 v5, $0x8  }
0x121: {  	[tilespmem:v1+s16+$0x0] =	vst.idx.msk $0xffff, v3;
	v1 =	vand.u32 $0x3800, v5  }
0x122: {  	[tilespmem:v44+s16+$0x0] =	vst.idx.msk $0xffff, v7;
	v5 =	vor.u32 s30, v21;
	v3 =	vld.idx.msk [tilespmem:v26+s10+$0x0], $0xffff;
	v1 =	vor.u32 v1, v30  }
0x123: {  	v7 =	vld.idx.msk [tilespmem:v41+s10+$0x0], $0xffff;
	v26 =	vor.u32 v5, v25;
	_ =	sdelay $0x2  }
0x124: {  	v5 =	vshll.u32 v5, $0x8  }
0x125: {  	[tilespmem:v1+s16+$0x0] =	vst.idx.msk $0xffff, v3;
	v1 =	vand.u32 $0x3800, v5  }
0x126: {  	[tilespmem:v39+s16+$0x0] =	vst.idx.msk $0xffff, v7;
	v5 =	vor.u32 s30, v22;
	v3 =	vld.idx.msk [tilespmem:v26+s10+$0x0], $0xffff;
	v1 =	vor.u32 v1, v31  }
0x127: {  	v7 =	vld.idx.msk [tilespmem:v35+s10+$0x0], $0xffff;
	v26 =	vor.u32 v5, v25;
	_ =	sdelay $0x2  }
0x128: {  	v5 =	vshll.u32 v5, $0x8  }
0x129: {  	[tilespmem:v1+s16+$0x0] =	vst.idx.msk $0xffff, v3;
	v1 =	vand.u32 $0x3800, v5  }
0x12a: {  	[tilespmem:v38+s16+$0x0] =	vst.idx.msk $0xffff, v7;
	v5 =	vor.u32 s30, v23;
	v3 =	vld.idx.msk [tilespmem:v26+s10+$0x0], $0xffff;
	v1 =	vor.u32 v1, v32  }
0x12b: {  	v7 =	vld.idx.msk [tilespmem:v37+s10+$0x0], $0xffff;
	v25 =	vor.u32 v5, v25;
	_ =	sdelay $0x2  }
0x12c: {  	v5 =	vshll.u32 v5, $0x8  }
0x12d: {  	[tilespmem:v1+s16+$0x0] =	vst.idx.msk $0xffff, v3;
	v1 =	vand.u32 $0x3800, v5  }
0x12e: {  	[tilespmem:v33+s16+$0x0] =	vst.idx.msk $0xffff, v7;
	v3 =	vld.idx.msk [tilespmem:v25+s10+$0x0], $0xffff;
	v1 =	vor.u32 v1, v36  }
0x12f: {  	v5 =	vor.u32 v56, v36;
	v7 =	vld.idx.msk [tilespmem:v34+s10+$0x0], $0xffff;
	_ =	sdelay $0x1  }
0x130: {  	[tilespmem:v54+s16+$0x0] =	vst.idx.msk $0xffff, v53  }
0x131: {  	[tilespmem:v24+s16+$0x0] =	vst.idx.msk $0xffff, v55  }
0x132: {  	s0 =	sshll.u32 s26, $0x12;
	[tilespmem:v1+s16+$0x0] =	vst.idx.msk $0xffff, v3  }
0x133: {  	s0 =	sadd.s32 s0, s6;
	[tilespmem:v5+s16+$0x0] =	vst.idx.msk $0xffff, v7  }
0x134: {  	[hbm4b:s0+s17] =	stream.strided.scatter [tilespmem:s16], [sflag:$0x3], $0x4000, s18, s17, $0x38;
	[tilespmem:$0x18400] =	vst v63  }
0x135: {  	_ =	swait.ge [sflag:s19], $0x4000  }
0x136: {  	[sflag:s19] =	ssyncset.done $0x0  }
0x137: {  	[sflag:s19] =	ssyncadd.s32 $0xFFFFC000  }
0x138: {  	_ =	swait.ge [sflag:s20], $0x200  }
0x139: {  	s2 =	simm.s32 $0x0;
	[sflag:s20] =	ssyncset.done $0x0  }
0x13a: {  	s3 =	sand.u32 $0x20, s2;
	s2 =	sand.u32 $0xF0, s2;
	[sflag:s20] =	ssyncadd.s32 $0xFFFFFE00  }
0x13b: {  	[tilespmem:s10], [sflag:$0x1] =	stream.indirect.gather [hbm4b:s4+s12], $0x80, s14, s12, $0xb8;
	[tilespmem:$0x18400] =	vst v63  }
0x13c: {  	s31 =	sor.u32 $0x10, s3;
	v1 =	vor.u32 s2, v0;
	_ =	swait.ge [sflag:s21], $0x8000  }
0x13d: {  	v3 =	vor.u32 s31, v0;
	v32 =	vshll.u32 v1, $0x7;
	v60 =	vld [tilespmem:$0x1FFA0]  }
0x13e: {  	v24 =	vmov s2;
	v5 =	vor.u32 s3, v0;
	v7 =	vor.u32 v3, v32  }
0x13f: {  	v24 =	vshll.u32 v24, $0x3;
	v25 =	vor.u32 v5, v32  }
0x140: {  	v24 =	vand.u32 $0x400, v24;
	v1 =	vand.u32 $0x7F, v1  }
0x141: {  	v24 =	vor.u32 v24, v1;
	v1 =	vshll.u32 v3, $0x8;
	[sflag:s21] =	ssyncset.done $0x0  }
0x142: {  	v3 =	vshll.u32 v5, $0x8;
	v1 =	vand.u32 $0x3800, v1;
	[sflag:s21] =	ssyncadd.s32 $0xFFFF8000;
	v26 =	vor.u32 v60, v24  }
0x143: {  	v3 =	vand.u32 $0x2800, v3;
	v5 =	vld.idx.msk [tilespmem:v7+s13+$0x0], $0xffff;
	v7 =	vor.u32 s31, v2;
	v1 =	vor.u32 v1, v26  }
0x144: {  	v27 =	vor.u32 s3, v2;
	v25 =	vld.idx.msk [tilespmem:v25+s13+$0x0], $0xffff;
	v28 =	vor.u32 v7, v32;
	v3 =	vor.u32 v3, v26  }
0x145: {  	v29 =	vor.u32 v27, v32;
	_ =	sdelay $0x1  }
0x146: {  	v7 =	vshll.u32 v7, $0x8  }
0x147: {  	v30 =	vshll.u32 v27, $0x8;
	v27 =	vor.u32 v9, v24;
	[tilespmem:v1+s22+$0x0] =	vst.idx.msk $0xffff, v5;
	v1 =	vand.u32 $0x3800, v7  }
0x148: {  	v5 =	vand.u32 $0x2800, v30;
	[tilespmem:v3+s22+$0x0] =	vst.idx.msk $0xffff, v25;
	v7 =	vor.u32 s31, v4;
	v3 =	vld.idx.msk [tilespmem:v28+s13+$0x0], $0xffff;
	v1 =	vor.u32 v1, v27  }
0x149: {  	v25 =	vor.u32 s3, v4;
	v29 =	vld.idx.msk [tilespmem:v29+s13+$0x0], $0xffff;
	v5 =	vor.u32 v5, v27;
	v30 =	vor.u32 v7, v32  }
0x14a: {  	v31 =	vor.u32 v25, v32;
	v25 =	vshll.u32 v25, $0x8  }
0x14b: {  	v28 =	vor.u32 s3, v6;
	v7 =	vshll.u32 v7, $0x8;
	v25 =	vand.u32 $0x2800, v25  }
0x14c: {  	v51 =	vshll.u32 v28, $0x8;
	v52 =	vor.u32 v28, v32;
	v28 =	vor.u32 v11, v24  }
0x14d: {  	v25 =	vor.u32 v25, v28;
	[tilespmem:v1+s22+$0x0] =	vst.idx.msk $0xffff, v3;
	v1 =	vand.u32 $0x3800, v7  }
0x14e: {  	v53 =	vor.u32 s3, v8;
	[tilespmem:v5+s22+$0x0] =	vst.idx.msk $0xffff, v29;
	v7 =	vor.u32 s31, v6;
	v5 =	vld.idx.msk [tilespmem:v30+s13+$0x0], $0xffff;
	v1 =	vor.u32 v1, v28  }
0x14f: {  	v3 =	vor.u32 s3, v10;
	v29 =	vshll.u32 v53, $0x8;
	v30 =	vld.idx.msk [tilespmem:v31+s13+$0x0], $0xffff;
	v31 =	vor.u32 v7, v32  }
0x150: {  	v54 =	vand.u32 $0x2800, v29;
	v29 =	vshll.u32 v3, $0x8  }
0x151: {  	v55 =	vand.u32 $0x2800, v29;
	v29 =	vor.u32 s3, v12  }
0x152: {  	v7 =	vshll.u32 v7, $0x8;
	v38 =	vor.u32 v29, v32;
	v29 =	vshll.u32 v29, $0x8  }
0x153: {  	v56 =	vand.u32 $0x2800, v29;
	v29 =	vor.u32 v13, v24;
	[tilespmem:v1+s22+$0x0] =	vst.idx.msk $0xffff, v5;
	v1 =	vand.u32 $0x3800, v7  }
0x154: {  	[tilespmem:v25+s22+$0x0] =	vst.idx.msk $0xffff, v30;
	v25 =	vor.u32 s31, v8;
	v7 =	vld.idx.msk [tilespmem:v31+s13+$0x0], $0xffff;
	v1 =	vor.u32 v1, v29  }
0x155: {  	v63 =	vor.u32 v25, v32  }
0x156: {  	v33 =	vand.u32 $0x2800, v51;
	v30 =	vor.u32 s3, v15  }
0x157: {  	v33 =	vor.u32 v33, v29;
	v42 =	vshll.u32 v30, $0x8  }
0x158: {  	v31 =	vld.idx.msk [tilespmem:v52+s13+$0x0], $0xffff;
	v51 =	vor.u32 v30, v32;
	v25 =	vshll.u32 v25, $0x8;
	v30 =	vand.u32 $0x2800, v42  }
0x159: {  	v48 =	vor.u32 v30, v26;
	v30 =	vor.u32 v16, v24;
	[tilespmem:v1+s22+$0x0] =	vst.idx.msk $0xffff, v7;
	v1 =	vand.u32 $0x3800, v25  }
0x15a: {  	v35 =	vor.u32 v53, v32;
	v25 =	vld.idx.msk [tilespmem:v63+s13+$0x0], $0xffff;
	v1 =	vor.u32 v1, v30;
	_ =	sdelay $0x3  }
0x15b: {  	s8 =	simm.s32 $0x8;
	v61 =	vor.u32 s3, v21;
	v43 =	vor.u32 s3, v17;
	[tilespmem:v33+s22+$0x0] =	vst.idx.msk $0xffff, v31  }
0x15c: {  	v58 =	vor.u32 s31, v12;
	v39 =	vshll.u32 v43, $0x8;
	s2 =	sand.u32 $0xF0, s8;
	v53 =	vor.u32 s31, v10;
	v33 =	vld.idx.msk [tilespmem:v35+s13+$0x0], $0xffff;
	[tilespmem:v1+s22+$0x0] =	vst.idx.msk $0xffff, v25  }
0x15d: {  	v49 =	vor.u32 s2, v0;
	v52 =	vor.u32 v54, v30;
	v54 =	vor.u32 v53, v32;
	v25 =	vld [tilespmem:$0x1FFB0]  }
0x15e: {  	v47 =	vor.u32 v43, v32;
	v7 =	vand.u32 $0x2800, v39;
	v31 =	vor.u32 s3, v18  }
0x15f: {  	v3 =	vor.u32 v3, v32;
	v46 =	vor.u32 v7, v27;
	v7 =	vshll.u32 v31, $0x8  }
0x160: {  	v45 =	vor.u32 v31, v32;
	v31 =	vor.u32 s3, v19;
	v7 =	vand.u32 $0x2800, v7  }
0x161: {  	v43 =	vor.u32 v31, v32;
	v44 =	vor.u32 v7, v28;
	v1 =	vshll.u32 v53, $0x8  }
0x162: {  	v7 =	vshll.u32 v31, $0x8;
	[tilespmem:v52+s22+$0x0] =	vst.idx.msk $0xffff, v33;
	v1 =	vand.u32 $0x3800, v1;
	v57 =	vld.idx.msk [tilespmem:v54+s13+$0x0], $0xffff;
	v31 =	vor.u32 v25, v24  }
0x163: {  	v5 =	vor.u32 s3, v14;
	v7 =	vand.u32 $0x2800, v7;
	v62 =	vld [tilespmem:$0x1FFC0];
	v1 =	vor.u32 v1, v31  }
0x164: {  	v41 =	vor.u32 v7, v29;
	v7 =	vor.u32 v58, v32;
	v3 =	vld.idx.msk [tilespmem:v3+s13+$0x0], $0xffff;
	v55 =	vor.u32 v55, v31  }
0x165: {  	v50 =	vor.u32 v5, v32;
	v5 =	vshll.u32 v5, $0x8;
	v25 =	vor.u32 s3, v20  }
0x166: {  	v5 =	vand.u32 $0x2800, v5;
	v35 =	vshll.u32 v58, $0x8;
	v59 =	vshll.u32 v25, $0x8  }
0x167: {  	v35 =	vand.u32 $0x3800, v35;
	v42 =	vor.u32 v25, v32;
	v25 =	vand.u32 $0x2800, v59  }
0x168: {  	v37 =	vor.u32 v62, v24;
	v40 =	vor.u32 v25, v30;
	v25 =	vshll.u32 v61, $0x8;
	[tilespmem:v1+s22+$0x0] =	vst.idx.msk $0xffff, v57  }
0x169: {  	v63 =	vor.u32 v35, v37;
	v59 =	vor.u32 s3, v23;
	v25 =	vand.u32 $0x2800, v25;
	[tilespmem:v55+s22+$0x0] =	vst.idx.msk $0xffff, v3;
	v3 =	vld.idx.msk [tilespmem:v7+s13+$0x0], $0xffff  }
0x16a: {  	s11 =	simm.s32 $0x20;
	v1 =	vor.u32 v56, v37;
	v56 =	vor.u32 s3, v22;
	v7 =	vor.u32 s31, v14;
	v36 =	vld [tilespmem:$0x1FFD0]  }
0x16b: {  	s0 =	sand.u32 $0x20, s11;
	v35 =	vor.u32 v25, v31;
	v25 =	vshll.u32 v56, $0x8;
	v57 =	vld.idx.msk [tilespmem:v38+s13+$0x0], $0xffff;
	v58 =	vor.u32 v7, v32  }
0x16c: {  	s30 =	sor.u32 $0x10, s0;
	v39 =	vor.u32 v61, v32;
	v61 =	vor.u32 v59, v32;
	v25 =	vand.u32 $0x2800, v25  }
0x16d: {  	v54 =	vor.u32 s0, v2;
	v33 =	vor.u32 s30, v0;
	[tilespmem:$0x1FF50] =	vst v61;
	v25 =	vor.u32 v25, v37  }
0x16e: {  	v62 =	vor.u32 s0, v0;
	v38 =	vor.u32 v56, v32;
	v7 =	vshll.u32 v7, $0x8;
	[tilespmem:$0x1FF40] =	vst v25  }
0x16f: {  	v7 =	vand.u32 $0x3800, v7;
	v25 =	vshll.u32 v59, $0x8;
	v34 =	vor.u32 v36, v24;
	[tilespmem:v63+s22+$0x0] =	vst.idx.msk $0xffff, v3  }
0x170: {  	v61 =	vmov s2;
	v24 =	vand.u32 $0x2800, v25;
	[tilespmem:v1+s22+$0x0] =	vst.idx.msk $0xffff, v57;
	v3 =	vor.u32 v7, v34;
	v1 =	vld.idx.msk [tilespmem:v58+s13+$0x0], $0xffff  }
0x171: {  	v25 =	vshll.u32 v49, $0x7;
	v5 =	vor.u32 v5, v34;
	v7 =	vor.u32 s31, v15;
	v50 =	vld.idx.msk [tilespmem:v50+s13+$0x0], $0xffff  }
0x172: {  	v63 =	vshll.u32 v62, $0x8;
	v53 =	vor.u32 v62, v25;
	v52 =	vor.u32 v7, v32  }
0x173: {  	v55 =	vand.u32 $0x2800, v63;
	v57 =	vor.u32 v33, v25;
	v59 =	vor.u32 v54, v25  }
0x174: {  	v58 =	vshll.u32 v61, $0x3;
	v63 =	vshll.u32 v54, $0x8;
	v7 =	vshll.u32 v7, $0x8  }
0x175: {  	v61 =	vor.u32 s0, v6;
	v62 =	vand.u32 $0x400, v58;
	v7 =	vand.u32 $0x3800, v7;
	[tilespmem:v3+s22+$0x0] =	vst.idx.msk $0xffff, v1  }
0x176: {  	v1 =	vor.u32 s31, v17;
	v3 =	vand.u32 $0x7F, v49;
	[tilespmem:v5+s22+$0x0] =	vst.idx.msk $0xffff, v50;
	v5 =	vor.u32 v7, v26  }
0x177: {  	v49 =	vor.u32 v62, v3;
	v3 =	vshll.u32 v33, $0x8;
	v7 =	vld.idx.msk [tilespmem:v52+s13+$0x0], $0xffff;
	v50 =	vor.u32 v1, v32  }
0x178: {  	v51 =	vld.idx.msk [tilespmem:v51+s13+$0x0], $0xffff;
	v52 =	vand.u32 $0x2800, v63;
	v26 =	vor.u32 v60, v49;
	v3 =	vand.u32 $0x3800, v3  }
0x179: {  	v57 =	vld.idx.msk [tilespmem:v57+s13+$0x0], $0xffff;
	v54 =	vor.u32 v55, v26;
	v3 =	vor.u32 v3, v26;
	v55 =	vor.u32 s30, v2  }
0x17a: {  	v53 =	vld.idx.msk [tilespmem:v53+s13+$0x0], $0xffff;
	v33 =	vor.u32 s0, v4;
	v1 =	vshll.u32 v1, $0x8;
	v58 =	vor.u32 v55, v25  }
0x17b: {  	v63 =	vshll.u32 v61, $0x8;
	v56 =	vshll.u32 v33, $0x8;
	v1 =	vand.u32 $0x3800, v1  }
0x17c: {  	v1 =	vor.u32 v1, v27;
	v27 =	vor.u32 v9, v49;
	v55 =	vshll.u32 v55, $0x8;
	[tilespmem:v5+s22+$0x0] =	vst.idx.msk $0xffff, v7  }
0x17d: {  	v55 =	vand.u32 $0x3800, v55;
	v5 =	vand.u32 $0x2800, v56;
	[tilespmem:v48+s22+$0x0] =	vst.idx.msk $0xffff, v51;
	v48 =	vor.u32 s31, v18;
	v50 =	vld.idx.msk [tilespmem:v50+s13+$0x0], $0xffff  }
0x17e: {  	v7 =	vor.u32 v61, v25;
	v56 =	vor.u32 v48, v32;
	v47 =	vld.idx.msk [tilespmem:v47+s13+$0x0], $0xffff;
	[tilespmem:v3+s22+$0x0] =	vst.idx.msk $0xffff, v57  }
0x17f: {  	v62 =	vor.u32 s0, v8;
	v55 =	vor.u32 v55, v27;
	v61 =	vor.u32 s30, v4;
	[tilespmem:v54+s22+$0x0] =	vst.idx.msk $0xffff, v53;
	v53 =	vld.idx.msk [tilespmem:v58+s13+$0x0], $0xffff  }
0x180: {  	v52 =	vor.u32 v52, v27;
	v48 =	vshll.u32 v48, $0x8;
	v3 =	vor.u32 v61, v25;
	v58 =	vld.idx.msk [tilespmem:v59+s13+$0x0], $0xffff  }
0x181: {  	v60 =	vor.u32 v33, v25;
	v33 =	vshll.u32 v62, $0x8;
	v48 =	vand.u32 $0x3800, v48  }
0x182: {  	v51 =	vand.u32 $0x2800, v63;
	v54 =	vor.u32 v62, v25;
	v48 =	vor.u32 v48, v28;
	[tilespmem:v1+s22+$0x0] =	vst.idx.msk $0xffff, v50  }
0x183: {  	v28 =	vor.u32 v11, v49;
	[tilespmem:v46+s22+$0x0] =	vst.idx.msk $0xffff, v47;
	v46 =	vor.u32 s31, v19;
	v50 =	vshll.u32 v61, $0x8;
	v56 =	vld.idx.msk [tilespmem:v56+s13+$0x0], $0xffff  }
0x184: {  	v63 =	vor.u32 s0, v10;
	v61 =	vor.u32 v46, v32;
	v47 =	vand.u32 $0x3800, v50;
	v45 =	vld.idx.msk [tilespmem:v45+s13+$0x0], $0xffff;
	[tilespmem:v55+s22+$0x0] =	vst.idx.msk $0xffff, v53  }
0x185: {  	v57 =	vand.u32 $0x2800, v33;
	v62 =	vor.u32 s30, v6;
	v47 =	vor.u32 v47, v28;
	[tilespmem:v52+s22+$0x0] =	vst.idx.msk $0xffff, v58;
	v3 =	vld.idx.msk [tilespmem:v3+s13+$0x0], $0xffff  }
0x186: {  	v5 =	vor.u32 v5, v28;
	v46 =	vshll.u32 v46, $0x8;
	v53 =	vor.u32 v62, v25;
	v58 =	vld.idx.msk [tilespmem:v60+s13+$0x0], $0xffff  }
0x187: {  	v33 =	vor.u32 v63, v25;
	v63 =	vshll.u32 v63, $0x8;
	v46 =	vand.u32 $0x3800, v46  }
0x188: {  	v59 =	vand.u32 $0x2800, v63;
	v46 =	vor.u32 v46, v29;
	[tilespmem:v48+s22+$0x0] =	vst.idx.msk $0xffff, v56  }
0x189: {  	v29 =	vor.u32 v13, v49;
	v56 =	vor.u32 s31, v20;
	[tilespmem:v44+s22+$0x0] =	vst.idx.msk $0xffff, v45;
	v48 =	vshll.u32 v62, $0x8;
	v44 =	vld.idx.msk [tilespmem:v61+s13+$0x0], $0xffff  }
0x18a: {  	v1 =	vor.u32 s30, v8;
	v60 =	vor.u32 v56, v32;
	v43 =	vld.idx.msk [tilespmem:v43+s13+$0x0], $0xffff;
	v48 =	vand.u32 $0x3800, v48;
	[tilespmem:v47+s22+$0x0] =	vst.idx.msk $0xffff, v3  }
0x18b: {  	v50 =	vor.u32 s0, v12;
	v45 =	vor.u32 s0, v15;
	v62 =	vor.u32 v48, v29;
	[tilespmem:v5+s22+$0x0] =	vst.idx.msk $0xffff, v58;
	v5 =	vld.idx.msk [tilespmem:v53+s13+$0x0], $0xffff  }
0x18c: {  	v51 =	vor.u32 v51, v29;
	v61 =	vshll.u32 v45, $0x8;
	v47 =	vor.u32 v1, v25;
	v7 =	vld.idx.msk [tilespmem:v7+s13+$0x0], $0xffff  }
0x18d: {  	v63 =	vor.u32 v50, v25;
	v3 =	vand.u32 $0x2800, v61;
	v61 =	vshll.u32 v56, $0x8  }
0x18e: {  	v48 =	vor.u32 v45, v25;
	v1 =	vshll.u32 v1, $0x8;
	v53 =	vand.u32 $0x3800, v61;
	[tilespmem:v46+s22+$0x0] =	vst.idx.msk $0xffff, v44  }
0x18f: {  	v45 =	vor.u32 v3, v26;
	[tilespmem:v41+s22+$0x0] =	vst.idx.msk $0xffff, v43;
	v43 =	vor.u32 v53, v30;
	v41 =	vld.idx.msk [tilespmem:v60+s13+$0x0], $0xffff  }
0x190: {  	v50 =	vshll.u32 v50, $0x8;
	v1 =	vand.u32 $0x3800, v1;
	v30 =	vor.u32 v16, v49;
	v44 =	vld.idx.msk [tilespmem:v42+s13+$0x0], $0xffff;
	[tilespmem:v62+s22+$0x0] =	vst.idx.msk $0xffff, v5  }
0x191: {  	v55 =	vor.u32 s0, v14;
	v3 =	vor.u32 s0, v17;
	v1 =	vor.u32 v1, v30;
	[tilespmem:v51+s22+$0x0] =	vst.idx.msk $0xffff, v7;
	v7 =	vld.idx.msk [tilespmem:v47+s13+$0x0], $0xffff  }
0x192: {  	v52 =	vand.u32 $0x2800, v50;
	v46 =	vor.u32 v3, v25;
	v3 =	vshll.u32 v3, $0x8  }
0x193: {  	v50 =	vor.u32 v55, v25;
	v3 =	vand.u32 $0x2800, v3;
	v60 =	vor.u32 s31, v21  }
0x194: {  	v55 =	vshll.u32 v55, $0x8;
	v42 =	vor.u32 v3, v27;
	v3 =	vor.u32 v60, v32;
	[tilespmem:v43+s22+$0x0] =	vst.idx.msk $0xffff, v41  }
0x195: {  	v58 =	vand.u32 $0x2800, v55;
	v5 =	vor.u32 s0, v18;
	[tilespmem:v40+s22+$0x0] =	vst.idx.msk $0xffff, v44  }
0x196: {  	v61 =	vor.u32 s30, v10;
	v47 =	vor.u32 v5, v25;
	v5 =	vshll.u32 v5, $0x8;
	v54 =	vld.idx.msk [tilespmem:v54+s13+$0x0], $0xffff;
	[tilespmem:v1+s22+$0x0] =	vst.idx.msk $0xffff, v7  }
0x197: {  	v55 =	vor.u32 v57, v30;
	v53 =	vshll.u32 v60, $0x8;
	v5 =	vand.u32 $0x2800, v5;
	v7 =	vld [tilespmem:$0x1FFB0]  }
0x198: {  	v41 =	vor.u32 v61, v25;
	v43 =	vor.u32 v5, v28;
	v5 =	vand.u32 $0x3800, v53  }
0x199: {  	v62 =	vor.u32 s0, v19;
	v60 =	vor.u32 s31, v22;
	v3 =	vld.idx.msk [tilespmem:v3+s13+$0x0], $0xffff;
	v5 =	vor.u32 v5, v31  }
0x19a: {  	v57 =	vshll.u32 v62, $0x8;
	v39 =	vld.idx.msk [tilespmem:v39+s13+$0x0], $0xffff;
	v1 =	vor.u32 v60, v32  }
0x19b: {  	v51 =	vshll.u32 v61, $0x8;
	v44 =	vand.u32 $0x2800, v57;
	v61 =	vor.u32 s0, v20  }
0x19c: {  	v57 =	vshll.u32 v61, $0x8;
	[tilespmem:v55+s22+$0x0] =	vst.idx.msk $0xffff, v54;
	v31 =	vor.u32 v7, v49;
	v7 =	vand.u32 $0x3800, v51  }
0x19d: {  	v55 =	vld.idx.msk [tilespmem:v41+s13+$0x0], $0xffff;
	v54 =	vor.u32 v59, v31;
	v7 =	vor.u32 v7, v31;
	v59 =	vshll.u32 v60, $0x8  }
0x19e: {  	[tilespmem:v5+s22+$0x0] =	vst.idx.msk $0xffff, v3;
	v3 =	vld.idx.msk [tilespmem:v33+s13+$0x0], $0xffff;
	v33 =	vand.u32 $0x2800, v57;
	v51 =	vand.u32 $0x3800, v59  }
0x19f: {  	[tilespmem:v35+s22+$0x0] =	vst.idx.msk $0xffff, v39;
	v1 =	vld.idx.msk [tilespmem:v1+s13+$0x0], $0xffff;
	v39 =	vor.u32 v33, v30;
	v33 =	vor.u32 v51, v37;
	_ =	sdelay $0x2  }
0x1a0: {  	[tilespmem:v7+s22+$0x0] =	vst.idx.msk $0xffff, v55  }
0x1a1: {  	v40 =	vor.u32 v62, v25;
	v62 =	vor.u32 s30, v12;
	v57 =	vld [tilespmem:$0x1FFC0];
	[tilespmem:v54+s22+$0x0] =	vst.idx.msk $0xffff, v3  }
0x1a2: {  	v5 =	vor.u32 v62, v25;
	[tilespmem:v33+s22+$0x0] =	vst.idx.msk $0xffff, v1  }
0x1a3: {  	v33 =	vld [tilespmem:$0x1FF40];
	_ =	sdelay $0x1  }
0x1a4: {  	v62 =	vshll.u32 v62, $0x8;
	v37 =	vor.u32 s31, v23  }
0x1a5: {  	v56 =	vld.idx.msk [tilespmem:v38+s13+$0x0], $0xffff;
	v59 =	vand.u32 $0x3800, v62;
	v7 =	vor.u32 v37, v32;
	v32 =	vor.u32 v57, v49  }
0x1a6: {  	v5 =	vld.idx.msk [tilespmem:v5+s13+$0x0], $0xffff;
	v51 =	vor.u32 v59, v32;
	_ =	sdelay $0x3  }
0x1a7: {  	[tilespmem:v33+s22+$0x0] =	vst.idx.msk $0xffff, v56  }
0x1a8: {  	v41 =	vor.u32 v61, v25;
	v60 =	vor.u32 s0, v21;
	[tilespmem:v51+s22+$0x0] =	vst.idx.msk $0xffff, v5  }
0x1a9: {  	v35 =	vor.u32 v60, v25;
	v61 =	vshll.u32 v60, $0x8;
	v60 =	vor.u32 s30, v14;
	v5 =	vld [tilespmem:$0x1FF50]  }
0x1aa: {  	v3 =	vand.u32 $0x2800, v61;
	v61 =	vld.idx.msk [tilespmem:v63+s13+$0x0], $0xffff;
	v63 =	vor.u32 v60, v25;
	v52 =	vor.u32 v52, v32  }
0x1ab: {  	v24 =	vor.u32 v24, v34  }
0x1ac: {  	v36 =	vor.u32 v36, v49;
	v38 =	vor.u32 v3, v31;
	v3 =	vshll.u32 v37, $0x8  }
0x1ad: {  	v44 =	vor.u32 v44, v29;
	v62 =	vor.u32 s0, v22;
	v3 =	vand.u32 $0x3800, v3  }
0x1ae: {  	v1 =	vshll.u32 v62, $0x8;
	v54 =	vor.u32 v3, v34;
	v3 =	vor.u32 s0, v23;
	v53 =	vld.idx.msk [tilespmem:v7+s13+$0x0], $0xffff  }
0x1af: {  	v1 =	vand.u32 $0x2800, v1;
	v34 =	vor.u32 v3, v25;
	[tilespmem:v52+s22+$0x0] =	vst.idx.msk $0xffff, v61;
	v57 =	vld.idx.msk [tilespmem:v63+s13+$0x0], $0xffff  }
0x1b0: {  	v33 =	vor.u32 v1, v32;
	v1 =	vshll.u32 v3, $0x8;
	v3 =	vshll.u32 v60, $0x8;
	v49 =	vld.idx.msk [tilespmem:v50+s13+$0x0], $0xffff  }
0x1b1: {  	v37 =	vor.u32 v62, v25;
	v56 =	vand.u32 $0x2800, v1;
	v1 =	vand.u32 $0x3800, v3;
	v55 =	vld.idx.msk [tilespmem:v5+s13+$0x0], $0xffff  }
0x1b2: {  	s3 =	simm.s32 $0x40;
	s31 =	simm.s32 $0x2;
	s0 =	simm.s32 $0x10;
	v51 =	vor.u32 v58, v36;
	v58 =	vor.u32 s30, v15;
	v52 =	vor.u32 v1, v36;
	v63 =	vld [tilespmem:$0x1FFA0]  }
.LBB2_5:
0x1b3: {  	s2 =	sand.u32 $0x20, s3;
	s11 =	sand.u32 $0xF0, s0;
	v1 =	vor.u32 v56, v36;
	v3 =	vor.u32 v58, v25  }
0x1b4: {  	v58 =	vshll.u32 v58, $0x8;
	v5 =	vor.u32 s11, v0;
	v7 =	vor.u32 s2, v0;
	s8 =	sor.u32 $0x10, s2  }
0x1b5: {  	v56 =	vor.u32 s2, v2;
	[tilespmem:v54+s22+$0x0] =	vst.idx.msk $0xffff, v53;
	v50 =	vshll.u32 v5, $0x7;
	v54 =	vor.u32 s8, v0  }
0x1b6: {  	v61 =	vand.u32 $0x3800, v58;
	v59 =	vor.u32 v54, v50;
	[tilespmem:v24+s22+$0x0] =	vst.idx.msk $0xffff, v55;
	v55 =	vmov s11  }
0x1b7: {  	v62 =	vshll.u32 v7, $0x8;
	v5 =	vand.u32 $0x7F, v5;
	v24 =	vmovc v1;
	[tilespmem:v52+s22+$0x0] =	vst.idx.msk $0xffff, v57;
	v1 =	vshll.u32 v55, $0x3  }
0x1b8: {  	v7 =	vor.u32 v7, v50;
	v53 =	vand.u32 $0x2800, v62;
	[tilespmem:v51+s22+$0x0] =	vst.idx.msk $0xffff, v49;
	v1 =	vand.u32 $0x400, v1  }
0x1b9: {  	v52 =	vor.u32 v61, v26;
	v3 =	vld.idx.msk [tilespmem:v3+s13+$0x0], $0xffff;
	v49 =	vor.u32 v1, v5;
	v1 =	vshll.u32 v54, $0x8  }
0x1ba: {  	v51 =	vor.u32 s30, v17;
	v48 =	vld.idx.msk [tilespmem:v48+s13+$0x0], $0xffff;
	v26 =	vor.u32 v63, v49;
	v1 =	vand.u32 $0x3800, v1  }
0x1bb: {  	v60 =	vor.u32 v56, v50;
	v5 =	vor.u32 v51, v25;
	v55 =	vld.idx.msk [tilespmem:v59+s13+$0x0], $0xffff;
	v1 =	vor.u32 v1, v26  }
0x1bc: {  	v62 =	vshll.u32 v56, $0x8;
	v56 =	vor.u32 s8, v2;
	v61 =	vor.u32 s2, v4  }
0x1bd: {  	v54 =	vand.u32 $0x2800, v62;
	v62 =	vor.u32 v56, v50;
	v7 =	vld.idx.msk [tilespmem:v7+s13+$0x0], $0xffff;
	v53 =	vor.u32 v53, v26  }
0x1be: {  	v57 =	vshll.u32 v61, $0x8;
	v59 =	vor.u32 v61, v50;
	[tilespmem:v52+s22+$0x0] =	vst.idx.msk $0xffff, v3;
	v3 =	vshll.u32 v51, $0x8  }
0x1bf: {  	v61 =	vor.u32 s2, v6;
	[tilespmem:v45+s22+$0x0] =	vst.idx.msk $0xffff, v48;
	v48 =	vor.u32 s30, v18;
	v3 =	vand.u32 $0x3800, v3  }
0x1c0: {  	v52 =	vshll.u32 v61, $0x8;
	v5 =	vld.idx.msk [tilespmem:v5+s13+$0x0], $0xffff;
	v3 =	vor.u32 v3, v27;
	[tilespmem:v1+s22+$0x0] =	vst.idx.msk $0xffff, v55;
	v1 =	vshll.u32 v56, $0x8  }
0x1c1: {  	v46 =	vld.idx.msk [tilespmem:v46+s13+$0x0], $0xffff;
	v27 =	vor.u32 v9, v49;
	v56 =	vor.u32 v48, v25;
	v1 =	vand.u32 $0x3800, v1  }
0x1c2: {  	[tilespmem:v53+s22+$0x0] =	vst.idx.msk $0xffff, v7;
	v7 =	vand.u32 $0x2800, v52;
	v52 =	vld.idx.msk [tilespmem:v62+s13+$0x0], $0xffff;
	v1 =	vor.u32 v1, v27  }
0x1c3: {  	v51 =	vand.u32 $0x2800, v57;
	v57 =	vor.u32 s8, v4  }
0x1c4: {  	v58 =	vor.u32 s2, v10;
	v53 =	vld.idx.msk [tilespmem:v60+s13+$0x0], $0xffff;
	v60 =	vor.u32 v57, v50  }
0x1c5: {  	v54 =	vor.u32 v54, v27;
	v55 =	vor.u32 s2, v8;
	[tilespmem:v3+s22+$0x0] =	vst.idx.msk $0xffff, v5;
	v3 =	vshll.u32 v48, $0x8  }
0x1c6: {  	v45 =	vor.u32 v61, v50;
	v61 =	vor.u32 v55, v50;
	[tilespmem:v42+s22+$0x0] =	vst.idx.msk $0xffff, v46;
	v3 =	vand.u32 $0x3800, v3  }
0x1c7: {  	v55 =	vshll.u32 v55, $0x8;
	v42 =	vld.idx.msk [tilespmem:v56+s13+$0x0], $0xffff;
	v3 =	vor.u32 v3, v28;
	[tilespmem:v1+s22+$0x0] =	vst.idx.msk $0xffff, v52;
	v1 =	vshll.u32 v57, $0x8  }
0x1c8: {  	v47 =	vld.idx.msk [tilespmem:v47+s13+$0x0], $0xffff;
	v48 =	vor.u32 s30, v19;
	v28 =	vor.u32 v11, v49;
	v1 =	vand.u32 $0x3800, v1  }
0x1c9: {  	v62 =	vshll.u32 v58, $0x8;
	v46 =	vor.u32 v48, v25;
	v57 =	vld.idx.msk [tilespmem:v60+s13+$0x0], $0xffff;
	v1 =	vor.u32 v1, v28  }
0x1ca: {  	v5 =	vand.u32 $0x2800, v55;
	v55 =	vor.u32 v58, v50;
	[tilespmem:v54+s22+$0x0] =	vst.idx.msk $0xffff, v53;
	v60 =	vor.u32 s8, v6  }
0x1cb: {  	v56 =	vand.u32 $0x2800, v62;
	v58 =	vld.idx.msk [tilespmem:v59+s13+$0x0], $0xffff;
	v59 =	vor.u32 v51, v28;
	v62 =	vor.u32 v60, v50  }
0x1cc: {  	[tilespmem:v3+s22+$0x0] =	vst.idx.msk $0xffff, v42;
	v3 =	vshll.u32 v48, $0x8  }
0x1cd: {  	[tilespmem:v43+s22+$0x0] =	vst.idx.msk $0xffff, v47;
	v3 =	vand.u32 $0x3800, v3  }
0x1ce: {  	v42 =	vor.u32 s30, v20;
	v43 =	vld.idx.msk [tilespmem:v46+s13+$0x0], $0xffff;
	v3 =	vor.u32 v3, v29;
	[tilespmem:v1+s22+$0x0] =	vst.idx.msk $0xffff, v57;
	v1 =	vshll.u32 v60, $0x8  }
0x1cf: {  	v40 =	vld.idx.msk [tilespmem:v40+s13+$0x0], $0xffff;
	v48 =	vor.u32 s2, v15;
	v29 =	vor.u32 v13, v49;
	v1 =	vand.u32 $0x3800, v1  }
0x1d0: {  	v47 =	vor.u32 v42, v25;
	[tilespmem:v59+s22+$0x0] =	vst.idx.msk $0xffff, v58;
	v58 =	vld.idx.msk [tilespmem:v62+s13+$0x0], $0xffff;
	v1 =	vor.u32 v1, v29  }
0x1d1: {  	v57 =	vshll.u32 v48, $0x8;
	v60 =	vor.u32 s8, v8  }
0x1d2: {  	v59 =	vld.idx.msk [tilespmem:v45+s13+$0x0], $0xffff;
	v7 =	vor.u32 v7, v29;
	v62 =	vand.u32 $0x2800, v57;
	v57 =	vor.u32 v60, v50  }
0x1d3: {  	[tilespmem:v3+s22+$0x0] =	vst.idx.msk $0xffff, v43;
	v3 =	vshll.u32 v42, $0x8  }
0x1d4: {  	[tilespmem:v44+s22+$0x0] =	vst.idx.msk $0xffff, v40;
	v3 =	vand.u32 $0x3800, v3  }
0x1d5: {  	v43 =	vor.u32 s30, v21;
	v40 =	vld.idx.msk [tilespmem:v47+s13+$0x0], $0xffff;
	v3 =	vor.u32 v3, v30;
	[tilespmem:v1+s22+$0x0] =	vst.idx.msk $0xffff, v58;
	v1 =	vshll.u32 v60, $0x8  }
0x1d6: {  	v41 =	vld.idx.msk [tilespmem:v41+s13+$0x0], $0xffff;
	v44 =	vor.u32 v43, v25;
	v30 =	vor.u32 v16, v49;
	v1 =	vand.u32 $0x3800, v1  }
0x1d7: {  	[tilespmem:v7+s22+$0x0] =	vst.idx.msk $0xffff, v59;
	v57 =	vld.idx.msk [tilespmem:v57+s13+$0x0], $0xffff;
	v1 =	vor.u32 v1, v30  }
0x1d8: {  	v7 =	vor.u32 s2, v18;
	v58 =	vld.idx.msk [tilespmem:v61+s13+$0x0], $0xffff;
	v5 =	vor.u32 v5, v30  }
0x1d9: {  	v47 =	vor.u32 v7, v50;
	v7 =	vshll.u32 v7, $0x8  }
0x1da: {  	v7 =	vand.u32 $0x2800, v7;
	[tilespmem:v3+s22+$0x0] =	vst.idx.msk $0xffff, v40  }
0x1db: {  	[tilespmem:v39+s22+$0x0] =	vst.idx.msk $0xffff, v41;
	v3 =	vshll.u32 v43, $0x8;
	v43 =	vor.u32 v7, v28;
	v7 =	vld.idx.msk [tilespmem:v44+s13+$0x0], $0xffff  }
0x1dc: {  	[tilespmem:v1+s22+$0x0] =	vst.idx.msk $0xffff, v57;
	v57 =	vld.idx.msk [tilespmem:v35+s13+$0x0], $0xffff  }
0x1dd: {  	v52 =	vor.u32 s2, v12;
	v59 =	vor.u32 s8, v10;
	[tilespmem:v5+s22+$0x0] =	vst.idx.msk $0xffff, v58;
	v5 =	vld [tilespmem:$0x1FFB0]  }
0x1de: {  	v53 =	vor.u32 v52, v50;
	v54 =	vshll.u32 v52, $0x8;
	v60 =	vor.u32 v59, v50  }
0x1df: {  	v45 =	vor.u32 v62, v26;
	v62 =	vor.u32 s2, v17;
	v3 =	vand.u32 $0x3800, v3  }
0x1e0: {  	v46 =	vor.u32 v62, v50;
	v62 =	vshll.u32 v62, $0x8;
	v3 =	vor.u32 v3, v31  }
0x1e1: {  	v61 =	vor.u32 s2, v19;
	v39 =	vor.u32 s30, v22;
	v1 =	vshll.u32 v59, $0x8  }
0x1e2: {  	v59 =	vor.u32 v39, v25;
	v1 =	vand.u32 $0x3800, v1;
	v31 =	vor.u32 v5, v49  }
0x1e3: {  	v42 =	vand.u32 $0x2800, v62;
	v62 =	vshll.u32 v61, $0x8;
	v58 =	vld.idx.msk [tilespmem:v60+s13+$0x0], $0xffff;
	v1 =	vor.u32 v1, v31  }
0x1e4: {  	v40 =	vor.u32 v61, v50;
	v60 =	vor.u32 s8, v12;
	v5 =	vor.u32 s2, v20  }
0x1e5: {  	[tilespmem:v3+s22+$0x0] =	vst.idx.msk $0xffff, v7;
	v3 =	vshll.u32 v39, $0x8;
	v41 =	vor.u32 v5, v50;
	v5 =	vshll.u32 v5, $0x8  }
0x1e6: {  	v55 =	vld.idx.msk [tilespmem:v55+s13+$0x0], $0xffff;
	v61 =	vor.u32 v60, v50;
	v3 =	vand.u32 $0x3800, v3;
	v5 =	vand.u32 $0x2800, v5  }
0x1e7: {  	v7 =	vld.idx.msk [tilespmem:v59+s13+$0x0], $0xffff;
	v56 =	vor.u32 v56, v31;
	v39 =	vor.u32 v5, v30;
	v5 =	vor.u32 s30, v23  }
0x1e8: {  	v52 =	vor.u32 s2, v14;
	v3 =	vor.u32 v3, v32;
	[tilespmem:v1+s22+$0x0] =	vst.idx.msk $0xffff, v58;
	v58 =	vor.u32 v5, v25;
	v25 =	vld [tilespmem:$0x1FFC0]  }
0x1e9: {  	v54 =	vand.u32 $0x2800, v54;
	v51 =	vor.u32 v52, v50  }
0x1ea: {  	v52 =	vshll.u32 v52, $0x8;
	v44 =	vand.u32 $0x2800, v62;
	v62 =	vor.u32 s2, v21  }
0x1eb: {  	v52 =	vand.u32 $0x2800, v52;
	v35 =	vor.u32 v62, v50;
	v62 =	vshll.u32 v62, $0x8;
	[tilespmem:v38+s22+$0x0] =	vst.idx.msk $0xffff, v57  }
0x1ec: {  	v48 =	vor.u32 v48, v50;
	v57 =	vld.idx.msk [tilespmem:v37+s13+$0x0], $0xffff;
	v37 =	vand.u32 $0x2800, v62;
	v1 =	vshll.u32 v60, $0x8;
	[tilespmem:v56+s22+$0x0] =	vst.idx.msk $0xffff, v55  }
0x1ed: {  	s30 =	smov.u32 s8;
	v55 =	vld.idx.msk [tilespmem:v61+s13+$0x0], $0xffff;
	v1 =	vand.u32 $0x3800, v1;
	[tilespmem:v3+s22+$0x0] =	vst.idx.msk $0xffff, v7;
	v3 =	vshll.u32 v5, $0x8;
	v32 =	vor.u32 v25, v49  }
0x1ee: {  	v59 =	vld.idx.msk [tilespmem:v53+s13+$0x0], $0xffff;
	v61 =	vor.u32 s30, v14;
	v3 =	vand.u32 $0x3800, v3;
	v25 =	vmovc v50;
	v1 =	vor.u32 v1, v32  }
0x1ef: {  	s31 =	sadd.s32 $0x2, s31;
	v60 =	vor.u32 v54, v32;
	v62 =	vor.u32 v61, v25;
	v54 =	vor.u32 v3, v36;
	v3 =	vld [tilespmem:$0x1FFD0]  }
0x1f0: {  	p0 =	slt.u32 s31, $0x3E;
	v42 =	vor.u32 v42, v27;
	v44 =	vor.u32 v44, v29;
	v56 =	vor.u32 s2, v22  }
.Ltmp1:
0x1f1: {  	v38 =	vor.u32 v37, v31;
	v7 =	vor.u32 s2, v23;
	v50 =	vshll.u32 v56, $0x8;
	(pc) =	sbr.rel @p0 .LBB2_5-.Ltmp1, $4  }
0x1f2: {  	[tilespmem:v33+s22+$0x0] =	vst.idx.msk $0xffff, v57;
	v53 =	vld.idx.msk [tilespmem:v58+s13+$0x0], $0xffff;
	v58 =	vshll.u32 v7, $0x8;
	v37 =	vor.u32 v56, v25;
	v5 =	vand.u32 $0x2800, v50  }
0x1f3: {  	v56 =	vand.u32 $0x2800, v58;
	v33 =	vor.u32 v5, v32;
	[tilespmem:v1+s22+$0x0] =	vst.idx.msk $0xffff, v55;
	v1 =	vshll.u32 v61, $0x8;
	v55 =	vld.idx.msk [tilespmem:v34+s13+$0x0], $0xffff  }
0x1f4: {  	v58 =	vor.u32 s30, v15;
	[tilespmem:v60+s22+$0x0] =	vst.idx.msk $0xffff, v59;
	v36 =	vor.u32 v3, v49;
	v57 =	vld.idx.msk [tilespmem:v62+s13+$0x0], $0xffff;
	v1 =	vand.u32 $0x3800, v1  }
0x1f5: {  	s0 =	sadd.s32 $0x8, s0;
	s3 =	sadd.s32 $0x20, s3;
	v34 =	vor.u32 v7, v25;
	v49 =	vld.idx.msk [tilespmem:v51+s13+$0x0], $0xffff;
	v51 =	vor.u32 v52, v36;
	v52 =	vor.u32 v1, v36  }
0x1f6: {  	v1 =	vor.u32 v58, v25;
	_ =	sdelay $0x2  }
0x1f7: {  	v3 =	vshll.u32 v58, $0x8  }
0x1f8: {  	v3 =	vand.u32 $0x3800, v3;
	[tilespmem:v52+s22+$0x0] =	vst.idx.msk $0xffff, v57  }
0x1f9: {  	v5 =	vor.u32 s30, v17;
	v3 =	vor.u32 v3, v26;
	[tilespmem:v51+s22+$0x0] =	vst.idx.msk $0xffff, v49;
	v1 =	vld.idx.msk [tilespmem:v1+s13+$0x0], $0xffff  }
0x1fa: {  	v26 =	vor.u32 v5, v25;
	v7 =	vld.idx.msk [tilespmem:v48+s13+$0x0], $0xffff;
	_ =	sdelay $0x2  }
0x1fb: {  	v5 =	vshll.u32 v5, $0x8  }
0x1fc: {  	[tilespmem:v3+s22+$0x0] =	vst.idx.msk $0xffff, v1;
	v1 =	vand.u32 $0x3800, v5  }
0x1fd: {  	[tilespmem:v45+s22+$0x0] =	vst.idx.msk $0xffff, v7;
	v5 =	vor.u32 s30, v18;
	v3 =	vld.idx.msk [tilespmem:v26+s13+$0x0], $0xffff;
	v1 =	vor.u32 v1, v27  }
0x1fe: {  	v7 =	vld.idx.msk [tilespmem:v46+s13+$0x0], $0xffff;
	v26 =	vor.u32 v5, v25;
	_ =	sdelay $0x2  }
0x1ff: {  	v5 =	vshll.u32 v5, $0x8  }
0x200: {  	[tilespmem:v1+s22+$0x0] =	vst.idx.msk $0xffff, v3;
	v1 =	vand.u32 $0x3800, v5  }
0x201: {  	[tilespmem:v42+s22+$0x0] =	vst.idx.msk $0xffff, v7;
	v5 =	vor.u32 s30, v19;
	v3 =	vld.idx.msk [tilespmem:v26+s13+$0x0], $0xffff;
	v1 =	vor.u32 v1, v28  }
0x202: {  	v7 =	vld.idx.msk [tilespmem:v47+s13+$0x0], $0xffff;
	v26 =	vor.u32 v5, v25;
	_ =	sdelay $0x2  }
0x203: {  	v5 =	vshll.u32 v5, $0x8  }
0x204: {  	[tilespmem:v1+s22+$0x0] =	vst.idx.msk $0xffff, v3;
	v1 =	vand.u32 $0x3800, v5  }
0x205: {  	[tilespmem:v43+s22+$0x0] =	vst.idx.msk $0xffff, v7;
	v5 =	vor.u32 s30, v20;
	v3 =	vld.idx.msk [tilespmem:v26+s13+$0x0], $0xffff;
	v1 =	vor.u32 v1, v29  }
0x206: {  	v7 =	vld.idx.msk [tilespmem:v40+s13+$0x0], $0xffff;
	v26 =	vor.u32 v5, v25;
	_ =	sdelay $0x2  }
0x207: {  	v5 =	vshll.u32 v5, $0x8  }
0x208: {  	[tilespmem:v1+s22+$0x0] =	vst.idx.msk $0xffff, v3;
	v1 =	vand.u32 $0x3800, v5  }
0x209: {  	[tilespmem:v44+s22+$0x0] =	vst.idx.msk $0xffff, v7;
	v5 =	vor.u32 s30, v21;
	v3 =	vld.idx.msk [tilespmem:v26+s13+$0x0], $0xffff;
	v1 =	vor.u32 v1, v30  }
0x20a: {  	v7 =	vld.idx.msk [tilespmem:v41+s13+$0x0], $0xffff;
	v26 =	vor.u32 v5, v25;
	_ =	sdelay $0x2  }
0x20b: {  	v5 =	vshll.u32 v5, $0x8  }
0x20c: {  	[tilespmem:v1+s22+$0x0] =	vst.idx.msk $0xffff, v3;
	v1 =	vand.u32 $0x3800, v5  }
0x20d: {  	[tilespmem:v39+s22+$0x0] =	vst.idx.msk $0xffff, v7;
	v5 =	vor.u32 s30, v22;
	v3 =	vld.idx.msk [tilespmem:v26+s13+$0x0], $0xffff;
	v1 =	vor.u32 v1, v31  }
0x20e: {  	v7 =	vld.idx.msk [tilespmem:v35+s13+$0x0], $0xffff;
	v26 =	vor.u32 v5, v25;
	_ =	sdelay $0x2  }
0x20f: {  	v5 =	vshll.u32 v5, $0x8  }
0x210: {  	[tilespmem:v1+s22+$0x0] =	vst.idx.msk $0xffff, v3;
	v1 =	vand.u32 $0x3800, v5  }
0x211: {  	[tilespmem:v38+s22+$0x0] =	vst.idx.msk $0xffff, v7;
	v5 =	vor.u32 s30, v23;
	v3 =	vld.idx.msk [tilespmem:v26+s13+$0x0], $0xffff;
	v1 =	vor.u32 v1, v32  }
0x212: {  	v7 =	vld.idx.msk [tilespmem:v37+s13+$0x0], $0xffff;
	v25 =	vor.u32 v5, v25;
	_ =	sdelay $0x2  }
0x213: {  	v5 =	vshll.u32 v5, $0x8  }
0x214: {  	[tilespmem:v1+s22+$0x0] =	vst.idx.msk $0xffff, v3;
	v1 =	vand.u32 $0x3800, v5  }
0x215: {  	[tilespmem:v33+s22+$0x0] =	vst.idx.msk $0xffff, v7;
	v3 =	vld.idx.msk [tilespmem:v25+s13+$0x0], $0xffff;
	v1 =	vor.u32 v1, v36  }
0x216: {  	v5 =	vor.u32 v56, v36;
	v7 =	vld.idx.msk [tilespmem:v34+s13+$0x0], $0xffff;
	_ =	sdelay $0x1  }
0x217: {  	s0 =	sshll.u32 s26, $0x15;
	[tilespmem:v54+s22+$0x0] =	vst.idx.msk $0xffff, v53  }
0x218: {  	s0 =	sor.u32 s7, s0;
	[tilespmem:v24+s22+$0x0] =	vst.idx.msk $0xffff, v55  }
0x219: {  	s3 =	simm.s32 $0x0;
	s0 =	sshrl.u32 s0, $0x3;
	[tilespmem:v1+s22+$0x0] =	vst.idx.msk $0xffff, v3  }
0x21a: {  	p0 =	seq.s32 s26, $0x63;
	s31 =	sand.u32 $0x20, s3;
	s0 =	sadd.s32 s1, s0;
	[tilespmem:v5+s22+$0x0] =	vst.idx.msk $0xffff, v7  }
0x21b: {  	[hbm4b:s0+s17] =	stream.strided.scatter [tilespmem:s22], [sflag:$0x4], $0x4000, s18, s17, $0x38;
	[tilespmem:$0x18400] =	vst v63  }
0x21c: {  	s3 =	sand.u32 $0xF0, s3;
	s11 =	simm.s32 @!p0 $0x400;
	s0 =	sadd.s32 @!p0 $0x2, s29  }
0x21d: {  	_ =	swait.ge [sflag:s23], $0x4000;
	s2 =	sshll.u32 @!p0 s0, $0x4;
	s0 =	sshll.u32 @!p0 s0, $0xB  }
0x21e: {  	[sflag:s23] =	ssyncset.done $0x0;
	s2 =	sand.u32 @!p0 $0x60, s2;
	s8 =	sand.u32 @!p0 $0xFC000, s0  }
0x21f: {  	s30 =	sor.u32 $0x10, s31;
	v1 =	vor.u32 s3, v0;
	[sflag:s23] =	ssyncadd.s32 $0xFFFFC000;
	s2 =	sor.u32 @!p0 s2, s8  }
0x220: {  	v3 =	vor.u32 s30, v0;
	v32 =	vshll.u32 v1, $0x7;
	[tilespmem:s13], [sflag:$0x2] =	stream.indirect.gather [hbm4b:s4+s12], $0x80, s24, s12, $0xb8;
	[tilespmem:$0x18400] =	vst v63  }
0x221: {  	v5 =	vmov s3;
	s3 =	simm.s32 @!p0 $0x0;
	v7 =	vor.u32 s31, v0;
	v25 =	vor.u32 v3, v32;
	s8 =	simm.s32 @!p0 $0x80;
	s2 =	sadd.s32 @!p0 s2, s5  }
0x222: {  	v5 =	vshll.u32 v5, $0x3;
	v27 =	vor.u32 v7, v32;
	[tilespmem:s3], [sflag:$0x5] =	stream.strided.gather @!p0 [hbm4b:s2+s8], $0x200, s11, s8, $0x38;
	[tilespmem:$0x18400] =	vst v63  }
0x223: {  	v1 =	vand.u32 $0x7F, v1;
	v5 =	vand.u32 $0x400, v5;
	_ =	swait.ge [sflag:s15], $0x8000  }
0x224: {  	v24 =	vor.u32 v5, v1;
	v1 =	vshll.u32 v3, $0x8;
	[sflag:s15] =	ssyncset.done $0x0  }
0x225: {  	v3 =	vshll.u32 v7, $0x8;
	v26 =	vor.u32 v63, v24;
	v1 =	vand.u32 $0x3800, v1;
	[sflag:s15] =	ssyncadd.s32 $0xFFFF8000  }
0x226: {  	v7 =	vor.u32 s30, v2;
	v3 =	vand.u32 $0x2800, v3;
	v1 =	vor.u32 v1, v26;
	v5 =	vld.idx.msk [tilespmem:v25+s10+$0x0], $0xffff  }
0x227: {  	v29 =	vor.u32 v7, v32;
	v3 =	vor.u32 v3, v26;
	v25 =	vor.u32 s31, v2;
	v28 =	vld.idx.msk [tilespmem:v27+s10+$0x0], $0xffff  }
0x228: {  	v30 =	vor.u32 v25, v32;
	_ =	sdelay $0x1  }
0x229: {  	v7 =	vshll.u32 v7, $0x8  }
0x22a: {  	v27 =	vor.u32 v9, v24;
	v25 =	vshll.u32 v25, $0x8;
	[tilespmem:v1+s16+$0x0] =	vst.idx.msk $0xffff, v5;
	v1 =	vand.u32 $0x3800, v7  }
0x22b: {  	v5 =	vand.u32 $0x2800, v25;
	[tilespmem:v3+s16+$0x0] =	vst.idx.msk $0xffff, v28;
	v7 =	vor.u32 s30, v4;
	v3 =	vld.idx.msk [tilespmem:v29+s10+$0x0], $0xffff;
	v1 =	vor.u32 v1, v27  }
0x22c: {  	v25 =	vor.u32 s31, v4;
	v29 =	vld.idx.msk [tilespmem:v30+s10+$0x0], $0xffff;
	v5 =	vor.u32 v5, v27;
	v30 =	vor.u32 v7, v32  }
0x22d: {  	v28 =	vor.u32 s31, v6;
	v31 =	vor.u32 v25, v32  }
0x22e: {  	v25 =	vshll.u32 v25, $0x8;
	v40 =	vshll.u32 v28, $0x8;
	v41 =	vor.u32 v28, v32  }
0x22f: {  	v7 =	vshll.u32 v7, $0x8;
	v28 =	vor.u32 v11, v24;
	v25 =	vand.u32 $0x2800, v25  }
0x230: {  	v25 =	vor.u32 v25, v28;
	[tilespmem:v1+s16+$0x0] =	vst.idx.msk $0xffff, v3;
	v1 =	vand.u32 $0x3800, v7  }
0x231: {  	v42 =	vor.u32 s31, v8;
	[tilespmem:v5+s16+$0x0] =	vst.idx.msk $0xffff, v29;
	v7 =	vor.u32 s30, v6;
	v5 =	vld.idx.msk [tilespmem:v30+s10+$0x0], $0xffff;
	v1 =	vor.u32 v1, v28  }
0x232: {  	v3 =	vor.u32 s31, v10;
	v29 =	vshll.u32 v42, $0x8;
	v30 =	vld.idx.msk [tilespmem:v31+s10+$0x0], $0xffff;
	v31 =	vor.u32 v7, v32  }
0x233: {  	v43 =	vand.u32 $0x2800, v29;
	v29 =	vshll.u32 v3, $0x8  }
0x234: {  	v54 =	vand.u32 $0x2800, v29;
	v29 =	vor.u32 s31, v12  }
0x235: {  	v7 =	vshll.u32 v7, $0x8;
	v38 =	vor.u32 v29, v32;
	v29 =	vshll.u32 v29, $0x8  }
0x236: {  	v49 =	vand.u32 $0x2800, v29;
	v29 =	vor.u32 v13, v24;
	[tilespmem:v1+s16+$0x0] =	vst.idx.msk $0xffff, v5;
	v1 =	vand.u32 $0x3800, v7  }
0x237: {  	[tilespmem:v25+s16+$0x0] =	vst.idx.msk $0xffff, v30;
	v25 =	vor.u32 s30, v8;
	v7 =	vld.idx.msk [tilespmem:v31+s10+$0x0], $0xffff;
	v1 =	vor.u32 v1, v29  }
0x238: {  	v55 =	vor.u32 v25, v32  }
0x239: {  	v33 =	vand.u32 $0x2800, v40;
	v30 =	vor.u32 s31, v15  }
0x23a: {  	v33 =	vor.u32 v33, v29;
	v56 =	vshll.u32 v30, $0x8  }
0x23b: {  	v31 =	vld.idx.msk [tilespmem:v41+s10+$0x0], $0xffff;
	v51 =	vor.u32 v30, v32;
	v25 =	vshll.u32 v25, $0x8;
	v30 =	vand.u32 $0x2800, v56  }
0x23c: {  	v48 =	vor.u32 v30, v26;
	v30 =	vor.u32 v16, v24;
	[tilespmem:v1+s16+$0x0] =	vst.idx.msk $0xffff, v7;
	v1 =	vand.u32 $0x3800, v25  }
0x23d: {  	v35 =	vor.u32 v42, v32;
	v25 =	vld.idx.msk [tilespmem:v55+s10+$0x0], $0xffff;
	v1 =	vor.u32 v1, v30;
	_ =	sdelay $0x2  }
0x23e: {  	v57 =	vor.u32 s31, v17  }
0x23f: {  	v39 =	vshll.u32 v57, $0x8;
	[tilespmem:v33+s16+$0x0] =	vst.idx.msk $0xffff, v31  }
0x240: {  	v59 =	vor.u32 s30, v10;
	v52 =	vor.u32 s30, v12;
	v47 =	vor.u32 v57, v32;
	v33 =	vld.idx.msk [tilespmem:v35+s10+$0x0], $0xffff;
	[tilespmem:v1+s16+$0x0] =	vst.idx.msk $0xffff, v25  }
0x241: {  	v60 =	vor.u32 v59, v32;
	v57 =	vor.u32 s31, v22;
	v58 =	vor.u32 v43, v30;
	v25 =	vld [tilespmem:$0x1FFB0]  }
0x242: {  	v3 =	vor.u32 v3, v32;
	v7 =	vand.u32 $0x2800, v39;
	v31 =	vor.u32 s31, v18  }
0x243: {  	v5 =	vor.u32 s31, v14;
	v46 =	vor.u32 v7, v27;
	v7 =	vshll.u32 v31, $0x8  }
0x244: {  	v45 =	vor.u32 v31, v32;
	v31 =	vor.u32 s31, v19;
	v7 =	vand.u32 $0x2800, v7  }
0x245: {  	v43 =	vor.u32 v31, v32;
	v44 =	vor.u32 v7, v28;
	v1 =	vshll.u32 v59, $0x8  }
0x246: {  	v7 =	vshll.u32 v31, $0x8;
	[tilespmem:v58+s16+$0x0] =	vst.idx.msk $0xffff, v33;
	v1 =	vand.u32 $0x3800, v1;
	v62 =	vld.idx.msk [tilespmem:v60+s10+$0x0], $0xffff;
	v31 =	vor.u32 v25, v24  }
0x247: {  	v50 =	vor.u32 v5, v32;
	v7 =	vand.u32 $0x2800, v7;
	v55 =	vld [tilespmem:$0x1FFC0];
	v1 =	vor.u32 v1, v31  }
0x248: {  	v41 =	vor.u32 v7, v29;
	v7 =	vor.u32 v52, v32;
	v3 =	vld.idx.msk [tilespmem:v3+s10+$0x0], $0xffff;
	v61 =	vor.u32 v54, v31  }
0x249: {  	v5 =	vshll.u32 v5, $0x8;
	v35 =	vshll.u32 v52, $0x8;
	v25 =	vor.u32 s31, v20  }
0x24a: {  	v5 =	vand.u32 $0x2800, v5;
	v35 =	vand.u32 $0x3800, v35;
	v53 =	vshll.u32 v25, $0x8  }
0x24b: {  	v54 =	vor.u32 s31, v21;
	v42 =	vor.u32 v25, v32;
	v25 =	vand.u32 $0x2800, v53  }
0x24c: {  	v37 =	vor.u32 v55, v24;
	v40 =	vor.u32 v25, v30;
	v25 =	vshll.u32 v54, $0x8;
	[tilespmem:v1+s16+$0x0] =	vst.idx.msk $0xffff, v62  }
0x24d: {  	v60 =	vor.u32 s31, v23;
	v39 =	vor.u32 v54, v32;
	v25 =	vand.u32 $0x2800, v25;
	[tilespmem:v61+s16+$0x0] =	vst.idx.msk $0xffff, v3;
	v3 =	vld.idx.msk [tilespmem:v7+s10+$0x0], $0xffff  }
0x24e: {  	s31 =	simm.s32 $0x20;
	v56 =	vor.u32 v35, v37;
	v35 =	vor.u32 v25, v31;
	v7 =	vor.u32 s30, v14;
	v36 =	vld [tilespmem:$0x1FFD0]  }
0x24f: {  	s11 =	simm.s32 $0x8;
	s0 =	sand.u32 $0x20, s31;
	v25 =	vshll.u32 v57, $0x8;
	v1 =	vor.u32 v49, v37;
	v58 =	vld.idx.msk [tilespmem:v38+s10+$0x0], $0xffff;
	v59 =	vor.u32 v7, v32  }
0x250: {  	s2 =	sand.u32 $0xF0, s11;
	v54 =	vor.u32 s0, v2;
	v25 =	vand.u32 $0x2800, v25;
	v61 =	vor.u32 v60, v32  }
0x251: {  	v49 =	vor.u32 s2, v0;
	v62 =	vor.u32 s0, v0;
	v25 =	vor.u32 v25, v37;
	[tilespmem:$0x1FF30] =	vst v61  }
0x252: {  	v38 =	vor.u32 v57, v32;
	v33 =	vshll.u32 v62, $0x8;
	[tilespmem:$0x1FF20] =	vst v25;
	v7 =	vshll.u32 v7, $0x8  }
0x253: {  	s29 =	sor.u32 $0x10, s0;
	v61 =	vmov s2;
	v7 =	vand.u32 $0x3800, v7;
	v34 =	vor.u32 v36, v24;
	[tilespmem:v56+s16+$0x0] =	vst.idx.msk $0xffff, v3  }
0x254: {  	v25 =	vshll.u32 v60, $0x8;
	v60 =	vor.u32 s29, v0;
	[tilespmem:v1+s16+$0x0] =	vst.idx.msk $0xffff, v58;
	v3 =	vor.u32 v7, v34;
	v1 =	vld.idx.msk [tilespmem:v59+s10+$0x0], $0xffff  }
0x255: {  	v55 =	vand.u32 $0x2800, v33;
	v5 =	vor.u32 v5, v34;
	v7 =	vor.u32 s30, v15;
	v50 =	vld.idx.msk [tilespmem:v50+s10+$0x0], $0xffff  }
0x256: {  	v33 =	vor.u32 s0, v4;
	v24 =	vand.u32 $0x2800, v25;
	v52 =	vor.u32 v7, v32  }
0x257: {  	v25 =	vshll.u32 v49, $0x7;
	v58 =	vshll.u32 v61, $0x3;
	v56 =	vshll.u32 v33, $0x8  }
0x258: {  	v53 =	vor.u32 v62, v25;
	v57 =	vor.u32 v60, v25;
	v7 =	vshll.u32 v7, $0x8  }
0x259: {  	v59 =	vor.u32 v54, v25;
	v62 =	vand.u32 $0x400, v58;
	v7 =	vand.u32 $0x3800, v7;
	[tilespmem:v3+s16+$0x0] =	vst.idx.msk $0xffff, v1  }
0x25a: {  	v1 =	vor.u32 s30, v17;
	v3 =	vand.u32 $0x7F, v49;
	[tilespmem:v5+s16+$0x0] =	vst.idx.msk $0xffff, v50;
	v5 =	vor.u32 v7, v26  }
0x25b: {  	v49 =	vor.u32 v62, v3;
	v3 =	vshll.u32 v60, $0x8;
	v7 =	vld.idx.msk [tilespmem:v52+s10+$0x0], $0xffff;
	v50 =	vor.u32 v1, v32  }
0x25c: {  	v51 =	vld.idx.msk [tilespmem:v51+s10+$0x0], $0xffff;
	v26 =	vor.u32 v63, v49;
	v3 =	vand.u32 $0x3800, v3;
	v63 =	vshll.u32 v54, $0x8  }
0x25d: {  	v57 =	vld.idx.msk [tilespmem:v57+s10+$0x0], $0xffff;
	v54 =	vor.u32 v55, v26;
	v3 =	vor.u32 v3, v26;
	v55 =	vor.u32 s29, v2  }
0x25e: {  	v61 =	vor.u32 s0, v6;
	v53 =	vld.idx.msk [tilespmem:v53+s10+$0x0], $0xffff;
	v1 =	vshll.u32 v1, $0x8;
	v58 =	vor.u32 v55, v25  }
0x25f: {  	v62 =	vor.u32 s0, v8;
	v1 =	vand.u32 $0x3800, v1;
	v52 =	vand.u32 $0x2800, v63  }
0x260: {  	v1 =	vor.u32 v1, v27;
	v27 =	vor.u32 v9, v49;
	v55 =	vshll.u32 v55, $0x8;
	[tilespmem:v5+s16+$0x0] =	vst.idx.msk $0xffff, v7  }
0x261: {  	v55 =	vand.u32 $0x3800, v55;
	v5 =	vand.u32 $0x2800, v56;
	[tilespmem:v48+s16+$0x0] =	vst.idx.msk $0xffff, v51;
	v48 =	vor.u32 s30, v18;
	v50 =	vld.idx.msk [tilespmem:v50+s10+$0x0], $0xffff  }
0x262: {  	v7 =	vor.u32 v61, v25;
	v56 =	vor.u32 v48, v32;
	v47 =	vld.idx.msk [tilespmem:v47+s10+$0x0], $0xffff;
	[tilespmem:v3+s16+$0x0] =	vst.idx.msk $0xffff, v57  }
0x263: {  	v63 =	vshll.u32 v61, $0x8;
	v55 =	vor.u32 v55, v27;
	v61 =	vor.u32 s29, v4;
	[tilespmem:v54+s16+$0x0] =	vst.idx.msk $0xffff, v53;
	v53 =	vld.idx.msk [tilespmem:v58+s10+$0x0], $0xffff  }
0x264: {  	v52 =	vor.u32 v52, v27;
	v48 =	vshll.u32 v48, $0x8;
	v3 =	vor.u32 v61, v25;
	v58 =	vld.idx.msk [tilespmem:v59+s10+$0x0], $0xffff  }
0x265: {  	v60 =	vor.u32 v33, v25;
	v33 =	vshll.u32 v62, $0x8;
	v48 =	vand.u32 $0x3800, v48  }
0x266: {  	v51 =	vand.u32 $0x2800, v63;
	v54 =	vor.u32 v62, v25;
	v48 =	vor.u32 v48, v28;
	[tilespmem:v1+s16+$0x0] =	vst.idx.msk $0xffff, v50  }
0x267: {  	v28 =	vor.u32 v11, v49;
	[tilespmem:v46+s16+$0x0] =	vst.idx.msk $0xffff, v47;
	v46 =	vor.u32 s30, v19;
	v50 =	vshll.u32 v61, $0x8;
	v56 =	vld.idx.msk [tilespmem:v56+s10+$0x0], $0xffff  }
0x268: {  	v63 =	vor.u32 s0, v10;
	v61 =	vor.u32 v46, v32;
	v47 =	vand.u32 $0x3800, v50;
	v45 =	vld.idx.msk [tilespmem:v45+s10+$0x0], $0xffff;
	[tilespmem:v55+s16+$0x0] =	vst.idx.msk $0xffff, v53  }
0x269: {  	v57 =	vand.u32 $0x2800, v33;
	v62 =	vor.u32 s29, v6;
	v47 =	vor.u32 v47, v28;
	[tilespmem:v52+s16+$0x0] =	vst.idx.msk $0xffff, v58;
	v3 =	vld.idx.msk [tilespmem:v3+s10+$0x0], $0xffff  }
0x26a: {  	v5 =	vor.u32 v5, v28;
	v46 =	vshll.u32 v46, $0x8;
	v53 =	vor.u32 v62, v25;
	v58 =	vld.idx.msk [tilespmem:v60+s10+$0x0], $0xffff  }
0x26b: {  	v33 =	vor.u32 v63, v25;
	v63 =	vshll.u32 v63, $0x8;
	v46 =	vand.u32 $0x3800, v46  }
0x26c: {  	v59 =	vand.u32 $0x2800, v63;
	v46 =	vor.u32 v46, v29;
	[tilespmem:v48+s16+$0x0] =	vst.idx.msk $0xffff, v56  }
0x26d: {  	v29 =	vor.u32 v13, v49;
	v56 =	vor.u32 s30, v20;
	[tilespmem:v44+s16+$0x0] =	vst.idx.msk $0xffff, v45;
	v48 =	vshll.u32 v62, $0x8;
	v44 =	vld.idx.msk [tilespmem:v61+s10+$0x0], $0xffff  }
0x26e: {  	v1 =	vor.u32 s29, v8;
	v60 =	vor.u32 v56, v32;
	v43 =	vld.idx.msk [tilespmem:v43+s10+$0x0], $0xffff;
	v48 =	vand.u32 $0x3800, v48;
	[tilespmem:v47+s16+$0x0] =	vst.idx.msk $0xffff, v3  }
0x26f: {  	v50 =	vor.u32 s0, v12;
	v45 =	vor.u32 s0, v15;
	v62 =	vor.u32 v48, v29;
	[tilespmem:v5+s16+$0x0] =	vst.idx.msk $0xffff, v58;
	v5 =	vld.idx.msk [tilespmem:v53+s10+$0x0], $0xffff  }
0x270: {  	v51 =	vor.u32 v51, v29;
	v61 =	vshll.u32 v45, $0x8;
	v47 =	vor.u32 v1, v25;
	v7 =	vld.idx.msk [tilespmem:v7+s10+$0x0], $0xffff  }
0x271: {  	v63 =	vor.u32 v50, v25;
	v3 =	vand.u32 $0x2800, v61;
	v61 =	vshll.u32 v56, $0x8  }
0x272: {  	v48 =	vor.u32 v45, v25;
	v1 =	vshll.u32 v1, $0x8;
	v53 =	vand.u32 $0x3800, v61;
	[tilespmem:v46+s16+$0x0] =	vst.idx.msk $0xffff, v44  }
0x273: {  	v45 =	vor.u32 v3, v26;
	[tilespmem:v41+s16+$0x0] =	vst.idx.msk $0xffff, v43;
	v43 =	vor.u32 v53, v30;
	v41 =	vld.idx.msk [tilespmem:v60+s10+$0x0], $0xffff  }
0x274: {  	v50 =	vshll.u32 v50, $0x8;
	v1 =	vand.u32 $0x3800, v1;
	v30 =	vor.u32 v16, v49;
	v44 =	vld.idx.msk [tilespmem:v42+s10+$0x0], $0xffff;
	[tilespmem:v62+s16+$0x0] =	vst.idx.msk $0xffff, v5  }
0x275: {  	v55 =	vor.u32 s0, v14;
	v3 =	vor.u32 s0, v17;
	v1 =	vor.u32 v1, v30;
	[tilespmem:v51+s16+$0x0] =	vst.idx.msk $0xffff, v7;
	v7 =	vld.idx.msk [tilespmem:v47+s10+$0x0], $0xffff  }
0x276: {  	v52 =	vand.u32 $0x2800, v50;
	v46 =	vor.u32 v3, v25;
	v3 =	vshll.u32 v3, $0x8  }
0x277: {  	v50 =	vor.u32 v55, v25;
	v3 =	vand.u32 $0x2800, v3;
	v60 =	vor.u32 s30, v21  }
0x278: {  	v55 =	vshll.u32 v55, $0x8;
	v42 =	vor.u32 v3, v27;
	v3 =	vor.u32 v60, v32;
	[tilespmem:v43+s16+$0x0] =	vst.idx.msk $0xffff, v41  }
0x279: {  	v58 =	vand.u32 $0x2800, v55;
	v5 =	vor.u32 s0, v18;
	[tilespmem:v40+s16+$0x0] =	vst.idx.msk $0xffff, v44  }
0x27a: {  	v61 =	vor.u32 s29, v10;
	v47 =	vor.u32 v5, v25;
	v5 =	vshll.u32 v5, $0x8;
	[tilespmem:v1+s16+$0x0] =	vst.idx.msk $0xffff, v7  }
0x27b: {  	v55 =	vor.u32 v57, v30;
	v53 =	vshll.u32 v60, $0x8;
	v5 =	vand.u32 $0x2800, v5;
	v7 =	vld [tilespmem:$0x1FFB0]  }
0x27c: {  	v54 =	vld.idx.msk [tilespmem:v54+s10+$0x0], $0xffff;
	v41 =	vor.u32 v61, v25;
	v43 =	vor.u32 v5, v28;
	v5 =	vand.u32 $0x3800, v53  }
0x27d: {  	v3 =	vld.idx.msk [tilespmem:v3+s10+$0x0], $0xffff;
	v5 =	vor.u32 v5, v31  }
0x27e: {  	v60 =	vor.u32 s30, v22  }
0x27f: {  	v62 =	vor.u32 s0, v19;
	v51 =	vshll.u32 v61, $0x8;
	v39 =	vld.idx.msk [tilespmem:v39+s10+$0x0], $0xffff;
	v1 =	vor.u32 v60, v32  }
0x280: {  	v57 =	vshll.u32 v62, $0x8;
	v31 =	vor.u32 v7, v49;
	v7 =	vand.u32 $0x3800, v51  }
0x281: {  	v44 =	vand.u32 $0x2800, v57;
	v61 =	vor.u32 s0, v20;
	[tilespmem:v55+s16+$0x0] =	vst.idx.msk $0xffff, v54;
	v55 =	vld.idx.msk [tilespmem:v41+s10+$0x0], $0xffff;
	v7 =	vor.u32 v7, v31  }
0x282: {  	v57 =	vshll.u32 v61, $0x8;
	[tilespmem:v5+s16+$0x0] =	vst.idx.msk $0xffff, v3;
	v3 =	vld.idx.msk [tilespmem:v33+s10+$0x0], $0xffff;
	v54 =	vor.u32 v59, v31;
	v59 =	vshll.u32 v60, $0x8  }
0x283: {  	v33 =	vand.u32 $0x2800, v57;
	v51 =	vand.u32 $0x3800, v59  }
0x284: {  	[tilespmem:v35+s16+$0x0] =	vst.idx.msk $0xffff, v39;
	v1 =	vld.idx.msk [tilespmem:v1+s10+$0x0], $0xffff;
	v39 =	vor.u32 v33, v30;
	v33 =	vor.u32 v51, v37;
	_ =	sdelay $0x1  }
0x285: {  	[tilespmem:v7+s16+$0x0] =	vst.idx.msk $0xffff, v55  }
0x286: {  	v59 =	vld [tilespmem:$0x1FFC0];
	[tilespmem:v54+s16+$0x0] =	vst.idx.msk $0xffff, v3  }
0x287: {  	v40 =	vor.u32 v62, v25;
	v62 =	vor.u32 s29, v12;
	v57 =	vld.idx.msk [tilespmem:v63+s10+$0x0], $0xffff  }
0x288: {  	v5 =	vor.u32 v62, v25;
	v63 =	vld [tilespmem:$0x1FFA0];
	[tilespmem:v33+s16+$0x0] =	vst.idx.msk $0xffff, v1  }
0x289: {  	v33 =	vld [tilespmem:$0x1FF20]  }
0x28a: {  	v41 =	vor.u32 v61, v25;
	v62 =	vshll.u32 v62, $0x8;
	v60 =	vor.u32 s0, v21  }
0x28b: {  	v35 =	vor.u32 v60, v25;
	v61 =	vshll.u32 v60, $0x8;
	v37 =	vor.u32 s30, v23  }
0x28c: {  	v56 =	vld.idx.msk [tilespmem:v38+s10+$0x0], $0xffff;
	v60 =	vand.u32 $0x3800, v62;
	v7 =	vor.u32 v37, v32;
	v32 =	vor.u32 v59, v49  }
0x28d: {  	v5 =	vld.idx.msk [tilespmem:v5+s10+$0x0], $0xffff;
	v51 =	vor.u32 v60, v32;
	_ =	sdelay $0x3  }
0x28e: {  	[tilespmem:v33+s16+$0x0] =	vst.idx.msk $0xffff, v56  }
0x28f: {  	[tilespmem:v51+s16+$0x0] =	vst.idx.msk $0xffff, v5  }
0x290: {  	v5 =	vld [tilespmem:$0x1FF30]  }
0x291: {  	v55 =	vor.u32 s29, v14  }
0x292: {  	v3 =	vand.u32 $0x2800, v61;
	v62 =	vor.u32 v55, v25;
	v52 =	vor.u32 v52, v32  }
0x293: {  	v24 =	vor.u32 v24, v34;
	v38 =	vor.u32 v3, v31;
	v3 =	vshll.u32 v37, $0x8  }
0x294: {  	v36 =	vor.u32 v36, v49;
	v61 =	vor.u32 s0, v22;
	v3 =	vand.u32 $0x3800, v3  }
0x295: {  	v1 =	vshll.u32 v61, $0x8;
	v54 =	vor.u32 v3, v34;
	v3 =	vor.u32 s0, v23  }
0x296: {  	v44 =	vor.u32 v44, v29;
	v1 =	vand.u32 $0x2800, v1;
	v53 =	vld.idx.msk [tilespmem:v7+s10+$0x0], $0xffff;
	v34 =	vor.u32 v3, v25  }
0x297: {  	v33 =	vor.u32 v1, v32;
	v1 =	vshll.u32 v3, $0x8;
	v3 =	vshll.u32 v55, $0x8;
	[tilespmem:v52+s16+$0x0] =	vst.idx.msk $0xffff, v57;
	v57 =	vld.idx.msk [tilespmem:v62+s10+$0x0], $0xffff  }
0x298: {  	v37 =	vor.u32 v61, v25;
	v56 =	vand.u32 $0x2800, v1;
	v1 =	vand.u32 $0x3800, v3;
	v55 =	vld.idx.msk [tilespmem:v5+s10+$0x0], $0xffff  }
0x299: {  	s3 =	simm.s32 $0x40;
	s30 =	simm.s32 $0x2;
	s0 =	simm.s32 $0x10;
	v51 =	vor.u32 v58, v36;
	v58 =	vor.u32 s29, v15;
	v52 =	vor.u32 v1, v36;
	v49 =	vld.idx.msk [tilespmem:v50+s10+$0x0], $0xffff  }
.LBB2_7:
0x29a: {  	s2 =	sand.u32 $0x20, s3;
	s11 =	sand.u32 $0xF0, s0;
	v1 =	vor.u32 v56, v36;
	v3 =	vor.u32 v58, v25  }
0x29b: {  	v58 =	vshll.u32 v58, $0x8;
	v5 =	vor.u32 s11, v0;
	v7 =	vor.u32 s2, v0;
	s8 =	sor.u32 $0x10, s2  }
0x29c: {  	v56 =	vor.u32 s2, v2;
	[tilespmem:v54+s16+$0x0] =	vst.idx.msk $0xffff, v53;
	v50 =	vshll.u32 v5, $0x7;
	v54 =	vor.u32 s8, v0  }
0x29d: {  	v61 =	vand.u32 $0x3800, v58;
	v59 =	vor.u32 v54, v50;
	[tilespmem:v24+s16+$0x0] =	vst.idx.msk $0xffff, v55;
	v55 =	vmov s11  }
0x29e: {  	v62 =	vshll.u32 v7, $0x8;
	v5 =	vand.u32 $0x7F, v5;
	v24 =	vmovc v1;
	[tilespmem:v52+s16+$0x0] =	vst.idx.msk $0xffff, v57;
	v1 =	vshll.u32 v55, $0x3  }
0x29f: {  	v7 =	vor.u32 v7, v50;
	v53 =	vand.u32 $0x2800, v62;
	[tilespmem:v51+s16+$0x0] =	vst.idx.msk $0xffff, v49;
	v1 =	vand.u32 $0x400, v1  }
0x2a0: {  	v52 =	vor.u32 v61, v26;
	v3 =	vld.idx.msk [tilespmem:v3+s10+$0x0], $0xffff;
	v49 =	vor.u32 v1, v5;
	v1 =	vshll.u32 v54, $0x8  }
0x2a1: {  	v51 =	vor.u32 s29, v17;
	v48 =	vld.idx.msk [tilespmem:v48+s10+$0x0], $0xffff;
	v26 =	vor.u32 v63, v49;
	v1 =	vand.u32 $0x3800, v1  }
0x2a2: {  	v60 =	vor.u32 v56, v50;
	v5 =	vor.u32 v51, v25;
	v55 =	vld.idx.msk [tilespmem:v59+s10+$0x0], $0xffff;
	v1 =	vor.u32 v1, v26  }
0x2a3: {  	v62 =	vshll.u32 v56, $0x8;
	v56 =	vor.u32 s8, v2;
	v61 =	vor.u32 s2, v4  }
0x2a4: {  	v54 =	vand.u32 $0x2800, v62;
	v62 =	vor.u32 v56, v50;
	v7 =	vld.idx.msk [tilespmem:v7+s10+$0x0], $0xffff;
	v53 =	vor.u32 v53, v26  }
0x2a5: {  	v57 =	vshll.u32 v61, $0x8;
	v59 =	vor.u32 v61, v50;
	[tilespmem:v52+s16+$0x0] =	vst.idx.msk $0xffff, v3;
	v3 =	vshll.u32 v51, $0x8  }
0x2a6: {  	v61 =	vor.u32 s2, v6;
	[tilespmem:v45+s16+$0x0] =	vst.idx.msk $0xffff, v48;
	v48 =	vor.u32 s29, v18;
	v3 =	vand.u32 $0x3800, v3  }
0x2a7: {  	v52 =	vshll.u32 v61, $0x8;
	v5 =	vld.idx.msk [tilespmem:v5+s10+$0x0], $0xffff;
	v3 =	vor.u32 v3, v27;
	[tilespmem:v1+s16+$0x0] =	vst.idx.msk $0xffff, v55;
	v1 =	vshll.u32 v56, $0x8  }
0x2a8: {  	v46 =	vld.idx.msk [tilespmem:v46+s10+$0x0], $0xffff;
	v27 =	vor.u32 v9, v49;
	v56 =	vor.u32 v48, v25;
	v1 =	vand.u32 $0x3800, v1  }
0x2a9: {  	[tilespmem:v53+s16+$0x0] =	vst.idx.msk $0xffff, v7;
	v7 =	vand.u32 $0x2800, v52;
	v52 =	vld.idx.msk [tilespmem:v62+s10+$0x0], $0xffff;
	v1 =	vor.u32 v1, v27  }
0x2aa: {  	v51 =	vand.u32 $0x2800, v57;
	v57 =	vor.u32 s8, v4  }
0x2ab: {  	v58 =	vor.u32 s2, v10;
	v53 =	vld.idx.msk [tilespmem:v60+s10+$0x0], $0xffff;
	v60 =	vor.u32 v57, v50  }
0x2ac: {  	v54 =	vor.u32 v54, v27;
	v55 =	vor.u32 s2, v8;
	[tilespmem:v3+s16+$0x0] =	vst.idx.msk $0xffff, v5;
	v3 =	vshll.u32 v48, $0x8  }
0x2ad: {  	v45 =	vor.u32 v61, v50;
	v61 =	vor.u32 v55, v50;
	[tilespmem:v42+s16+$0x0] =	vst.idx.msk $0xffff, v46;
	v3 =	vand.u32 $0x3800, v3  }
0x2ae: {  	v55 =	vshll.u32 v55, $0x8;
	v42 =	vld.idx.msk [tilespmem:v56+s10+$0x0], $0xffff;
	v3 =	vor.u32 v3, v28;
	[tilespmem:v1+s16+$0x0] =	vst.idx.msk $0xffff, v52;
	v1 =	vshll.u32 v57, $0x8  }
0x2af: {  	v47 =	vld.idx.msk [tilespmem:v47+s10+$0x0], $0xffff;
	v48 =	vor.u32 s29, v19;
	v28 =	vor.u32 v11, v49;
	v1 =	vand.u32 $0x3800, v1  }
0x2b0: {  	v62 =	vshll.u32 v58, $0x8;
	v46 =	vor.u32 v48, v25;
	v57 =	vld.idx.msk [tilespmem:v60+s10+$0x0], $0xffff;
	v1 =	vor.u32 v1, v28  }
0x2b1: {  	v5 =	vand.u32 $0x2800, v55;
	v55 =	vor.u32 v58, v50;
	[tilespmem:v54+s16+$0x0] =	vst.idx.msk $0xffff, v53;
	v60 =	vor.u32 s8, v6  }
0x2b2: {  	v56 =	vand.u32 $0x2800, v62;
	v58 =	vld.idx.msk [tilespmem:v59+s10+$0x0], $0xffff;
	v59 =	vor.u32 v51, v28;
	v62 =	vor.u32 v60, v50  }
0x2b3: {  	[tilespmem:v3+s16+$0x0] =	vst.idx.msk $0xffff, v42;
	v3 =	vshll.u32 v48, $0x8  }
0x2b4: {  	[tilespmem:v43+s16+$0x0] =	vst.idx.msk $0xffff, v47;
	v3 =	vand.u32 $0x3800, v3  }
0x2b5: {  	v42 =	vor.u32 s29, v20;
	v43 =	vld.idx.msk [tilespmem:v46+s10+$0x0], $0xffff;
	v3 =	vor.u32 v3, v29;
	[tilespmem:v1+s16+$0x0] =	vst.idx.msk $0xffff, v57;
	v1 =	vshll.u32 v60, $0x8  }
0x2b6: {  	v40 =	vld.idx.msk [tilespmem:v40+s10+$0x0], $0xffff;
	v48 =	vor.u32 s2, v15;
	v29 =	vor.u32 v13, v49;
	v1 =	vand.u32 $0x3800, v1  }
0x2b7: {  	v47 =	vor.u32 v42, v25;
	[tilespmem:v59+s16+$0x0] =	vst.idx.msk $0xffff, v58;
	v58 =	vld.idx.msk [tilespmem:v62+s10+$0x0], $0xffff;
	v1 =	vor.u32 v1, v29  }
0x2b8: {  	v57 =	vshll.u32 v48, $0x8;
	v60 =	vor.u32 s8, v8  }
0x2b9: {  	v59 =	vld.idx.msk [tilespmem:v45+s10+$0x0], $0xffff;
	v7 =	vor.u32 v7, v29;
	v62 =	vand.u32 $0x2800, v57;
	v57 =	vor.u32 v60, v50  }
0x2ba: {  	[tilespmem:v3+s16+$0x0] =	vst.idx.msk $0xffff, v43;
	v3 =	vshll.u32 v42, $0x8  }
0x2bb: {  	[tilespmem:v44+s16+$0x0] =	vst.idx.msk $0xffff, v40;
	v3 =	vand.u32 $0x3800, v3  }
0x2bc: {  	v43 =	vor.u32 s29, v21;
	v40 =	vld.idx.msk [tilespmem:v47+s10+$0x0], $0xffff;
	v3 =	vor.u32 v3, v30;
	[tilespmem:v1+s16+$0x0] =	vst.idx.msk $0xffff, v58;
	v1 =	vshll.u32 v60, $0x8  }
0x2bd: {  	v41 =	vld.idx.msk [tilespmem:v41+s10+$0x0], $0xffff;
	v44 =	vor.u32 v43, v25;
	v30 =	vor.u32 v16, v49;
	v1 =	vand.u32 $0x3800, v1  }
0x2be: {  	[tilespmem:v7+s16+$0x0] =	vst.idx.msk $0xffff, v59;
	v57 =	vld.idx.msk [tilespmem:v57+s10+$0x0], $0xffff;
	v1 =	vor.u32 v1, v30  }
0x2bf: {  	v7 =	vor.u32 s2, v18;
	v58 =	vld.idx.msk [tilespmem:v61+s10+$0x0], $0xffff;
	v5 =	vor.u32 v5, v30  }
0x2c0: {  	v47 =	vor.u32 v7, v50;
	v7 =	vshll.u32 v7, $0x8  }
0x2c1: {  	v7 =	vand.u32 $0x2800, v7;
	[tilespmem:v3+s16+$0x0] =	vst.idx.msk $0xffff, v40  }
0x2c2: {  	[tilespmem:v39+s16+$0x0] =	vst.idx.msk $0xffff, v41;
	v3 =	vshll.u32 v43, $0x8;
	v43 =	vor.u32 v7, v28;
	v7 =	vld.idx.msk [tilespmem:v44+s10+$0x0], $0xffff  }
0x2c3: {  	[tilespmem:v1+s16+$0x0] =	vst.idx.msk $0xffff, v57;
	v57 =	vld.idx.msk [tilespmem:v35+s10+$0x0], $0xffff  }
0x2c4: {  	v52 =	vor.u32 s2, v12;
	v59 =	vor.u32 s8, v10;
	[tilespmem:v5+s16+$0x0] =	vst.idx.msk $0xffff, v58;
	v5 =	vld [tilespmem:$0x1FFB0]  }
0x2c5: {  	v53 =	vor.u32 v52, v50;
	v54 =	vshll.u32 v52, $0x8;
	v60 =	vor.u32 v59, v50  }
0x2c6: {  	v45 =	vor.u32 v62, v26;
	v62 =	vor.u32 s2, v17;
	v3 =	vand.u32 $0x3800, v3  }
0x2c7: {  	v46 =	vor.u32 v62, v50;
	v62 =	vshll.u32 v62, $0x8;
	v3 =	vor.u32 v3, v31  }
0x2c8: {  	v61 =	vor.u32 s2, v19;
	v39 =	vor.u32 s29, v22;
	v1 =	vshll.u32 v59, $0x8  }
0x2c9: {  	v59 =	vor.u32 v39, v25;
	v1 =	vand.u32 $0x3800, v1;
	v31 =	vor.u32 v5, v49  }
0x2ca: {  	v42 =	vand.u32 $0x2800, v62;
	v62 =	vshll.u32 v61, $0x8;
	v58 =	vld.idx.msk [tilespmem:v60+s10+$0x0], $0xffff;
	v1 =	vor.u32 v1, v31  }
0x2cb: {  	v40 =	vor.u32 v61, v50;
	v60 =	vor.u32 s8, v12;
	v5 =	vor.u32 s2, v20  }
0x2cc: {  	[tilespmem:v3+s16+$0x0] =	vst.idx.msk $0xffff, v7;
	v3 =	vshll.u32 v39, $0x8;
	v41 =	vor.u32 v5, v50;
	v5 =	vshll.u32 v5, $0x8  }
0x2cd: {  	v55 =	vld.idx.msk [tilespmem:v55+s10+$0x0], $0xffff;
	v61 =	vor.u32 v60, v50;
	v3 =	vand.u32 $0x3800, v3;
	v5 =	vand.u32 $0x2800, v5  }
0x2ce: {  	v7 =	vld.idx.msk [tilespmem:v59+s10+$0x0], $0xffff;
	v56 =	vor.u32 v56, v31;
	v39 =	vor.u32 v5, v30;
	v5 =	vor.u32 s29, v23  }
0x2cf: {  	v52 =	vor.u32 s2, v14;
	v3 =	vor.u32 v3, v32;
	[tilespmem:v1+s16+$0x0] =	vst.idx.msk $0xffff, v58;
	v58 =	vor.u32 v5, v25;
	v25 =	vld [tilespmem:$0x1FFC0]  }
0x2d0: {  	v54 =	vand.u32 $0x2800, v54;
	v51 =	vor.u32 v52, v50  }
0x2d1: {  	v52 =	vshll.u32 v52, $0x8;
	v44 =	vand.u32 $0x2800, v62;
	v62 =	vor.u32 s2, v21  }
0x2d2: {  	v52 =	vand.u32 $0x2800, v52;
	v35 =	vor.u32 v62, v50;
	v62 =	vshll.u32 v62, $0x8;
	[tilespmem:v38+s16+$0x0] =	vst.idx.msk $0xffff, v57  }
0x2d3: {  	v48 =	vor.u32 v48, v50;
	v57 =	vld.idx.msk [tilespmem:v37+s10+$0x0], $0xffff;
	v37 =	vand.u32 $0x2800, v62;
	v1 =	vshll.u32 v60, $0x8;
	[tilespmem:v56+s16+$0x0] =	vst.idx.msk $0xffff, v55  }
0x2d4: {  	s29 =	smov.u32 s8;
	v55 =	vld.idx.msk [tilespmem:v61+s10+$0x0], $0xffff;
	v1 =	vand.u32 $0x3800, v1;
	[tilespmem:v3+s16+$0x0] =	vst.idx.msk $0xffff, v7;
	v3 =	vshll.u32 v5, $0x8;
	v32 =	vor.u32 v25, v49  }
0x2d5: {  	v59 =	vld.idx.msk [tilespmem:v53+s10+$0x0], $0xffff;
	v61 =	vor.u32 s29, v14;
	v3 =	vand.u32 $0x3800, v3;
	v25 =	vmovc v50;
	v1 =	vor.u32 v1, v32  }
0x2d6: {  	s30 =	sadd.s32 $0x2, s30;
	v60 =	vor.u32 v54, v32;
	v62 =	vor.u32 v61, v25;
	v54 =	vor.u32 v3, v36;
	v3 =	vld [tilespmem:$0x1FFD0]  }
0x2d7: {  	p1 =	slt.u32 s30, $0x3E;
	v42 =	vor.u32 v42, v27;
	v44 =	vor.u32 v44, v29;
	v56 =	vor.u32 s2, v22  }
.Ltmp2:
0x2d8: {  	v38 =	vor.u32 v37, v31;
	v7 =	vor.u32 s2, v23;
	v50 =	vshll.u32 v56, $0x8;
	(pc) =	sbr.rel @p1 .LBB2_7-.Ltmp2, $4  }
0x2d9: {  	[tilespmem:v33+s16+$0x0] =	vst.idx.msk $0xffff, v57;
	v53 =	vld.idx.msk [tilespmem:v58+s10+$0x0], $0xffff;
	v58 =	vshll.u32 v7, $0x8;
	v37 =	vor.u32 v56, v25;
	v5 =	vand.u32 $0x2800, v50  }
0x2da: {  	v56 =	vand.u32 $0x2800, v58;
	v33 =	vor.u32 v5, v32;
	[tilespmem:v1+s16+$0x0] =	vst.idx.msk $0xffff, v55;
	v1 =	vshll.u32 v61, $0x8;
	v55 =	vld.idx.msk [tilespmem:v34+s10+$0x0], $0xffff  }
0x2db: {  	v58 =	vor.u32 s29, v15;
	[tilespmem:v60+s16+$0x0] =	vst.idx.msk $0xffff, v59;
	v36 =	vor.u32 v3, v49;
	v57 =	vld.idx.msk [tilespmem:v62+s10+$0x0], $0xffff;
	v1 =	vand.u32 $0x3800, v1  }
0x2dc: {  	s0 =	sadd.s32 $0x8, s0;
	s3 =	sadd.s32 $0x20, s3;
	v34 =	vor.u32 v7, v25;
	v49 =	vld.idx.msk [tilespmem:v51+s10+$0x0], $0xffff;
	v51 =	vor.u32 v52, v36;
	v52 =	vor.u32 v1, v36  }
0x2dd: {  	v1 =	vor.u32 v58, v25;
	_ =	sdelay $0x2  }
0x2de: {  	v3 =	vshll.u32 v58, $0x8  }
0x2df: {  	v3 =	vand.u32 $0x3800, v3;
	[tilespmem:v52+s16+$0x0] =	vst.idx.msk $0xffff, v57  }
0x2e0: {  	v5 =	vor.u32 s29, v17;
	v3 =	vor.u32 v3, v26;
	[tilespmem:v51+s16+$0x0] =	vst.idx.msk $0xffff, v49;
	v1 =	vld.idx.msk [tilespmem:v1+s10+$0x0], $0xffff  }
0x2e1: {  	v26 =	vor.u32 v5, v25;
	v7 =	vld.idx.msk [tilespmem:v48+s10+$0x0], $0xffff;
	_ =	sdelay $0x2  }
0x2e2: {  	v5 =	vshll.u32 v5, $0x8  }
0x2e3: {  	[tilespmem:v3+s16+$0x0] =	vst.idx.msk $0xffff, v1;
	v1 =	vand.u32 $0x3800, v5  }
0x2e4: {  	[tilespmem:v45+s16+$0x0] =	vst.idx.msk $0xffff, v7;
	v5 =	vor.u32 s29, v18;
	v3 =	vld.idx.msk [tilespmem:v26+s10+$0x0], $0xffff;
	v1 =	vor.u32 v1, v27  }
0x2e5: {  	v7 =	vld.idx.msk [tilespmem:v46+s10+$0x0], $0xffff;
	v26 =	vor.u32 v5, v25;
	_ =	sdelay $0x2  }
0x2e6: {  	v5 =	vshll.u32 v5, $0x8  }
0x2e7: {  	[tilespmem:v1+s16+$0x0] =	vst.idx.msk $0xffff, v3;
	v1 =	vand.u32 $0x3800, v5  }
0x2e8: {  	[tilespmem:v42+s16+$0x0] =	vst.idx.msk $0xffff, v7;
	v5 =	vor.u32 s29, v19;
	v3 =	vld.idx.msk [tilespmem:v26+s10+$0x0], $0xffff;
	v1 =	vor.u32 v1, v28  }
0x2e9: {  	v7 =	vld.idx.msk [tilespmem:v47+s10+$0x0], $0xffff;
	v26 =	vor.u32 v5, v25;
	_ =	sdelay $0x2  }
0x2ea: {  	v5 =	vshll.u32 v5, $0x8  }
0x2eb: {  	[tilespmem:v1+s16+$0x0] =	vst.idx.msk $0xffff, v3;
	v1 =	vand.u32 $0x3800, v5  }
0x2ec: {  	[tilespmem:v43+s16+$0x0] =	vst.idx.msk $0xffff, v7;
	v5 =	vor.u32 s29, v20;
	v3 =	vld.idx.msk [tilespmem:v26+s10+$0x0], $0xffff;
	v1 =	vor.u32 v1, v29  }
0x2ed: {  	v7 =	vld.idx.msk [tilespmem:v40+s10+$0x0], $0xffff;
	v26 =	vor.u32 v5, v25;
	_ =	sdelay $0x2  }
0x2ee: {  	v5 =	vshll.u32 v5, $0x8  }
0x2ef: {  	[tilespmem:v1+s16+$0x0] =	vst.idx.msk $0xffff, v3;
	v1 =	vand.u32 $0x3800, v5  }
0x2f0: {  	[tilespmem:v44+s16+$0x0] =	vst.idx.msk $0xffff, v7;
	v5 =	vor.u32 s29, v21;
	v3 =	vld.idx.msk [tilespmem:v26+s10+$0x0], $0xffff;
	v1 =	vor.u32 v1, v30  }
0x2f1: {  	v7 =	vld.idx.msk [tilespmem:v41+s10+$0x0], $0xffff;
	v26 =	vor.u32 v5, v25;
	_ =	sdelay $0x2  }
0x2f2: {  	v5 =	vshll.u32 v5, $0x8  }
0x2f3: {  	[tilespmem:v1+s16+$0x0] =	vst.idx.msk $0xffff, v3;
	v1 =	vand.u32 $0x3800, v5  }
0x2f4: {  	[tilespmem:v39+s16+$0x0] =	vst.idx.msk $0xffff, v7;
	v5 =	vor.u32 s29, v22;
	v3 =	vld.idx.msk [tilespmem:v26+s10+$0x0], $0xffff;
	v1 =	vor.u32 v1, v31  }
0x2f5: {  	v7 =	vld.idx.msk [tilespmem:v35+s10+$0x0], $0xffff;
	v26 =	vor.u32 v5, v25;
	_ =	sdelay $0x2  }
0x2f6: {  	v5 =	vshll.u32 v5, $0x8  }
0x2f7: {  	[tilespmem:v1+s16+$0x0] =	vst.idx.msk $0xffff, v3;
	v1 =	vand.u32 $0x3800, v5  }
0x2f8: {  	[tilespmem:v38+s16+$0x0] =	vst.idx.msk $0xffff, v7;
	v5 =	vor.u32 s29, v23;
	v3 =	vld.idx.msk [tilespmem:v26+s10+$0x0], $0xffff;
	v1 =	vor.u32 v1, v32  }
0x2f9: {  	v7 =	vld.idx.msk [tilespmem:v37+s10+$0x0], $0xffff;
	v25 =	vor.u32 v5, v25;
	_ =	sdelay $0x2  }
0x2fa: {  	v5 =	vshll.u32 v5, $0x8  }
0x2fb: {  	[tilespmem:v1+s16+$0x0] =	vst.idx.msk $0xffff, v3;
	v1 =	vand.u32 $0x3800, v5  }
0x2fc: {  	[tilespmem:v33+s16+$0x0] =	vst.idx.msk $0xffff, v7;
	v3 =	vld.idx.msk [tilespmem:v25+s10+$0x0], $0xffff;
	v1 =	vor.u32 v1, v36  }
0x2fd: {  	v5 =	vor.u32 v56, v36;
	v7 =	vld.idx.msk [tilespmem:v34+s10+$0x0], $0xffff;
	_ =	sdelay $0x1  }
0x2fe: {  	[tilespmem:v54+s16+$0x0] =	vst.idx.msk $0xffff, v53  }
0x2ff: {  	[tilespmem:v24+s16+$0x0] =	vst.idx.msk $0xffff, v55  }
0x300: {  	s0 =	sshll.u32 s28, $0x11;
	[tilespmem:v1+s16+$0x0] =	vst.idx.msk $0xffff, v3  }
0x301: {  	s0 =	sadd.s32 s0, s6;
	[tilespmem:v5+s16+$0x0] =	vst.idx.msk $0xffff, v7  }
0x302: {  	[hbm4b:s0+s17] =	stream.strided.scatter [tilespmem:s16], [sflag:$0x3], $0x4000, s18, s17, $0x38;
	[tilespmem:$0x18400] =	vst v63  }
0x303: {  	s0 =	simm.s32 @!p0 $0x3  }
0x304: {  	_ =	swait.ge @!p0 [sflag:s0], $0x4000  }
0x305: {  	s2 =	simm.s32 @!p0 $0x5;
	s3 =	simm.s32 $0x0;
	[sflag:s0] =	ssyncset.done @!p0 $0x0  }
0x306: {  	s31 =	sand.u32 $0x20, s3;
	s3 =	sand.u32 $0xF0, s3;
	[sflag:s0] =	ssyncadd.s32 @!p0 $0xFFFFC000  }
0x307: {  	s30 =	sor.u32 $0x10, s31;
	v1 =	vor.u32 s3, v0;
	_ =	swait.ge @!p0 [sflag:s2], $0x200  }
0x308: {  	s8 =	simm.s32 @!p0 $0x0;
	v3 =	vor.u32 s30, v0;
	v32 =	vshll.u32 v1, $0x7;
	[sflag:s2] =	ssyncset.done @!p0 $0x0  }
0x309: {  	v5 =	vmov s3;
	s3 =	simm.s32 @!p0 $0x400;
	v7 =	vor.u32 s31, v0;
	v25 =	vor.u32 v3, v32;
	[sflag:s2] =	ssyncadd.s32 @!p0 $0xFFFFFE00;
	s2 =	simm.s32 @!p0 $0x100  }
0x30a: {  	v5 =	vshll.u32 v5, $0x3;
	v27 =	vor.u32 v7, v32;
	[tilespmem:s3], [sflag:$0x1] =	stream.indirect.gather @!p0 [hbm4b:s4+s2], $0x80, s8, s2, $0xb8;
	[tilespmem:$0x18400] =	vst v63  }
0x30b: {  	v1 =	vand.u32 $0x7F, v1;
	v5 =	vand.u32 $0x400, v5;
	_ =	swait.ge [sflag:s21], $0x8000  }
0x30c: {  	v24 =	vor.u32 v5, v1;
	v1 =	vshll.u32 v3, $0x8;
	[sflag:s21] =	ssyncset.done $0x0  }
0x30d: {  	v3 =	vshll.u32 v7, $0x8;
	v26 =	vor.u32 v63, v24;
	v1 =	vand.u32 $0x3800, v1;
	[sflag:s21] =	ssyncadd.s32 $0xFFFF8000  }
0x30e: {  	v7 =	vor.u32 s30, v2;
	v3 =	vand.u32 $0x2800, v3;
	v1 =	vor.u32 v1, v26;
	v5 =	vld.idx.msk [tilespmem:v25+s13+$0x0], $0xffff  }
0x30f: {  	v29 =	vor.u32 v7, v32;
	v3 =	vor.u32 v3, v26;
	v25 =	vor.u32 s31, v2;
	v28 =	vld.idx.msk [tilespmem:v27+s13+$0x0], $0xffff  }
0x310: {  	v30 =	vor.u32 v25, v32;
	_ =	sdelay $0x1  }
0x311: {  	v7 =	vshll.u32 v7, $0x8  }
0x312: {  	v27 =	vor.u32 v9, v24;
	v25 =	vshll.u32 v25, $0x8;
	[tilespmem:v1+s22+$0x0] =	vst.idx.msk $0xffff, v5;
	v1 =	vand.u32 $0x3800, v7  }
0x313: {  	v5 =	vand.u32 $0x2800, v25;
	[tilespmem:v3+s22+$0x0] =	vst.idx.msk $0xffff, v28;
	v7 =	vor.u32 s30, v4;
	v3 =	vld.idx.msk [tilespmem:v29+s13+$0x0], $0xffff;
	v1 =	vor.u32 v1, v27  }
0x314: {  	v25 =	vor.u32 s31, v4;
	v29 =	vld.idx.msk [tilespmem:v30+s13+$0x0], $0xffff;
	v5 =	vor.u32 v5, v27;
	v30 =	vor.u32 v7, v32  }
0x315: {  	v28 =	vor.u32 s31, v6;
	v31 =	vor.u32 v25, v32  }
0x316: {  	v25 =	vshll.u32 v25, $0x8;
	v40 =	vshll.u32 v28, $0x8;
	v41 =	vor.u32 v28, v32  }
0x317: {  	v7 =	vshll.u32 v7, $0x8;
	v28 =	vor.u32 v11, v24;
	v25 =	vand.u32 $0x2800, v25  }
0x318: {  	v25 =	vor.u32 v25, v28;
	[tilespmem:v1+s22+$0x0] =	vst.idx.msk $0xffff, v3;
	v1 =	vand.u32 $0x3800, v7  }
0x319: {  	v42 =	vor.u32 s31, v8;
	[tilespmem:v5+s22+$0x0] =	vst.idx.msk $0xffff, v29;
	v7 =	vor.u32 s30, v6;
	v5 =	vld.idx.msk [tilespmem:v30+s13+$0x0], $0xffff;
	v1 =	vor.u32 v1, v28  }
0x31a: {  	v3 =	vor.u32 s31, v10;
	v29 =	vshll.u32 v42, $0x8;
	v30 =	vld.idx.msk [tilespmem:v31+s13+$0x0], $0xffff;
	v31 =	vor.u32 v7, v32  }
0x31b: {  	v43 =	vand.u32 $0x2800, v29;
	v29 =	vshll.u32 v3, $0x8  }
0x31c: {  	v54 =	vand.u32 $0x2800, v29;
	v29 =	vor.u32 s31, v12  }
0x31d: {  	v7 =	vshll.u32 v7, $0x8;
	v38 =	vor.u32 v29, v32;
	v29 =	vshll.u32 v29, $0x8  }
0x31e: {  	v49 =	vand.u32 $0x2800, v29;
	v29 =	vor.u32 v13, v24;
	[tilespmem:v1+s22+$0x0] =	vst.idx.msk $0xffff, v5;
	v1 =	vand.u32 $0x3800, v7  }
0x31f: {  	[tilespmem:v25+s22+$0x0] =	vst.idx.msk $0xffff, v30;
	v25 =	vor.u32 s30, v8;
	v7 =	vld.idx.msk [tilespmem:v31+s13+$0x0], $0xffff;
	v1 =	vor.u32 v1, v29  }
0x320: {  	v55 =	vor.u32 v25, v32  }
0x321: {  	v33 =	vand.u32 $0x2800, v40;
	v30 =	vor.u32 s31, v15  }
0x322: {  	v33 =	vor.u32 v33, v29;
	v56 =	vshll.u32 v30, $0x8  }
0x323: {  	v31 =	vld.idx.msk [tilespmem:v41+s13+$0x0], $0xffff;
	v51 =	vor.u32 v30, v32;
	v25 =	vshll.u32 v25, $0x8;
	v30 =	vand.u32 $0x2800, v56  }
0x324: {  	v48 =	vor.u32 v30, v26;
	v30 =	vor.u32 v16, v24;
	[tilespmem:v1+s22+$0x0] =	vst.idx.msk $0xffff, v7;
	v1 =	vand.u32 $0x3800, v25  }
0x325: {  	v35 =	vor.u32 v42, v32;
	v25 =	vld.idx.msk [tilespmem:v55+s13+$0x0], $0xffff;
	v1 =	vor.u32 v1, v30;
	_ =	sdelay $0x3  }
0x326: {  	v57 =	vor.u32 s31, v17;
	v59 =	vor.u32 s30, v10;
	[tilespmem:v33+s22+$0x0] =	vst.idx.msk $0xffff, v31  }
0x327: {  	v52 =	vor.u32 s30, v12;
	v39 =	vshll.u32 v57, $0x8;
	v47 =	vor.u32 v57, v32;
	v33 =	vld.idx.msk [tilespmem:v35+s13+$0x0], $0xffff;
	[tilespmem:v1+s22+$0x0] =	vst.idx.msk $0xffff, v25  }
0x328: {  	v60 =	vor.u32 v59, v32;
	v57 =	vor.u32 s31, v22;
	v58 =	vor.u32 v43, v30;
	v25 =	vld [tilespmem:$0x1FFB0]  }
0x329: {  	v3 =	vor.u32 v3, v32;
	v7 =	vand.u32 $0x2800, v39;
	v31 =	vor.u32 s31, v18  }
0x32a: {  	v5 =	vor.u32 s31, v14;
	v46 =	vor.u32 v7, v27;
	v7 =	vshll.u32 v31, $0x8  }
0x32b: {  	v45 =	vor.u32 v31, v32;
	v31 =	vor.u32 s31, v19;
	v7 =	vand.u32 $0x2800, v7  }
0x32c: {  	v43 =	vor.u32 v31, v32;
	v44 =	vor.u32 v7, v28;
	v1 =	vshll.u32 v59, $0x8  }
0x32d: {  	v7 =	vshll.u32 v31, $0x8;
	[tilespmem:v58+s22+$0x0] =	vst.idx.msk $0xffff, v33;
	v1 =	vand.u32 $0x3800, v1;
	v62 =	vld.idx.msk [tilespmem:v60+s13+$0x0], $0xffff;
	v31 =	vor.u32 v25, v24  }
0x32e: {  	v50 =	vor.u32 v5, v32;
	v7 =	vand.u32 $0x2800, v7;
	v55 =	vld [tilespmem:$0x1FFC0];
	v1 =	vor.u32 v1, v31  }
0x32f: {  	v41 =	vor.u32 v7, v29;
	v7 =	vor.u32 v52, v32;
	v3 =	vld.idx.msk [tilespmem:v3+s13+$0x0], $0xffff;
	v61 =	vor.u32 v54, v31  }
0x330: {  	v5 =	vshll.u32 v5, $0x8;
	v35 =	vshll.u32 v52, $0x8;
	v25 =	vor.u32 s31, v20  }
0x331: {  	v5 =	vand.u32 $0x2800, v5;
	v35 =	vand.u32 $0x3800, v35;
	v53 =	vshll.u32 v25, $0x8  }
0x332: {  	v54 =	vor.u32 s31, v21;
	v42 =	vor.u32 v25, v32;
	v25 =	vand.u32 $0x2800, v53  }
0x333: {  	v37 =	vor.u32 v55, v24;
	v40 =	vor.u32 v25, v30;
	v25 =	vshll.u32 v54, $0x8;
	[tilespmem:v1+s22+$0x0] =	vst.idx.msk $0xffff, v62  }
0x334: {  	v60 =	vor.u32 s31, v23;
	v39 =	vor.u32 v54, v32;
	v25 =	vand.u32 $0x2800, v25;
	[tilespmem:v61+s22+$0x0] =	vst.idx.msk $0xffff, v3;
	v3 =	vld.idx.msk [tilespmem:v7+s13+$0x0], $0xffff  }
0x335: {  	s31 =	simm.s32 $0x20;
	v56 =	vor.u32 v35, v37;
	v35 =	vor.u32 v25, v31;
	v7 =	vor.u32 s30, v14;
	v36 =	vld [tilespmem:$0x1FFD0]  }
0x336: {  	s11 =	simm.s32 $0x8;
	s0 =	sand.u32 $0x20, s31;
	v25 =	vshll.u32 v57, $0x8;
	v1 =	vor.u32 v49, v37;
	v58 =	vld.idx.msk [tilespmem:v38+s13+$0x0], $0xffff;
	v59 =	vor.u32 v7, v32  }
0x337: {  	s2 =	sand.u32 $0xF0, s11;
	v54 =	vor.u32 s0, v2;
	v25 =	vand.u32 $0x2800, v25;
	v61 =	vor.u32 v60, v32  }
0x338: {  	v49 =	vor.u32 s2, v0;
	v62 =	vor.u32 s0, v0;
	v25 =	vor.u32 v25, v37;
	[tilespmem:$0x1FF10] =	vst v61  }
0x339: {  	v38 =	vor.u32 v57, v32;
	v33 =	vshll.u32 v62, $0x8;
	[tilespmem:$0x1FF00] =	vst v25;
	v7 =	vshll.u32 v7, $0x8  }
0x33a: {  	s29 =	sor.u32 $0x10, s0;
	v61 =	vmov s2;
	v7 =	vand.u32 $0x3800, v7;
	v34 =	vor.u32 v36, v24;
	[tilespmem:v56+s22+$0x0] =	vst.idx.msk $0xffff, v3  }
0x33b: {  	v25 =	vshll.u32 v60, $0x8;
	v60 =	vor.u32 s29, v0;
	[tilespmem:v1+s22+$0x0] =	vst.idx.msk $0xffff, v58;
	v3 =	vor.u32 v7, v34;
	v1 =	vld.idx.msk [tilespmem:v59+s13+$0x0], $0xffff  }
0x33c: {  	v55 =	vand.u32 $0x2800, v33;
	v5 =	vor.u32 v5, v34;
	v7 =	vor.u32 s30, v15;
	v50 =	vld.idx.msk [tilespmem:v50+s13+$0x0], $0xffff  }
0x33d: {  	v33 =	vor.u32 s0, v4;
	v24 =	vand.u32 $0x2800, v25;
	v52 =	vor.u32 v7, v32  }
0x33e: {  	v25 =	vshll.u32 v49, $0x7;
	v58 =	vshll.u32 v61, $0x3;
	v56 =	vshll.u32 v33, $0x8  }
0x33f: {  	v53 =	vor.u32 v62, v25;
	v57 =	vor.u32 v60, v25;
	v7 =	vshll.u32 v7, $0x8  }
0x340: {  	v59 =	vor.u32 v54, v25;
	v62 =	vand.u32 $0x400, v58;
	v7 =	vand.u32 $0x3800, v7;
	[tilespmem:v3+s22+$0x0] =	vst.idx.msk $0xffff, v1  }
0x341: {  	v1 =	vor.u32 s30, v17;
	v3 =	vand.u32 $0x7F, v49;
	[tilespmem:v5+s22+$0x0] =	vst.idx.msk $0xffff, v50;
	v5 =	vor.u32 v7, v26  }
0x342: {  	v49 =	vor.u32 v62, v3;
	v3 =	vshll.u32 v60, $0x8;
	v7 =	vld.idx.msk [tilespmem:v52+s13+$0x0], $0xffff;
	v50 =	vor.u32 v1, v32  }
0x343: {  	v51 =	vld.idx.msk [tilespmem:v51+s13+$0x0], $0xffff;
	v26 =	vor.u32 v63, v49;
	v3 =	vand.u32 $0x3800, v3;
	v63 =	vshll.u32 v54, $0x8  }
0x344: {  	v57 =	vld.idx.msk [tilespmem:v57+s13+$0x0], $0xffff;
	v54 =	vor.u32 v55, v26;
	v3 =	vor.u32 v3, v26;
	v55 =	vor.u32 s29, v2  }
0x345: {  	v61 =	vor.u32 s0, v6;
	v53 =	vld.idx.msk [tilespmem:v53+s13+$0x0], $0xffff;
	v1 =	vshll.u32 v1, $0x8;
	v58 =	vor.u32 v55, v25  }
0x346: {  	v62 =	vor.u32 s0, v8;
	v1 =	vand.u32 $0x3800, v1;
	v52 =	vand.u32 $0x2800, v63  }
0x347: {  	v1 =	vor.u32 v1, v27;
	v27 =	vor.u32 v9, v49;
	v55 =	vshll.u32 v55, $0x8;
	[tilespmem:v5+s22+$0x0] =	vst.idx.msk $0xffff, v7  }
0x348: {  	v55 =	vand.u32 $0x3800, v55;
	v5 =	vand.u32 $0x2800, v56;
	[tilespmem:v48+s22+$0x0] =	vst.idx.msk $0xffff, v51;
	v48 =	vor.u32 s30, v18;
	v50 =	vld.idx.msk [tilespmem:v50+s13+$0x0], $0xffff  }
0x349: {  	v7 =	vor.u32 v61, v25;
	v56 =	vor.u32 v48, v32;
	v47 =	vld.idx.msk [tilespmem:v47+s13+$0x0], $0xffff;
	[tilespmem:v3+s22+$0x0] =	vst.idx.msk $0xffff, v57  }
0x34a: {  	v63 =	vshll.u32 v61, $0x8;
	v55 =	vor.u32 v55, v27;
	v61 =	vor.u32 s29, v4;
	[tilespmem:v54+s22+$0x0] =	vst.idx.msk $0xffff, v53;
	v53 =	vld.idx.msk [tilespmem:v58+s13+$0x0], $0xffff  }
0x34b: {  	v52 =	vor.u32 v52, v27;
	v48 =	vshll.u32 v48, $0x8;
	v3 =	vor.u32 v61, v25;
	v58 =	vld.idx.msk [tilespmem:v59+s13+$0x0], $0xffff  }
0x34c: {  	v60 =	vor.u32 v33, v25;
	v33 =	vshll.u32 v62, $0x8;
	v48 =	vand.u32 $0x3800, v48  }
0x34d: {  	v51 =	vand.u32 $0x2800, v63;
	v54 =	vor.u32 v62, v25;
	v48 =	vor.u32 v48, v28;
	[tilespmem:v1+s22+$0x0] =	vst.idx.msk $0xffff, v50  }
0x34e: {  	v28 =	vor.u32 v11, v49;
	[tilespmem:v46+s22+$0x0] =	vst.idx.msk $0xffff, v47;
	v46 =	vor.u32 s30, v19;
	v50 =	vshll.u32 v61, $0x8;
	v56 =	vld.idx.msk [tilespmem:v56+s13+$0x0], $0xffff  }
0x34f: {  	v63 =	vor.u32 s0, v10;
	v61 =	vor.u32 v46, v32;
	v47 =	vand.u32 $0x3800, v50;
	v45 =	vld.idx.msk [tilespmem:v45+s13+$0x0], $0xffff;
	[tilespmem:v55+s22+$0x0] =	vst.idx.msk $0xffff, v53  }
0x350: {  	v57 =	vand.u32 $0x2800, v33;
	v62 =	vor.u32 s29, v6;
	v47 =	vor.u32 v47, v28;
	[tilespmem:v52+s22+$0x0] =	vst.idx.msk $0xffff, v58;
	v3 =	vld.idx.msk [tilespmem:v3+s13+$0x0], $0xffff  }
0x351: {  	v5 =	vor.u32 v5, v28;
	v46 =	vshll.u32 v46, $0x8;
	v53 =	vor.u32 v62, v25;
	v58 =	vld.idx.msk [tilespmem:v60+s13+$0x0], $0xffff  }
0x352: {  	v33 =	vor.u32 v63, v25;
	v63 =	vshll.u32 v63, $0x8;
	v46 =	vand.u32 $0x3800, v46  }
0x353: {  	v59 =	vand.u32 $0x2800, v63;
	v46 =	vor.u32 v46, v29;
	[tilespmem:v48+s22+$0x0] =	vst.idx.msk $0xffff, v56  }
0x354: {  	v29 =	vor.u32 v13, v49;
	v56 =	vor.u32 s30, v20;
	[tilespmem:v44+s22+$0x0] =	vst.idx.msk $0xffff, v45;
	v48 =	vshll.u32 v62, $0x8;
	v44 =	vld.idx.msk [tilespmem:v61+s13+$0x0], $0xffff  }
0x355: {  	v1 =	vor.u32 s29, v8;
	v60 =	vor.u32 v56, v32;
	v43 =	vld.idx.msk [tilespmem:v43+s13+$0x0], $0xffff;
	v48 =	vand.u32 $0x3800, v48;
	[tilespmem:v47+s22+$0x0] =	vst.idx.msk $0xffff, v3  }
0x356: {  	v50 =	vor.u32 s0, v12;
	v45 =	vor.u32 s0, v15;
	v62 =	vor.u32 v48, v29;
	[tilespmem:v5+s22+$0x0] =	vst.idx.msk $0xffff, v58;
	v5 =	vld.idx.msk [tilespmem:v53+s13+$0x0], $0xffff  }
0x357: {  	v51 =	vor.u32 v51, v29;
	v61 =	vshll.u32 v45, $0x8;
	v47 =	vor.u32 v1, v25;
	v7 =	vld.idx.msk [tilespmem:v7+s13+$0x0], $0xffff  }
0x358: {  	v63 =	vor.u32 v50, v25;
	v3 =	vand.u32 $0x2800, v61;
	v61 =	vshll.u32 v56, $0x8  }
0x359: {  	v48 =	vor.u32 v45, v25;
	v1 =	vshll.u32 v1, $0x8;
	v53 =	vand.u32 $0x3800, v61;
	[tilespmem:v46+s22+$0x0] =	vst.idx.msk $0xffff, v44  }
0x35a: {  	v45 =	vor.u32 v3, v26;
	[tilespmem:v41+s22+$0x0] =	vst.idx.msk $0xffff, v43;
	v43 =	vor.u32 v53, v30;
	v41 =	vld.idx.msk [tilespmem:v60+s13+$0x0], $0xffff  }
0x35b: {  	v50 =	vshll.u32 v50, $0x8;
	v1 =	vand.u32 $0x3800, v1;
	v30 =	vor.u32 v16, v49;
	v44 =	vld.idx.msk [tilespmem:v42+s13+$0x0], $0xffff;
	[tilespmem:v62+s22+$0x0] =	vst.idx.msk $0xffff, v5  }
0x35c: {  	v55 =	vor.u32 s0, v14;
	v3 =	vor.u32 s0, v17;
	v1 =	vor.u32 v1, v30;
	[tilespmem:v51+s22+$0x0] =	vst.idx.msk $0xffff, v7;
	v7 =	vld.idx.msk [tilespmem:v47+s13+$0x0], $0xffff  }
0x35d: {  	v52 =	vand.u32 $0x2800, v50;
	v46 =	vor.u32 v3, v25;
	v3 =	vshll.u32 v3, $0x8  }
0x35e: {  	v50 =	vor.u32 v55, v25;
	v3 =	vand.u32 $0x2800, v3;
	v60 =	vor.u32 s30, v21  }
0x35f: {  	v55 =	vshll.u32 v55, $0x8;
	v42 =	vor.u32 v3, v27;
	v3 =	vor.u32 v60, v32;
	[tilespmem:v43+s22+$0x0] =	vst.idx.msk $0xffff, v41  }
0x360: {  	v58 =	vand.u32 $0x2800, v55;
	v5 =	vor.u32 s0, v18;
	[tilespmem:v40+s22+$0x0] =	vst.idx.msk $0xffff, v44  }
0x361: {  	v61 =	vor.u32 s29, v10;
	v47 =	vor.u32 v5, v25;
	v5 =	vshll.u32 v5, $0x8;
	[tilespmem:v1+s22+$0x0] =	vst.idx.msk $0xffff, v7  }
0x362: {  	v55 =	vor.u32 v57, v30;
	v53 =	vshll.u32 v60, $0x8;
	v5 =	vand.u32 $0x2800, v5;
	v7 =	vld [tilespmem:$0x1FFB0]  }
0x363: {  	v54 =	vld.idx.msk [tilespmem:v54+s13+$0x0], $0xffff;
	v41 =	vor.u32 v61, v25;
	v43 =	vor.u32 v5, v28;
	v5 =	vand.u32 $0x3800, v53  }
0x364: {  	v3 =	vld.idx.msk [tilespmem:v3+s13+$0x0], $0xffff;
	v5 =	vor.u32 v5, v31  }
0x365: {  	v60 =	vor.u32 s30, v22  }
0x366: {  	v62 =	vor.u32 s0, v19;
	v51 =	vshll.u32 v61, $0x8;
	v39 =	vld.idx.msk [tilespmem:v39+s13+$0x0], $0xffff;
	v1 =	vor.u32 v60, v32  }
0x367: {  	v57 =	vshll.u32 v62, $0x8;
	v31 =	vor.u32 v7, v49;
	v7 =	vand.u32 $0x3800, v51  }
0x368: {  	v44 =	vand.u32 $0x2800, v57;
	v61 =	vor.u32 s0, v20;
	[tilespmem:v55+s22+$0x0] =	vst.idx.msk $0xffff, v54;
	v55 =	vld.idx.msk [tilespmem:v41+s13+$0x0], $0xffff;
	v7 =	vor.u32 v7, v31  }
0x369: {  	v57 =	vshll.u32 v61, $0x8;
	[tilespmem:v5+s22+$0x0] =	vst.idx.msk $0xffff, v3;
	v3 =	vld.idx.msk [tilespmem:v33+s13+$0x0], $0xffff;
	v54 =	vor.u32 v59, v31;
	v59 =	vshll.u32 v60, $0x8  }
0x36a: {  	v33 =	vand.u32 $0x2800, v57;
	v51 =	vand.u32 $0x3800, v59  }
0x36b: {  	[tilespmem:v35+s22+$0x0] =	vst.idx.msk $0xffff, v39;
	v1 =	vld.idx.msk [tilespmem:v1+s13+$0x0], $0xffff;
	v39 =	vor.u32 v33, v30;
	v33 =	vor.u32 v51, v37;
	_ =	sdelay $0x1  }
0x36c: {  	[tilespmem:v7+s22+$0x0] =	vst.idx.msk $0xffff, v55  }
0x36d: {  	v59 =	vld [tilespmem:$0x1FFC0];
	[tilespmem:v54+s22+$0x0] =	vst.idx.msk $0xffff, v3  }
0x36e: {  	v40 =	vor.u32 v62, v25;
	v62 =	vor.u32 s29, v12;
	v57 =	vld.idx.msk [tilespmem:v63+s13+$0x0], $0xffff  }
0x36f: {  	v5 =	vor.u32 v62, v25;
	v63 =	vld [tilespmem:$0x1FFA0];
	[tilespmem:v33+s22+$0x0] =	vst.idx.msk $0xffff, v1  }
0x370: {  	v33 =	vld [tilespmem:$0x1FF00]  }
0x371: {  	v41 =	vor.u32 v61, v25;
	v62 =	vshll.u32 v62, $0x8;
	v60 =	vor.u32 s0, v21  }
0x372: {  	v35 =	vor.u32 v60, v25;
	v61 =	vshll.u32 v60, $0x8;
	v37 =	vor.u32 s30, v23  }
0x373: {  	v56 =	vld.idx.msk [tilespmem:v38+s13+$0x0], $0xffff;
	v60 =	vand.u32 $0x3800, v62;
	v7 =	vor.u32 v37, v32;
	v32 =	vor.u32 v59, v49  }
0x374: {  	v5 =	vld.idx.msk [tilespmem:v5+s13+$0x0], $0xffff;
	v51 =	vor.u32 v60, v32;
	_ =	sdelay $0x3  }
0x375: {  	[tilespmem:v33+s22+$0x0] =	vst.idx.msk $0xffff, v56  }
0x376: {  	[tilespmem:v51+s22+$0x0] =	vst.idx.msk $0xffff, v5  }
0x377: {  	v5 =	vld [tilespmem:$0x1FF10]  }
0x378: {  	v55 =	vor.u32 s29, v14  }
0x379: {  	v3 =	vand.u32 $0x2800, v61;
	v62 =	vor.u32 v55, v25;
	v52 =	vor.u32 v52, v32  }
0x37a: {  	v24 =	vor.u32 v24, v34;
	v38 =	vor.u32 v3, v31;
	v3 =	vshll.u32 v37, $0x8  }
0x37b: {  	v36 =	vor.u32 v36, v49;
	v61 =	vor.u32 s0, v22;
	v3 =	vand.u32 $0x3800, v3  }
0x37c: {  	v1 =	vshll.u32 v61, $0x8;
	v54 =	vor.u32 v3, v34;
	v3 =	vor.u32 s0, v23  }
0x37d: {  	v44 =	vor.u32 v44, v29;
	v1 =	vand.u32 $0x2800, v1;
	v53 =	vld.idx.msk [tilespmem:v7+s13+$0x0], $0xffff;
	v34 =	vor.u32 v3, v25  }
0x37e: {  	v33 =	vor.u32 v1, v32;
	v1 =	vshll.u32 v3, $0x8;
	v3 =	vshll.u32 v55, $0x8;
	[tilespmem:v52+s22+$0x0] =	vst.idx.msk $0xffff, v57;
	v57 =	vld.idx.msk [tilespmem:v62+s13+$0x0], $0xffff  }
0x37f: {  	s28 =	sshll.u32 s28, $0x14;
	v37 =	vor.u32 v61, v25;
	v56 =	vand.u32 $0x2800, v1;
	v1 =	vand.u32 $0x3800, v3;
	v55 =	vld.idx.msk [tilespmem:v5+s13+$0x0], $0xffff  }
0x380: {  	s3 =	simm.s32 $0x40;
	s30 =	simm.s32 $0x2;
	s0 =	simm.s32 $0x10;
	v51 =	vor.u32 v58, v36;
	v58 =	vor.u32 s29, v15;
	v52 =	vor.u32 v1, v36;
	v49 =	vld.idx.msk [tilespmem:v50+s13+$0x0], $0xffff  }
.LBB2_9:
0x381: {  	s2 =	sand.u32 $0x20, s3;
	s11 =	sand.u32 $0xF0, s0;
	v1 =	vor.u32 v56, v36;
	v3 =	vor.u32 v58, v25  }
0x382: {  	v58 =	vshll.u32 v58, $0x8;
	v5 =	vor.u32 s11, v0;
	v7 =	vor.u32 s2, v0;
	s8 =	sor.u32 $0x10, s2  }
0x383: {  	v56 =	vor.u32 s2, v2;
	[tilespmem:v54+s22+$0x0] =	vst.idx.msk $0xffff, v53;
	v50 =	vshll.u32 v5, $0x7;
	v54 =	vor.u32 s8, v0  }
0x384: {  	v61 =	vand.u32 $0x3800, v58;
	v59 =	vor.u32 v54, v50;
	[tilespmem:v24+s22+$0x0] =	vst.idx.msk $0xffff, v55;
	v55 =	vmov s11  }
0x385: {  	v62 =	vshll.u32 v7, $0x8;
	v5 =	vand.u32 $0x7F, v5;
	v24 =	vmovc v1;
	[tilespmem:v52+s22+$0x0] =	vst.idx.msk $0xffff, v57;
	v1 =	vshll.u32 v55, $0x3  }
0x386: {  	v7 =	vor.u32 v7, v50;
	v53 =	vand.u32 $0x2800, v62;
	[tilespmem:v51+s22+$0x0] =	vst.idx.msk $0xffff, v49;
	v1 =	vand.u32 $0x400, v1  }
0x387: {  	v52 =	vor.u32 v61, v26;
	v3 =	vld.idx.msk [tilespmem:v3+s13+$0x0], $0xffff;
	v49 =	vor.u32 v1, v5;
	v1 =	vshll.u32 v54, $0x8  }
0x388: {  	v51 =	vor.u32 s29, v17;
	v48 =	vld.idx.msk [tilespmem:v48+s13+$0x0], $0xffff;
	v26 =	vor.u32 v63, v49;
	v1 =	vand.u32 $0x3800, v1  }
0x389: {  	v60 =	vor.u32 v56, v50;
	v5 =	vor.u32 v51, v25;
	v55 =	vld.idx.msk [tilespmem:v59+s13+$0x0], $0xffff;
	v1 =	vor.u32 v1, v26  }
0x38a: {  	v62 =	vshll.u32 v56, $0x8;
	v56 =	vor.u32 s8, v2;
	v61 =	vor.u32 s2, v4  }
0x38b: {  	v54 =	vand.u32 $0x2800, v62;
	v62 =	vor.u32 v56, v50;
	v7 =	vld.idx.msk [tilespmem:v7+s13+$0x0], $0xffff;
	v53 =	vor.u32 v53, v26  }
0x38c: {  	v57 =	vshll.u32 v61, $0x8;
	v59 =	vor.u32 v61, v50;
	[tilespmem:v52+s22+$0x0] =	vst.idx.msk $0xffff, v3;
	v3 =	vshll.u32 v51, $0x8  }
0x38d: {  	v61 =	vor.u32 s2, v6;
	[tilespmem:v45+s22+$0x0] =	vst.idx.msk $0xffff, v48;
	v48 =	vor.u32 s29, v18;
	v3 =	vand.u32 $0x3800, v3  }
0x38e: {  	v52 =	vshll.u32 v61, $0x8;
	v5 =	vld.idx.msk [tilespmem:v5+s13+$0x0], $0xffff;
	v3 =	vor.u32 v3, v27;
	[tilespmem:v1+s22+$0x0] =	vst.idx.msk $0xffff, v55;
	v1 =	vshll.u32 v56, $0x8  }
0x38f: {  	v46 =	vld.idx.msk [tilespmem:v46+s13+$0x0], $0xffff;
	v27 =	vor.u32 v9, v49;
	v56 =	vor.u32 v48, v25;
	v1 =	vand.u32 $0x3800, v1  }
0x390: {  	[tilespmem:v53+s22+$0x0] =	vst.idx.msk $0xffff, v7;
	v7 =	vand.u32 $0x2800, v52;
	v52 =	vld.idx.msk [tilespmem:v62+s13+$0x0], $0xffff;
	v1 =	vor.u32 v1, v27  }
0x391: {  	v51 =	vand.u32 $0x2800, v57;
	v57 =	vor.u32 s8, v4  }
0x392: {  	v58 =	vor.u32 s2, v10;
	v53 =	vld.idx.msk [tilespmem:v60+s13+$0x0], $0xffff;
	v60 =	vor.u32 v57, v50  }
0x393: {  	v54 =	vor.u32 v54, v27;
	v55 =	vor.u32 s2, v8;
	[tilespmem:v3+s22+$0x0] =	vst.idx.msk $0xffff, v5;
	v3 =	vshll.u32 v48, $0x8  }
0x394: {  	v45 =	vor.u32 v61, v50;
	v61 =	vor.u32 v55, v50;
	[tilespmem:v42+s22+$0x0] =	vst.idx.msk $0xffff, v46;
	v3 =	vand.u32 $0x3800, v3  }
0x395: {  	v55 =	vshll.u32 v55, $0x8;
	v42 =	vld.idx.msk [tilespmem:v56+s13+$0x0], $0xffff;
	v3 =	vor.u32 v3, v28;
	[tilespmem:v1+s22+$0x0] =	vst.idx.msk $0xffff, v52;
	v1 =	vshll.u32 v57, $0x8  }
0x396: {  	v47 =	vld.idx.msk [tilespmem:v47+s13+$0x0], $0xffff;
	v48 =	vor.u32 s29, v19;
	v28 =	vor.u32 v11, v49;
	v1 =	vand.u32 $0x3800, v1  }
0x397: {  	v62 =	vshll.u32 v58, $0x8;
	v46 =	vor.u32 v48, v25;
	v57 =	vld.idx.msk [tilespmem:v60+s13+$0x0], $0xffff;
	v1 =	vor.u32 v1, v28  }
0x398: {  	v5 =	vand.u32 $0x2800, v55;
	v55 =	vor.u32 v58, v50;
	[tilespmem:v54+s22+$0x0] =	vst.idx.msk $0xffff, v53;
	v60 =	vor.u32 s8, v6  }
0x399: {  	v56 =	vand.u32 $0x2800, v62;
	v58 =	vld.idx.msk [tilespmem:v59+s13+$0x0], $0xffff;
	v59 =	vor.u32 v51, v28;
	v62 =	vor.u32 v60, v50  }
0x39a: {  	[tilespmem:v3+s22+$0x0] =	vst.idx.msk $0xffff, v42;
	v3 =	vshll.u32 v48, $0x8  }
0x39b: {  	[tilespmem:v43+s22+$0x0] =	vst.idx.msk $0xffff, v47;
	v3 =	vand.u32 $0x3800, v3  }
0x39c: {  	v42 =	vor.u32 s29, v20;
	v43 =	vld.idx.msk [tilespmem:v46+s13+$0x0], $0xffff;
	v3 =	vor.u32 v3, v29;
	[tilespmem:v1+s22+$0x0] =	vst.idx.msk $0xffff, v57;
	v1 =	vshll.u32 v60, $0x8  }
0x39d: {  	v40 =	vld.idx.msk [tilespmem:v40+s13+$0x0], $0xffff;
	v48 =	vor.u32 s2, v15;
	v29 =	vor.u32 v13, v49;
	v1 =	vand.u32 $0x3800, v1  }
0x39e: {  	v47 =	vor.u32 v42, v25;
	[tilespmem:v59+s22+$0x0] =	vst.idx.msk $0xffff, v58;
	v58 =	vld.idx.msk [tilespmem:v62+s13+$0x0], $0xffff;
	v1 =	vor.u32 v1, v29  }
0x39f: {  	v57 =	vshll.u32 v48, $0x8;
	v60 =	vor.u32 s8, v8  }
0x3a0: {  	v59 =	vld.idx.msk [tilespmem:v45+s13+$0x0], $0xffff;
	v7 =	vor.u32 v7, v29;
	v62 =	vand.u32 $0x2800, v57;
	v57 =	vor.u32 v60, v50  }
0x3a1: {  	[tilespmem:v3+s22+$0x0] =	vst.idx.msk $0xffff, v43;
	v3 =	vshll.u32 v42, $0x8  }
0x3a2: {  	[tilespmem:v44+s22+$0x0] =	vst.idx.msk $0xffff, v40;
	v3 =	vand.u32 $0x3800, v3  }
0x3a3: {  	v43 =	vor.u32 s29, v21;
	v40 =	vld.idx.msk [tilespmem:v47+s13+$0x0], $0xffff;
	v3 =	vor.u32 v3, v30;
	[tilespmem:v1+s22+$0x0] =	vst.idx.msk $0xffff, v58;
	v1 =	vshll.u32 v60, $0x8  }
0x3a4: {  	v41 =	vld.idx.msk [tilespmem:v41+s13+$0x0], $0xffff;
	v44 =	vor.u32 v43, v25;
	v30 =	vor.u32 v16, v49;
	v1 =	vand.u32 $0x3800, v1  }
0x3a5: {  	[tilespmem:v7+s22+$0x0] =	vst.idx.msk $0xffff, v59;
	v57 =	vld.idx.msk [tilespmem:v57+s13+$0x0], $0xffff;
	v1 =	vor.u32 v1, v30  }
0x3a6: {  	v7 =	vor.u32 s2, v18;
	v58 =	vld.idx.msk [tilespmem:v61+s13+$0x0], $0xffff;
	v5 =	vor.u32 v5, v30  }
0x3a7: {  	v47 =	vor.u32 v7, v50;
	v7 =	vshll.u32 v7, $0x8  }
0x3a8: {  	v7 =	vand.u32 $0x2800, v7;
	[tilespmem:v3+s22+$0x0] =	vst.idx.msk $0xffff, v40  }
0x3a9: {  	[tilespmem:v39+s22+$0x0] =	vst.idx.msk $0xffff, v41;
	v3 =	vshll.u32 v43, $0x8;
	v43 =	vor.u32 v7, v28;
	v7 =	vld.idx.msk [tilespmem:v44+s13+$0x0], $0xffff  }
0x3aa: {  	[tilespmem:v1+s22+$0x0] =	vst.idx.msk $0xffff, v57;
	v57 =	vld.idx.msk [tilespmem:v35+s13+$0x0], $0xffff  }
0x3ab: {  	v52 =	vor.u32 s2, v12;
	v59 =	vor.u32 s8, v10;
	[tilespmem:v5+s22+$0x0] =	vst.idx.msk $0xffff, v58;
	v5 =	vld [tilespmem:$0x1FFB0]  }
0x3ac: {  	v53 =	vor.u32 v52, v50;
	v54 =	vshll.u32 v52, $0x8;
	v60 =	vor.u32 v59, v50  }
0x3ad: {  	v45 =	vor.u32 v62, v26;
	v62 =	vor.u32 s2, v17;
	v3 =	vand.u32 $0x3800, v3  }
0x3ae: {  	v46 =	vor.u32 v62, v50;
	v62 =	vshll.u32 v62, $0x8;
	v3 =	vor.u32 v3, v31  }
0x3af: {  	v61 =	vor.u32 s2, v19;
	v39 =	vor.u32 s29, v22;
	v1 =	vshll.u32 v59, $0x8  }
0x3b0: {  	v59 =	vor.u32 v39, v25;
	v1 =	vand.u32 $0x3800, v1;
	v31 =	vor.u32 v5, v49  }
0x3b1: {  	v42 =	vand.u32 $0x2800, v62;
	v62 =	vshll.u32 v61, $0x8;
	v58 =	vld.idx.msk [tilespmem:v60+s13+$0x0], $0xffff;
	v1 =	vor.u32 v1, v31  }
0x3b2: {  	v40 =	vor.u32 v61, v50;
	v60 =	vor.u32 s8, v12;
	v5 =	vor.u32 s2, v20  }
0x3b3: {  	[tilespmem:v3+s22+$0x0] =	vst.idx.msk $0xffff, v7;
	v3 =	vshll.u32 v39, $0x8;
	v41 =	vor.u32 v5, v50;
	v5 =	vshll.u32 v5, $0x8  }
0x3b4: {  	v55 =	vld.idx.msk [tilespmem:v55+s13+$0x0], $0xffff;
	v61 =	vor.u32 v60, v50;
	v3 =	vand.u32 $0x3800, v3;
	v5 =	vand.u32 $0x2800, v5  }
0x3b5: {  	v7 =	vld.idx.msk [tilespmem:v59+s13+$0x0], $0xffff;
	v56 =	vor.u32 v56, v31;
	v39 =	vor.u32 v5, v30;
	v5 =	vor.u32 s29, v23  }
0x3b6: {  	v52 =	vor.u32 s2, v14;
	v3 =	vor.u32 v3, v32;
	[tilespmem:v1+s22+$0x0] =	vst.idx.msk $0xffff, v58;
	v58 =	vor.u32 v5, v25;
	v25 =	vld [tilespmem:$0x1FFC0]  }
0x3b7: {  	v54 =	vand.u32 $0x2800, v54;
	v51 =	vor.u32 v52, v50  }
0x3b8: {  	v52 =	vshll.u32 v52, $0x8;
	v44 =	vand.u32 $0x2800, v62;
	v62 =	vor.u32 s2, v21  }
0x3b9: {  	v52 =	vand.u32 $0x2800, v52;
	v35 =	vor.u32 v62, v50;
	v62 =	vshll.u32 v62, $0x8;
	[tilespmem:v38+s22+$0x0] =	vst.idx.msk $0xffff, v57  }
0x3ba: {  	v48 =	vor.u32 v48, v50;
	v57 =	vld.idx.msk [tilespmem:v37+s13+$0x0], $0xffff;
	v37 =	vand.u32 $0x2800, v62;
	v1 =	vshll.u32 v60, $0x8;
	[tilespmem:v56+s22+$0x0] =	vst.idx.msk $0xffff, v55  }
0x3bb: {  	s29 =	smov.u32 s8;
	v55 =	vld.idx.msk [tilespmem:v61+s13+$0x0], $0xffff;
	v1 =	vand.u32 $0x3800, v1;
	[tilespmem:v3+s22+$0x0] =	vst.idx.msk $0xffff, v7;
	v3 =	vshll.u32 v5, $0x8;
	v32 =	vor.u32 v25, v49  }
0x3bc: {  	v59 =	vld.idx.msk [tilespmem:v53+s13+$0x0], $0xffff;
	v61 =	vor.u32 s29, v14;
	v3 =	vand.u32 $0x3800, v3;
	v25 =	vmovc v50;
	v1 =	vor.u32 v1, v32  }
0x3bd: {  	s30 =	sadd.s32 $0x2, s30;
	v60 =	vor.u32 v54, v32;
	v62 =	vor.u32 v61, v25;
	v54 =	vor.u32 v3, v36;
	v3 =	vld [tilespmem:$0x1FFD0]  }
0x3be: {  	p0 =	slt.u32 s30, $0x3E;
	v42 =	vor.u32 v42, v27;
	v44 =	vor.u32 v44, v29;
	v56 =	vor.u32 s2, v22  }
.Ltmp3:
0x3bf: {  	v38 =	vor.u32 v37, v31;
	v7 =	vor.u32 s2, v23;
	v50 =	vshll.u32 v56, $0x8;
	(pc) =	sbr.rel @p0 .LBB2_9-.Ltmp3, $4  }
0x3c0: {  	[tilespmem:v33+s22+$0x0] =	vst.idx.msk $0xffff, v57;
	v53 =	vld.idx.msk [tilespmem:v58+s13+$0x0], $0xffff;
	v58 =	vshll.u32 v7, $0x8;
	v37 =	vor.u32 v56, v25;
	v5 =	vand.u32 $0x2800, v50  }
0x3c1: {  	v56 =	vand.u32 $0x2800, v58;
	v33 =	vor.u32 v5, v32;
	[tilespmem:v1+s22+$0x0] =	vst.idx.msk $0xffff, v55;
	v1 =	vshll.u32 v61, $0x8;
	v55 =	vld.idx.msk [tilespmem:v34+s13+$0x0], $0xffff  }
0x3c2: {  	v58 =	vor.u32 s29, v15;
	[tilespmem:v60+s22+$0x0] =	vst.idx.msk $0xffff, v59;
	v36 =	vor.u32 v3, v49;
	v57 =	vld.idx.msk [tilespmem:v62+s13+$0x0], $0xffff;
	v1 =	vand.u32 $0x3800, v1  }
0x3c3: {  	s0 =	sadd.s32 $0x8, s0;
	s3 =	sadd.s32 $0x20, s3;
	v34 =	vor.u32 v7, v25;
	v49 =	vld.idx.msk [tilespmem:v51+s13+$0x0], $0xffff;
	v51 =	vor.u32 v52, v36;
	v52 =	vor.u32 v1, v36  }
0x3c4: {  	v1 =	vor.u32 v58, v25;
	_ =	sdelay $0x2  }
0x3c5: {  	v3 =	vshll.u32 v58, $0x8  }
0x3c6: {  	v3 =	vand.u32 $0x3800, v3;
	[tilespmem:v52+s22+$0x0] =	vst.idx.msk $0xffff, v57  }
0x3c7: {  	v5 =	vor.u32 s29, v17;
	v3 =	vor.u32 v3, v26;
	[tilespmem:v51+s22+$0x0] =	vst.idx.msk $0xffff, v49;
	v1 =	vld.idx.msk [tilespmem:v1+s13+$0x0], $0xffff  }
0x3c8: {  	v52 =	vor.u32 v5, v25;
	v7 =	vld.idx.msk [tilespmem:v48+s13+$0x0], $0xffff;
	_ =	sdelay $0x2  }
0x3c9: {  	v5 =	vshll.u32 v5, $0x8  }
0x3ca: {  	[tilespmem:v3+s22+$0x0] =	vst.idx.msk $0xffff, v1;
	v1 =	vand.u32 $0x3800, v5  }
0x3cb: {  	[tilespmem:v45+s22+$0x0] =	vst.idx.msk $0xffff, v7;
	v5 =	vor.u32 s29, v18;
	v3 =	vld.idx.msk [tilespmem:v52+s13+$0x0], $0xffff;
	v1 =	vor.u32 v1, v27  }
0x3cc: {  	v7 =	vld.idx.msk [tilespmem:v46+s13+$0x0], $0xffff;
	v57 =	vor.u32 v5, v25;
	_ =	sdelay $0x2  }
0x3cd: {  	v5 =	vshll.u32 v5, $0x8  }
0x3ce: {  	[tilespmem:v1+s22+$0x0] =	vst.idx.msk $0xffff, v3;
	v1 =	vand.u32 $0x3800, v5  }
0x3cf: {  	[tilespmem:v42+s22+$0x0] =	vst.idx.msk $0xffff, v7;
	v5 =	vor.u32 s29, v19;
	v3 =	vld.idx.msk [tilespmem:v57+s13+$0x0], $0xffff;
	v1 =	vor.u32 v1, v28  }
0x3d0: {  	v7 =	vld.idx.msk [tilespmem:v47+s13+$0x0], $0xffff;
	v58 =	vor.u32 v5, v25;
	_ =	sdelay $0x2  }
0x3d1: {  	v5 =	vshll.u32 v5, $0x8  }
0x3d2: {  	[tilespmem:v1+s22+$0x0] =	vst.idx.msk $0xffff, v3;
	v1 =	vand.u32 $0x3800, v5  }
0x3d3: {  	[tilespmem:v43+s22+$0x0] =	vst.idx.msk $0xffff, v7;
	v5 =	vor.u32 s29, v20;
	v3 =	vld.idx.msk [tilespmem:v58+s13+$0x0], $0xffff;
	v1 =	vor.u32 v1, v29  }
0x3d4: {  	v7 =	vld.idx.msk [tilespmem:v40+s13+$0x0], $0xffff;
	v59 =	vor.u32 v5, v25;
	_ =	sdelay $0x2  }
0x3d5: {  	v5 =	vshll.u32 v5, $0x8  }
0x3d6: {  	[tilespmem:v1+s22+$0x0] =	vst.idx.msk $0xffff, v3;
	v1 =	vand.u32 $0x3800, v5  }
0x3d7: {  	[tilespmem:v44+s22+$0x0] =	vst.idx.msk $0xffff, v7;
	v5 =	vor.u32 s29, v21;
	v3 =	vld.idx.msk [tilespmem:v59+s13+$0x0], $0xffff;
	v1 =	vor.u32 v1, v30  }
0x3d8: {  	v7 =	vld.idx.msk [tilespmem:v41+s13+$0x0], $0xffff;
	v60 =	vor.u32 v5, v25;
	_ =	sdelay $0x2  }
0x3d9: {  	v5 =	vshll.u32 v5, $0x8  }
0x3da: {  	[tilespmem:v1+s22+$0x0] =	vst.idx.msk $0xffff, v3;
	v1 =	vand.u32 $0x3800, v5  }
0x3db: {  	[tilespmem:v39+s22+$0x0] =	vst.idx.msk $0xffff, v7;
	v5 =	vor.u32 s29, v22;
	v3 =	vld.idx.msk [tilespmem:v60+s13+$0x0], $0xffff;
	v1 =	vor.u32 v1, v31  }
0x3dc: {  	v7 =	vld.idx.msk [tilespmem:v35+s13+$0x0], $0xffff;
	v61 =	vor.u32 v5, v25;
	_ =	sdelay $0x2  }
0x3dd: {  	v5 =	vshll.u32 v5, $0x8  }
0x3de: {  	[tilespmem:v1+s22+$0x0] =	vst.idx.msk $0xffff, v3;
	v1 =	vand.u32 $0x3800, v5  }
0x3df: {  	[tilespmem:v38+s22+$0x0] =	vst.idx.msk $0xffff, v7;
	v5 =	vor.u32 s29, v23;
	v3 =	vld.idx.msk [tilespmem:v61+s13+$0x0], $0xffff;
	v1 =	vor.u32 v1, v32  }
0x3e0: {  	v7 =	vld.idx.msk [tilespmem:v37+s13+$0x0], $0xffff;
	v62 =	vor.u32 v5, v25;
	_ =	sdelay $0x2  }
0x3e1: {  	v5 =	vshll.u32 v5, $0x8  }
0x3e2: {  	[tilespmem:v1+s22+$0x0] =	vst.idx.msk $0xffff, v3;
	v1 =	vand.u32 $0x3800, v5  }
0x3e3: {  	[tilespmem:v33+s22+$0x0] =	vst.idx.msk $0xffff, v7;
	v3 =	vld.idx.msk [tilespmem:v62+s13+$0x0], $0xffff;
	v1 =	vor.u32 v1, v36  }
0x3e4: {  	v5 =	vor.u32 v56, v36;
	v7 =	vld.idx.msk [tilespmem:v34+s13+$0x0], $0xffff;
	_ =	sdelay $0x1  }
0x3e5: {  	s26 =	sadd.s32 $0x1, s26;
	[tilespmem:v54+s22+$0x0] =	vst.idx.msk $0xffff, v53  }
0x3e6: {  	p0 =	sne.s32 s26, $0x64;
	[tilespmem:v24+s22+$0x0] =	vst.idx.msk $0xffff, v55  }
.Ltmp4:
0x3e7: {  	[tilespmem:v1+s22+$0x0] =	vst.idx.msk $0xffff, v3;
	(pc) =	sbr.rel @p0 .LBB2_2-.Ltmp4, $4  }
0x3e8: {  	s0 =	sor.u32 s7, s28;
	[tilespmem:v5+s22+$0x0] =	vst.idx.msk $0xffff, v7  }
0x3e9: {  	s0 =	sshrl.u32 s0, $0x3;
	v7 =	vmov v16;
	v16 =	vld [tilespmem:$0x1FFB0]  }
0x3ea: {  	s0 =	sadd.s32 s1, s0;
	v1 =	vmov v9;
	v9 =	vld [tilespmem:$0x1FFC0]  }
0x3eb: {  	v3 =	vmov v11;
	v5 =	vmov v13;
	[hbm4b:s0+s17] =	stream.strided.scatter [tilespmem:s22], [sflag:$0x4], $0x4000, s18, s17, $0x38;
	v11 =	vld [tilespmem:$0x1FFD0]  }
0x3ec: {  	_ =	swait.ge [sflag:s19], $0x4000  }
0x3ed: {  	[sflag:s19] =	ssyncset.done $0x0  }
0x3ee: {  	[sflag:s19] =	ssyncadd.s32 $0xFFFFC000  }
0x3ef: {  	_ =	swait.ge [sflag:s23], $0x4000  }
0x3f0: {  	s25 =	sadd.s32 $0x1, s25;
	s0 =	rddreg [dreg:$0x4]  }
0x3f1: {  	p0 =	sne.s32 s25, s0  }
.Ltmp5:
0x3f2: {  	_ = 	snop;
	(pc) =	sbr.rel @p0 .LBB2_1-.Ltmp5, $3  }
0x3f3: {  	_ =	sdelay $0x1  }
0x3f4: {  	[sflag:s23] =	ssyncset.done $0x0  }
0x3f5: {  	[sflag:s23] =	ssyncadd.s32 $0xFFFFC000  }
0x3f6: {  	_ =	sfence.sel $0x180000  }
0x3f7: {  	[bflag:$0x0] =	sbarrier.arrive $0xFFFF  }
0x3f8: {  	_ =	strace $0x90000047  }
0x3f9: {  	s0 =	stileid.u32;
	[bflag:$0x2] =	sbarrier.arrive $0xFFFF  }
0x3fa: {  	p0 =	sne.s32 s0, $0x0;
	s0 =	rddreg [dreg:$0x3]  }
0x3fb: {  	s0 =	sadd.s32 @!p0 $0x100000, s0  }
0x3fc: {  	[sflag:s0] =	ssyncadd.tile.s32 @!p0 $0x1;
	_ =	shalt  }
.Lfunc_end2:
_tile_overlayer_lowered:
.L_overlay_start_2:
0x3fd: {  	(tag) =	ssettag $0x2  }
0x3fe: {  	s0 =	rddreg [dreg:$0x0];
	s2 =	stileid.u32  }
0x3ff: {  	s1 =	rddreg [dreg:$0x1];
	p0 =	sne.s32 s2, $0x0  }
0x400: {  	s3 =	rddreg [dreg:$0x2];
	[bflag:$0x3] =	sbarrier.arrive $0xFFFF;
	s2 =	simm.s32 @!p0 $0x1C07  }
0x401: {  	[timem:s3], [sflag:s2] =	dma.local @!p0 [hbm:s0], s1  }
0x402: {  	s0 =	simm.s32 @!p0 $0x7  }
0x403: {  	_ =	swait.ge @!p0 [sflag:s0], s1  }
0x404: {  	s1 =	ssub.s32 @!p0 $0x0, s1;
	[sflag:s0] =	ssyncset.done @!p0 $0x0  }
0x405: {  	[sflag:s0] =	ssyncadd.s32 @!p0 s1  }
0x406: {  	[bflag:$0x3] =	sbarrier.arrive $0xFFFF  }
0x407: {  	_ =	shalt  }

</sc_bundles>
